<compile_context>
chip_gen: v7x
topology: tpu7x:2x2x1
jax: 0.10.2.dev20260603
libtpu: 0.0.44.dev20260713+nightly
codegen_flags: <defaults>
</compile_context>

<pallas_src>
import functools

import jax
import jax.numpy as jnp
from jax import lax
from jax.experimental import pallas as pl
from jax.experimental.pallas import tpu as pltpu
from jax.experimental.pallas import tpu_sc as plsc

N = 10000
E = 320000
DIN = 128
D = 256
H = 128
C = 100
NCLS = 10

NC = 2
NS = 16
NW = NC * NS
EPW = E // NW
K = 80
NCH = EPW // K
EPT = E // NS
NCHT = EPT // K
RPT = 640
RCH = 80

_mesh = plsc.VectorSubcoreMesh(
    core_axis_name="c", subcore_axis_name="s", num_cores=NC, num_subcores=NS)


@functools.partial(
    pl.kernel,
    out_type=jax.ShapeDtypeStruct((NC, N, H), jnp.float32),
    mesh=_mesh,
    scratch_types=[
        pltpu.VMEM_SHARED((N, H), jnp.float32),
        pltpu.VMEM((K,), jnp.int32),
        pltpu.VMEM((K, H), jnp.float32),
    ],
)
def _sc_degree(dst_hbm, deg_out, shared, idx_s, buf_v):
    c = lax.axis_index("c")
    s = lax.axis_index("s")
    wid = c * NS + s
    ncopies = jnp.where(s == NS - 1, 5, 8)

    def fill(val):
        v16 = jnp.full((16,), val, jnp.float32)

        def fbody(i, _):
            for q in range(H // 16):
                buf_v[i, pl.ds(q * 16, 16)] = v16
            return ()
        lax.fori_loop(0, K, fbody, (), unroll=2)

    fill(0.0)

    def zero_chunk(t, _):
        pltpu.sync_copy(buf_v, shared.at[pl.ds(s * RPT + t * RCH, RCH)])
        return ()
    lax.fori_loop(0, ncopies, zero_chunk, ())
    plsc.subcore_barrier()

    fill(1.0)

    def body(j, _):
        pltpu.sync_copy(dst_hbm.at[pl.ds(wid * EPW + j * K, K)], idx_s)
        pltpu.sync_copy(buf_v, shared.at[idx_s], add=True)
        return ()
    lax.fori_loop(0, NCH, body, ())
    plsc.subcore_barrier()

    def out_chunk(t, _):
        base = s * RPT + t * RCH
        pltpu.sync_copy(shared.at[pl.ds(base, RCH)], buf_v)
        pltpu.sync_copy(buf_v, deg_out.at[c, pl.ds(base, RCH)])
        return ()
    lax.fori_loop(0, ncopies, out_chunk, ())


G = 10
NGRP = NCHT // G


@functools.partial(
    pl.kernel,
    out_type=jax.ShapeDtypeStruct((NC, N, H), jnp.float32),
    mesh=_mesh,
    scratch_types=[
        pltpu.VMEM_SHARED((N, H), jnp.float32),
        pltpu.VMEM((EPT,), jnp.int32),
        pltpu.VMEM((G, K), jnp.int32),
        pltpu.VMEM((K, H), jnp.float32),
        pltpu.VMEM((K, H), jnp.float32),
        pltpu.SemaphoreType.DMA,
        pltpu.SemaphoreType.DMA,
        pltpu.SemaphoreType.DMA,
        pltpu.SemaphoreType.DMA,
    ],
)
def _sc_aggregate(table_hbm, src_hbm, dst_hbm, agg_out,
                  shared, srcb, dstb, rows0, rows1, g0, g1, s0, s1):
    rows = (rows0, rows1)
    gsem = (g0, g1)
    ssem = (s0, s1)
    zb_v = rows0
    c = lax.axis_index("c")
    s = lax.axis_index("s")
    ncopies = jnp.where(s == NS - 1, 5, 8)

    zero16 = jnp.zeros((16,), jnp.float32)

    def fill_zeros(i, _):
        for q in range(H // 16):
            zb_v[i, pl.ds(q * 16, 16)] = zero16
        return ()
    lax.fori_loop(0, RCH, fill_zeros, (), unroll=2)

    def zero_chunk(t, _):
        pltpu.sync_copy(zb_v, shared.at[pl.ds(s * RPT + t * RCH, RCH)])
        return ()
    lax.fori_loop(0, ncopies, zero_chunk, ())

    pltpu.sync_copy(src_hbm.at[c, s], srcb)
    plsc.subcore_barrier()

    def gath(j, b):
        return pltpu.make_async_copy(
            table_hbm.at[srcb.at[pl.ds(j * K, K)]], rows[b], gsem[b])

    def scat(jj, b):
        return pltpu.make_async_copy(rows[b], shared.at[dstb.at[jj]], ssem[b])

    for b in range(2):
        gath(b, b).start()

    def group_(g, _):
        pltpu.sync_copy(dst_hbm.at[s, g], dstb)

        def round_(r, _):
            for b in range(2):
                jj = r * 2 + b
                j = g * G + jj
                gath(j, b).wait()
                scat(jj, b).start(add=True)

                @pl.when(j < NCHT - 2)
                def _next():
                    scat(jj, b).wait()
                    gath(j + 2, b).start()
            return ()
        lax.fori_loop(0, G // 2, round_, ())
        return ()
    lax.fori_loop(0, NGRP, group_, ())
    for b in range(2):
        scat(G - 2 + b, b).wait()
    plsc.subcore_barrier()

    def out_chunk(t, _):
        base = s * RPT + t * RCH
        pltpu.sync_copy(shared.at[pl.ds(base, RCH)], zb_v)
        pltpu.sync_copy(zb_v, agg_out.at[c, pl.ds(base, RCH)])
        return ()
    lax.fori_loop(0, ncopies, out_chunk, ())


RB = 1000
NB = N // RB


def _norm_from_deg(deg_blk):
    d = deg_blk[0][:, 0:1] + deg_blk[1][:, 0:1]
    return lax.rsqrt(jnp.maximum(d, 1.0))


def _tc_embed_body(data_ref, we_ref, w1_ref, deg_ref, out_ref):
    x0 = jnp.dot(data_ref[...], we_ref[...], preferred_element_type=jnp.float32)
    hw = jnp.dot(x0, w1_ref[...], preferred_element_type=jnp.float32)
    hwn = hw * _norm_from_deg(deg_ref[...])
    out_ref[0] = hwn[:, :H]
    out_ref[1] = hwn[:, H:]


def _tc_layer2_body(agg_ref, deg_ref, w2_ref, out_ref):
    norm = _norm_from_deg(deg_ref[...])
    a = agg_ref[...]
    x1 = jnp.maximum(jnp.concatenate([a[0], a[1]], axis=1) * norm, 0.0)
    hw = jnp.dot(x1, w2_ref[...], preferred_element_type=jnp.float32)
    hwn = hw * norm
    out_ref[0] = hwn[:, :H]
    out_ref[1] = hwn[:, H:]


def _tc_readout_body(agg_ref, deg_ref, cent_ref, wout_ref, bout_ref,
                     out_ref, acc_ref):
    b = pl.program_id(0)

    @pl.when(b == 0)
    def _init():
        acc_ref[...] = jnp.zeros_like(acc_ref)

    norm = _norm_from_deg(deg_ref[...])
    a = agg_ref[...]
    x2 = jnp.maximum(jnp.concatenate([a[0], a[1]], axis=1) * norm, 0.0)
    cent = cent_ref[...]
    x2s = jnp.sum(x2 * x2, axis=1, keepdims=True)
    c2s = jnp.sum(cent * cent, axis=1)[None, :]
    prod = lax.dot_general(x2, cent, (((1,), (1,)), ((), ())),
                           preferred_element_type=jnp.float32)
    d2 = jnp.maximum(x2s + c2s - 2.0 * prod, 0.0)
    dist = jnp.sqrt(d2 + 1e-8)
    acc_ref[...] += jnp.sum(dist.reshape(RB // 8, 8, 128), axis=0)

    @pl.when(b == NB - 1)
    def _final():
        g = jnp.sum(acc_ref[...], axis=0, keepdims=True) * (1.0 / N)
        logits = jnp.dot(g, wout_ref[...],
                         preferred_element_type=jnp.float32)
        out_ref[...] = jnp.broadcast_to(logits, (8, 128)) + bout_ref[...]


def kernel(data, edge_index, W_embed, W_conv1, W_conv2, centroids, W_out, b_out):
    src = edge_index[0]
    dst = edge_index[1]
    src2 = jnp.concatenate([src, src + N]).reshape(NC, NS, EPT)
    dst3 = dst.reshape(NS, NGRP, G, K)

    cent_pad = jnp.zeros((128, D), jnp.float32).at[:C].set(centroids)
    wout_pad = jnp.zeros((128, 128), jnp.float32).at[:C, :NCLS].set(W_out)
    bout_pad = jnp.zeros((8, 128), jnp.float32).at[:, :NCLS].set(b_out[None, :])

    deg_p = _sc_degree(dst)

    deg_spec = pl.BlockSpec((NC, RB, H), lambda b: (0, b, 0))
    half_spec = pl.BlockSpec((NC, RB, H), lambda b: (0, b, 0))

    hwn1 = pl.pallas_call(
        _tc_embed_body,
        grid=(NB,),
        in_specs=[
            pl.BlockSpec((RB, DIN), lambda b: (b, 0)),
            pl.BlockSpec((DIN, D), lambda b: (0, 0)),
            pl.BlockSpec((D, D), lambda b: (0, 0)),
            deg_spec,
        ],
        out_specs=half_spec,
        out_shape=jax.ShapeDtypeStruct((NC, N, H), jnp.float32),
    )(data, W_embed, W_conv1, deg_p)

    agg1 = _sc_aggregate(hwn1.reshape(NC * N, H), src2, dst3)

    hwn2 = pl.pallas_call(
        _tc_layer2_body,
        grid=(NB,),
        in_specs=[
            half_spec,
            deg_spec,
            pl.BlockSpec((D, D), lambda b: (0, 0)),
        ],
        out_specs=half_spec,
        out_shape=jax.ShapeDtypeStruct((NC, N, H), jnp.float32),
    )(agg1, deg_p, W_conv2)

    agg2 = _sc_aggregate(hwn2.reshape(NC * N, H), src2, dst3)

    out_pad = pl.pallas_call(
        _tc_readout_body,
        grid=(NB,),
        in_specs=[
            half_spec,
            deg_spec,
            pl.BlockSpec((128, D), lambda b: (0, 0)),
            pl.BlockSpec((128, 128), lambda b: (0, 0)),
            pl.BlockSpec((8, 128), lambda b: (0, 0)),
        ],
        out_specs=pl.BlockSpec((8, 128), lambda b: (0, 0)),
        out_shape=jax.ShapeDtypeStruct((8, 128), jnp.float32),
        scratch_shapes=[pltpu.VMEM((8, 128), jnp.float32)],
    )(agg2, deg_p, cent_pad, wout_pad, bout_pad)

    return out_pad[0, :NCLS]

# --- scband reference (transcript-rebuilt; emitter-appended) ---
"""Pipeline reference for scband-graph-classification-83339545412066 (READ-ONLY COPY).

The authoritative reference and input builder live on the scoring server;
editing this copy changes nothing except your own understanding.
"""

import jax, jax.numpy as jnp
import numpy as np

N = 10000
E = 320000
DIN = 128
D = 256
C = 100
NCLS = 10


def setup_inputs(seed: int = 0) -> dict:
    key = jax.random.key(seed)
    ks = jax.random.split(key, 8)
    data = jax.random.normal(ks[0], (N, DIN), dtype=jnp.float32)
    edge_index = jax.random.randint(ks[1], (2, E), 0, N, dtype=jnp.int32)
    # learned parameters (xavier-ish scale)
    W_embed = jax.random.normal(ks[2], (DIN, D), dtype=jnp.float32) * (2.0 / (DIN + D)) ** 0.5
    W_conv1 = jax.random.normal(ks[3], (D, D), dtype=jnp.float32) * (1.0 / D) ** 0.5
    W_conv2 = jax.random.normal(ks[4], (D, D), dtype=jnp.float32) * (1.0 / D) ** 0.5
    centroids = jax.random.normal(ks[5], (C, D), dtype=jnp.float32) * 0.05
    W_out = jax.random.normal(ks[6], (C, NCLS), dtype=jnp.float32) * (2.0 / (C + NCLS)) ** 0.5
    b_out = jax.random.uniform(ks[7], (NCLS,), dtype=jnp.float32, minval=-1e-4, maxval=1e-4)
    return {"data": data, "edge_index": edge_index, "W_embed": W_embed,
            "W_conv1": W_conv1, "W_conv2": W_conv2, "centroids": centroids,
            "W_out": W_out, "b_out": b_out}


def reference(data, edge_index, W_embed, W_conv1, W_conv2, centroids, W_out, b_out):
    # Euclidean manifold => exp/log maps are identity; ManifoldConv = GraphConv + nonlinearity
    src = edge_index[0]
    dst = edge_index[1]
    n = data.shape[0]
    deg = jnp.zeros((n,), jnp.float32).at[dst].add(1.0)
    deg = jnp.maximum(deg, 1.0)
    norm = jax.lax.rsqrt(deg)

    def gcn(h, W):
        hw = h @ W
        msg = jnp.take(hw, src, axis=0) * norm[src][:, None]
        agg = jnp.zeros_like(hw).at[dst].add(msg)
        return agg * norm[:, None]

    # embedding
    x = data @ W_embed
    # two ManifoldConv layers (Euclidean: conv -> relu, dropout=0)
    x = jax.nn.relu(gcn(x, W_conv1))
    x = jax.nn.relu(gcn(x, W_conv2))
    # centroid distance: ||x_i - c_j|| per node, mean-pooled over nodes -> [C]
    x2 = jnp.sum(x * x, axis=1, keepdims=True)
    c2 = jnp.sum(centroids * centroids, axis=1)[None, :]
    d2 = jnp.maximum(x2 + c2 - 2.0 * (x @ centroids.T), 0.0)
    dist = jnp.sqrt(d2 + 1e-8)
    graph_dist = jnp.mean(dist, axis=0)
    # output linear
    return graph_dist @ W_out + b_out

if __name__ == "__main__":
    import jax
    _d = setup_inputs()
    print(jax.jit(kernel)(*tuple(_d.values())))

</pallas_src>

<mosaic_0001>
#map = affine_map<(d0, d1) -> (0, 0)>
#map1 = affine_map<(d0, d1) -> (0, 0, 0)>
#map2 = affine_map<(d0, d1) -> (0, 0, 0, 0)>
module attributes {stable_mosaic.version = 14 : i64} {
  func.func @_sc_aggregate(%arg0: i32, %arg1: i32, %arg2: memref<20000x128xf32, #tpu.memory_space<hbm>>, %arg3: memref<2x16x20000xi32, #tpu.memory_space<hbm>>, %arg4: memref<16x25x10x80xi32, #tpu.memory_space<hbm>>, %arg5: memref<2x10000x128xf32, #tpu.memory_space<hbm>>, %arg6: memref<10000x128xf32, #tpu.memory_space<vmem_shared>>, %arg7: memref<20000xi32, #tpu.memory_space<vmem>>, %arg8: memref<10x80xi32, #tpu.memory_space<vmem>>, %arg9: memref<80x128xf32, #tpu.memory_space<vmem>>, %arg10: memref<80x128xf32, #tpu.memory_space<vmem>>, %arg11: memref<!tpu.dma_semaphore, #tpu.memory_space<semaphore_mem>>, %arg12: memref<!tpu.dma_semaphore, #tpu.memory_space<semaphore_mem>>, %arg13: memref<!tpu.dma_semaphore, #tpu.memory_space<semaphore_mem>>, %arg14: memref<!tpu.dma_semaphore, #tpu.memory_space<semaphore_mem>>) attributes {dimension_semantics = [#tpu.dimension_semantics<core_parallel>, #tpu.dimension_semantics<subcore_parallel>], iteration_bounds = array<i64: 2, 16>, scalar_prefetch = 0 : i64, scratch_operands = 9 : i64, tpu.core_type = #tpu.core_type<sc_vector_subcore>, window_params = [{transform_indices = #map}, {transform_indices = #map1}, {transform_indices = #map2}, {transform_indices = #map1}]} {
    %eq3A = arith.constant 15 : i32
    %eq3A_0 = arith.cmpi eq, %arg1, %eq3A : i32
    %jit3A = arith.constant 5 : i32
    %jit3A_1 = arith.constant 8 : i32
    %select_n3A = arith.select %eq3A_0, %jit3A, %jit3A_1 : i32
    %broadcast_in_dim3A = arith.constant 0.000000e+00 : f32
    %broadcast_in_dim3A_2 = vector.broadcast %broadcast_in_dim3A : f32 to vector<16xf32>
    %scan3A = arith.constant 0 : i32
    %scan3A_3 = arith.constant 80 : i32
    %scan3A_4 = arith.addi %scan3A, %scan3A_3 : i32
    %scan3A_5 = arith.constant 2 : i32
    scf.for %scan3A_52 = %scan3A to %scan3A_4 step %scan3A_5  : i32 {
      %swap3A = arith.index_cast %scan3A_52 : i32 to index
      %swap3A_53 = arith.constant 0 : index
      %swap3A_54 = tpu.vector_load %arg9[%swap3A, %swap3A_53] {strides = array<i32>} : memref<80x128xf32, #tpu.memory_space<vmem>>, vector<1x16xf32>,
      %swap3A_55 = vector.shape_cast %swap3A_54 : vector<1x16xf32> to vector<16xf32>
      %swap3A_56 = vector.shape_cast %broadcast_in_dim3A_2 : vector<16xf32> to vector<1x16xf32>
      tpu.vector_store %arg9[%swap3A, %swap3A_53], %swap3A_56 {strides = array<i32>} : memref<80x128xf32, #tpu.memory_space<vmem>>, vector<1x16xf32>,
      %swap3A_57 = arith.index_cast %scan3A_52 : i32 to index
      %swap3A_58 = arith.constant 16 : index
      %swap3A_59 = tpu.vector_load %arg9[%swap3A_57, %swap3A_58] {strides = array<i32>} : memref<80x128xf32, #tpu.memory_space<vmem>>, vector<1x16xf32>,
      %swap3A_60 = vector.shape_cast %swap3A_59 : vector<1x16xf32> to vector<16xf32>
      %swap3A_61 = vector.shape_cast %broadcast_in_dim3A_2 : vector<16xf32> to vector<1x16xf32>
      tpu.vector_store %arg9[%swap3A_57, %swap3A_58], %swap3A_61 {strides = array<i32>} : memref<80x128xf32, #tpu.memory_space<vmem>>, vector<1x16xf32>,
      %swap3A_62 = arith.index_cast %scan3A_52 : i32 to index
      %swap3A_63 = arith.constant 32 : index
      %swap3A_64 = tpu.vector_load %arg9[%swap3A_62, %swap3A_63] {strides = array<i32>} : memref<80x128xf32, #tpu.memory_space<vmem>>, vector<1x16xf32>,
      %swap3A_65 = vector.shape_cast %swap3A_64 : vector<1x16xf32> to vector<16xf32>
      %swap3A_66 = vector.shape_cast %broadcast_in_dim3A_2 : vector<16xf32> to vector<1x16xf32>
      tpu.vector_store %arg9[%swap3A_62, %swap3A_63], %swap3A_66 {strides = array<i32>} : memref<80x128xf32, #tpu.memory_space<vmem>>, vector<1x16xf32>,
      %swap3A_67 = arith.index_cast %scan3A_52 : i32 to index
      %swap3A_68 = arith.constant 48 : index
      %swap3A_69 = tpu.vector_load %arg9[%swap3A_67, %swap3A_68] {strides = array<i32>} : memref<80x128xf32, #tpu.memory_space<vmem>>, vector<1x16xf32>,
      %swap3A_70 = vector.shape_cast %swap3A_69 : vector<1x16xf32> to vector<16xf32>
      %swap3A_71 = vector.shape_cast %broadcast_in_dim3A_2 : vector<16xf32> to vector<1x16xf32>
      tpu.vector_store %arg9[%swap3A_67, %swap3A_68], %swap3A_71 {strides = array<i32>} : memref<80x128xf32, #tpu.memory_space<vmem>>, vector<1x16xf32>,
      %swap3A_72 = arith.index_cast %scan3A_52 : i32 to index
      %swap3A_73 = arith.constant 64 : index
      %swap3A_74 = tpu.vector_load %arg9[%swap3A_72, %swap3A_73] {strides = array<i32>} : memref<80x128xf32, #tpu.memory_space<vmem>>, vector<1x16xf32>,
      %swap3A_75 = vector.shape_cast %swap3A_74 : vector<1x16xf32> to vector<16xf32>
      %swap3A_76 = vector.shape_cast %broadcast_in_dim3A_2 : vector<16xf32> to vector<1x16xf32>
      tpu.vector_store %arg9[%swap3A_72, %swap3A_73], %swap3A_76 {strides = array<i32>} : memref<80x128xf32, #tpu.memory_space<vmem>>, vector<1x16xf32>,
      %swap3A_77 = arith.index_cast %scan3A_52 : i32 to index
      %swap3A_78 = arith.constant 80 : index
      %swap3A_79 = tpu.vector_load %arg9[%swap3A_77, %swap3A_78] {strides = array<i32>} : memref<80x128xf32, #tpu.memory_space<vmem>>, vector<1x16xf32>,
      %swap3A_80 = vector.shape_cast %swap3A_79 : vector<1x16xf32> to vector<16xf32>
      %swap3A_81 = vector.shape_cast %broadcast_in_dim3A_2 : vector<16xf32> to vector<1x16xf32>
      tpu.vector_store %arg9[%swap3A_77, %swap3A_78], %swap3A_81 {strides = array<i32>} : memref<80x128xf32, #tpu.memory_space<vmem>>, vector<1x16xf32>,
      %swap3A_82 = arith.index_cast %scan3A_52 : i32 to index
      %swap3A_83 = arith.constant 96 : index
      %swap3A_84 = tpu.vector_load %arg9[%swap3A_82, %swap3A_83] {strides = array<i32>} : memref<80x128xf32, #tpu.memory_space<vmem>>, vector<1x16xf32>,
      %swap3A_85 = vector.shape_cast %swap3A_84 : vector<1x16xf32> to vector<16xf32>
      %swap3A_86 = vector.shape_cast %broadcast_in_dim3A_2 : vector<16xf32> to vector<1x16xf32>
      tpu.vector_store %arg9[%swap3A_82, %swap3A_83], %swap3A_86 {strides = array<i32>} : memref<80x128xf32, #tpu.memory_space<vmem>>, vector<1x16xf32>,
      %swap3A_87 = arith.index_cast %scan3A_52 : i32 to index
      %swap3A_88 = arith.constant 112 : index
      %swap3A_89 = tpu.vector_load %arg9[%swap3A_87, %swap3A_88] {strides = array<i32>} : memref<80x128xf32, #tpu.memory_space<vmem>>, vector<1x16xf32>,
      %swap3A_90 = vector.shape_cast %swap3A_89 : vector<1x16xf32> to vector<16xf32>
      %swap3A_91 = vector.shape_cast %broadcast_in_dim3A_2 : vector<16xf32> to vector<1x16xf32>
      tpu.vector_store %arg9[%swap3A_87, %swap3A_88], %swap3A_91 {strides = array<i32>} : memref<80x128xf32, #tpu.memory_space<vmem>>, vector<1x16xf32>,
      %scan3A_92 = arith.constant 1 : i32
      %scan3A_93 = arith.addi %scan3A_52, %scan3A_92 : i32
      %swap3A_94 = arith.index_cast %scan3A_93 : i32 to index
      %swap3A_95 = arith.constant 0 : index
      %swap3A_96 = tpu.vector_load %arg9[%swap3A_94, %swap3A_95] {strides = array<i32>} : memref<80x128xf32, #tpu.memory_space<vmem>>, vector<1x16xf32>,
      %swap3A_97 = vector.shape_cast %swap3A_96 : vector<1x16xf32> to vector<16xf32>
      %swap3A_98 = vector.shape_cast %broadcast_in_dim3A_2 : vector<16xf32> to vector<1x16xf32>
      tpu.vector_store %arg9[%swap3A_94, %swap3A_95], %swap3A_98 {strides = array<i32>} : memref<80x128xf32, #tpu.memory_space<vmem>>, vector<1x16xf32>,
      %swap3A_99 = arith.index_cast %scan3A_93 : i32 to index
      %swap3A_100 = arith.constant 16 : index
      %swap3A_101 = tpu.vector_load %arg9[%swap3A_99, %swap3A_100] {strides = array<i32>} : memref<80x128xf32, #tpu.memory_space<vmem>>, vector<1x16xf32>,
      %swap3A_102 = vector.shape_cast %swap3A_101 : vector<1x16xf32> to vector<16xf32>
      %swap3A_103 = vector.shape_cast %broadcast_in_dim3A_2 : vector<16xf32> to vector<1x16xf32>
      tpu.vector_store %arg9[%swap3A_99, %swap3A_100], %swap3A_103 {strides = array<i32>} : memref<80x128xf32, #tpu.memory_space<vmem>>, vector<1x16xf32>,
      %swap3A_104 = arith.index_cast %scan3A_93 : i32 to index
      %swap3A_105 = arith.constant 32 : index
      %swap3A_106 = tpu.vector_load %arg9[%swap3A_104, %swap3A_105] {strides = array<i32>} : memref<80x128xf32, #tpu.memory_space<vmem>>, vector<1x16xf32>,
      %swap3A_107 = vector.shape_cast %swap3A_106 : vector<1x16xf32> to vector<16xf32>
      %swap3A_108 = vector.shape_cast %broadcast_in_dim3A_2 : vector<16xf32> to vector<1x16xf32>
      tpu.vector_store %arg9[%swap3A_104, %swap3A_105], %swap3A_108 {strides = array<i32>} : memref<80x128xf32, #tpu.memory_space<vmem>>, vector<1x16xf32>,
      %swap3A_109 = arith.index_cast %scan3A_93 : i32 to index
      %swap3A_110 = arith.constant 48 : index
      %swap3A_111 = tpu.vector_load %arg9[%swap3A_109, %swap3A_110] {strides = array<i32>} : memref<80x128xf32, #tpu.memory_space<vmem>>, vector<1x16xf32>,
      %swap3A_112 = vector.shape_cast %swap3A_111 : vector<1x16xf32> to vector<16xf32>
      %swap3A_113 = vector.shape_cast %broadcast_in_dim3A_2 : vector<16xf32> to vector<1x16xf32>
      tpu.vector_store %arg9[%swap3A_109, %swap3A_110], %swap3A_113 {strides = array<i32>} : memref<80x128xf32, #tpu.memory_space<vmem>>, vector<1x16xf32>,
      %swap3A_114 = arith.index_cast %scan3A_93 : i32 to index
      %swap3A_115 = arith.constant 64 : index
      %swap3A_116 = tpu.vector_load %arg9[%swap3A_114, %swap3A_115] {strides = array<i32>} : memref<80x128xf32, #tpu.memory_space<vmem>>, vector<1x16xf32>,
      %swap3A_117 = vector.shape_cast %swap3A_116 : vector<1x16xf32> to vector<16xf32>
      %swap3A_118 = vector.shape_cast %broadcast_in_dim3A_2 : vector<16xf32> to vector<1x16xf32>
      tpu.vector_store %arg9[%swap3A_114, %swap3A_115], %swap3A_118 {strides = array<i32>} : memref<80x128xf32, #tpu.memory_space<vmem>>, vector<1x16xf32>,
      %swap3A_119 = arith.index_cast %scan3A_93 : i32 to index
      %swap3A_120 = arith.constant 80 : index
      %swap3A_121 = tpu.vector_load %arg9[%swap3A_119, %swap3A_120] {strides = array<i32>} : memref<80x128xf32, #tpu.memory_space<vmem>>, vector<1x16xf32>,
      %swap3A_122 = vector.shape_cast %swap3A_121 : vector<1x16xf32> to vector<16xf32>
      %swap3A_123 = vector.shape_cast %broadcast_in_dim3A_2 : vector<16xf32> to vector<1x16xf32>
      tpu.vector_store %arg9[%swap3A_119, %swap3A_120], %swap3A_123 {strides = array<i32>} : memref<80x128xf32, #tpu.memory_space<vmem>>, vector<1x16xf32>,
      %swap3A_124 = arith.index_cast %scan3A_93 : i32 to index
      %swap3A_125 = arith.constant 96 : index
      %swap3A_126 = tpu.vector_load %arg9[%swap3A_124, %swap3A_125] {strides = array<i32>} : memref<80x128xf32, #tpu.memory_space<vmem>>, vector<1x16xf32>,
      %swap3A_127 = vector.shape_cast %swap3A_126 : vector<1x16xf32> to vector<16xf32>
      %swap3A_128 = vector.shape_cast %broadcast_in_dim3A_2 : vector<16xf32> to vector<1x16xf32>
      tpu.vector_store %arg9[%swap3A_124, %swap3A_125], %swap3A_128 {strides = array<i32>} : memref<80x128xf32, #tpu.memory_space<vmem>>, vector<1x16xf32>,
      %swap3A_129 = arith.index_cast %scan3A_93 : i32 to index
      %swap3A_130 = arith.constant 112 : index
      %swap3A_131 = tpu.vector_load %arg9[%swap3A_129, %swap3A_130] {strides = array<i32>} : memref<80x128xf32, #tpu.memory_space<vmem>>, vector<1x16xf32>,
      %swap3A_132 = vector.shape_cast %swap3A_131 : vector<1x16xf32> to vector<16xf32>
      %swap3A_133 = vector.shape_cast %broadcast_in_dim3A_2 : vector<16xf32> to vector<1x16xf32>
      tpu.vector_store %arg9[%swap3A_129, %swap3A_130], %swap3A_133 {strides = array<i32>} : memref<80x128xf32, #tpu.memory_space<vmem>>, vector<1x16xf32>,
    }
    %scan3A_6 = arith.constant 80 : i32
    %while3A = arith.constant 0 : i32
    %while3A_7 = arith.subi %select_n3A, %while3A : i32
    %while3A_8 = arith.addi %while3A, %while3A_7 : i32
    %while3A_9 = arith.constant 1 : i32
    %while3A_10 = arith.divsi %while3A_7, %while3A_9 : i32
    %while3A_11 = arith.muli %while3A_10, %while3A_9 : i32
    %while3A_12 = arith.addi %while3A, %while3A_11 : i32
    %while3A_13 = arith.constant 1 : i32
    scf.for %while3A_52 = %while3A to %while3A_12 step %while3A_13  : i32 {
      %mul3A = arith.constant 640 : i32
      %mul3A_53 = arith.muli %arg1, %mul3A : i32
      %mul3A_54 = arith.constant 80 : i32
      %mul3A_55 = arith.muli %while3A_52, %mul3A_54 : i32
      %add3A = arith.addi %mul3A_53, %mul3A_55 : i32
      "tpu.region"() ({
        %run_scoped3A = tpu.sem_alloc : memref<!tpu.dma_semaphore, #tpu.memory_space<semaphore_mem>>
        %dma_start3A_56 = arith.constant 0 : i32
        %dma_start3A_57 = tpu.memref_slice %arg6[%add3A, %dma_start3A_56] : memref<10000x128xf32, #tpu.memory_space<vmem_shared>> -> memref<80x128xf32, #tpu.memory_space<vmem_shared>>
        %dma_start3A_58 = arith.constant 0 : i32
        %dma_start3A_59 = tpu.memref_slice %arg6[%add3A, %dma_start3A_58] : memref<10000x128xf32, #tpu.memory_space<vmem_shared>> -> memref<80x128xf32, #tpu.memory_space<vmem_shared>>
        tpu.enqueue_dma source(%arg9 : memref<80x128xf32, #tpu.memory_space<vmem>>) target(%dma_start3A_59 : memref<80x128xf32, #tpu.memory_space<vmem_shared>>) target_semaphore(%run_scoped3A : memref<!tpu.dma_semaphore, #tpu.memory_space<semaphore_mem>>)
        %dma_wait3A_60 = arith.constant 0 : i32
        %dma_wait3A_61 = tpu.memref_slice %arg6[%add3A, %dma_wait3A_60] : memref<10000x128xf32, #tpu.memory_space<vmem_shared>> -> memref<80x128xf32, #tpu.memory_space<vmem_shared>>
        %dma_wait3A_62 = arith.constant 0 : i32
        %dma_wait3A_63 = tpu.memref_slice %arg6[%add3A, %dma_wait3A_62] : memref<10000x128xf32, #tpu.memory_space<vmem_shared>> -> memref<80x128xf32, #tpu.memory_space<vmem_shared>>
        tpu.wait_dma2 semaphore(%run_scoped3A : memref<!tpu.dma_semaphore, #tpu.memory_space<semaphore_mem>>) src(%arg9 : memref<80x128xf32, #tpu.memory_space<vmem>>) dst(%dma_wait3A_63 : memref<80x128xf32, #tpu.memory_space<vmem_shared>>)
        tpu.yield
      }) : () -> ()
    }
    %while3A_14 = arith.constant 1 : i32
    scf.for %while3A_52 = %while3A_12 to %while3A_8 step %while3A_14  : i32 {
      %mul3A = arith.constant 640 : i32
      %mul3A_53 = arith.muli %arg1, %mul3A : i32
      %mul3A_54 = arith.constant 80 : i32
      %mul3A_55 = arith.muli %while3A_52, %mul3A_54 : i32
      %add3A = arith.addi %mul3A_53, %mul3A_55 : i32
      "tpu.region"() ({
        %run_scoped3A = tpu.sem_alloc : memref<!tpu.dma_semaphore, #tpu.memory_space<semaphore_mem>>
        %dma_start3A_56 = arith.constant 0 : i32
        %dma_start3A_57 = tpu.memref_slice %arg6[%add3A, %dma_start3A_56] : memref<10000x128xf32, #tpu.memory_space<vmem_shared>> -> memref<80x128xf32, #tpu.memory_space<vmem_shared>>
        %dma_start3A_58 = arith.constant 0 : i32
        %dma_start3A_59 = tpu.memref_slice %arg6[%add3A, %dma_start3A_58] : memref<10000x128xf32, #tpu.memory_space<vmem_shared>> -> memref<80x128xf32, #tpu.memory_space<vmem_shared>>
        tpu.enqueue_dma source(%arg9 : memref<80x128xf32, #tpu.memory_space<vmem>>) target(%dma_start3A_59 : memref<80x128xf32, #tpu.memory_space<vmem_shared>>) target_semaphore(%run_scoped3A : memref<!tpu.dma_semaphore, #tpu.memory_space<semaphore_mem>>)
        %dma_wait3A_60 = arith.constant 0 : i32
        %dma_wait3A_61 = tpu.memref_slice %arg6[%add3A, %dma_wait3A_60] : memref<10000x128xf32, #tpu.memory_space<vmem_shared>> -> memref<80x128xf32, #tpu.memory_space<vmem_shared>>
        %dma_wait3A_62 = arith.constant 0 : i32
        %dma_wait3A_63 = tpu.memref_slice %arg6[%add3A, %dma_wait3A_62] : memref<10000x128xf32, #tpu.memory_space<vmem_shared>> -> memref<80x128xf32, #tpu.memory_space<vmem_shared>>
        tpu.wait_dma2 semaphore(%run_scoped3A : memref<!tpu.dma_semaphore, #tpu.memory_space<semaphore_mem>>) src(%arg9 : memref<80x128xf32, #tpu.memory_space<vmem>>) dst(%dma_wait3A_63 : memref<80x128xf32, #tpu.memory_space<vmem_shared>>)
        tpu.yield
      }) : () -> ()
    }
    "tpu.region"() ({
      %run_scoped3A = tpu.sem_alloc : memref<!tpu.dma_semaphore, #tpu.memory_space<semaphore_mem>>
      %dma_start3A_52 = arith.constant 0 : i32
      %dma_start3A_53 = tpu.memref_slice %arg3[%arg0, %arg1, %dma_start3A_52] : memref<2x16x20000xi32, #tpu.memory_space<hbm>> -> memref<1x1x20000xi32, #tpu.memory_space<hbm>>
      %dma_start3A_54 = tpu.memref_squeeze %dma_start3A_53 : memref<1x1x20000xi32, #tpu.memory_space<hbm>> -> memref<20000xi32, #tpu.memory_space<hbm>>
      %dma_start3A_55 = arith.constant 0 : i32
      %dma_start3A_56 = tpu.memref_slice %arg3[%arg0, %arg1, %dma_start3A_55] : memref<2x16x20000xi32, #tpu.memory_space<hbm>> -> memref<1x1x20000xi32, #tpu.memory_space<hbm>>
      %dma_start3A_57 = tpu.memref_squeeze %dma_start3A_56 : memref<1x1x20000xi32, #tpu.memory_space<hbm>> -> memref<20000xi32, #tpu.memory_space<hbm>>
      tpu.enqueue_dma source(%dma_start3A_57 : memref<20000xi32, #tpu.memory_space<hbm>>) target(%arg7 : memref<20000xi32, #tpu.memory_space<vmem>>) target_semaphore(%run_scoped3A : memref<!tpu.dma_semaphore, #tpu.memory_space<semaphore_mem>>)
      %dma_wait3A_58 = arith.constant 0 : i32
      %dma_wait3A_59 = tpu.memref_slice %arg3[%arg0, %arg1, %dma_wait3A_58] : memref<2x16x20000xi32, #tpu.memory_space<hbm>> -> memref<1x1x20000xi32, #tpu.memory_space<hbm>>
      %dma_wait3A_60 = tpu.memref_squeeze %dma_wait3A_59 : memref<1x1x20000xi32, #tpu.memory_space<hbm>> -> memref<20000xi32, #tpu.memory_space<hbm>>
      %dma_wait3A_61 = arith.constant 0 : i32
      %dma_wait3A_62 = tpu.memref_slice %arg3[%arg0, %arg1, %dma_wait3A_61] : memref<2x16x20000xi32, #tpu.memory_space<hbm>> -> memref<1x1x20000xi32, #tpu.memory_space<hbm>>
      %dma_wait3A_63 = tpu.memref_squeeze %dma_wait3A_62 : memref<1x1x20000xi32, #tpu.memory_space<hbm>> -> memref<20000xi32, #tpu.memory_space<hbm>>
      tpu.wait_dma2 semaphore(%run_scoped3A : memref<!tpu.dma_semaphore, #tpu.memory_space<semaphore_mem>>) src(%dma_wait3A_63 : memref<20000xi32, #tpu.memory_space<hbm>>) dst(%arg7 : memref<20000xi32, #tpu.memory_space<vmem>>)
      tpu.yield
    }) : () -> ()
    %barrier3A = arith.constant 0 : index
    tpu.barrier barrier_id(%barrier3A)
    %dma_start3A = arith.constant 0 : i32
    %dma_start3A_15 = tpu.memref_slice %arg7[%dma_start3A] : memref<20000xi32, #tpu.memory_space<vmem>> -> memref<80xi32, #tpu.memory_space<vmem>>
    %dma_start3A_16 = arith.constant 0 : i32
    %dma_start3A_17 = arith.constant 0 : i32
    %dma_start3A_18 = tpu.memref_slice %arg2[%dma_start3A_16, %dma_start3A_17] : memref<20000x128xf32, #tpu.memory_space<hbm>> -> memref<20000x128xf32, #tpu.memory_space<hbm>>
    tpu.enqueue_indirect_dma source(%dma_start3A_18 : memref<20000x128xf32, #tpu.memory_space<hbm>>) target(%arg9 : memref<80x128xf32, #tpu.memory_space<vmem>>) offsets(%dma_start3A_15 : memref<80xi32, #tpu.memory_space<vmem>>) semaphore(%arg11 : memref<!tpu.dma_semaphore, #tpu.memory_space<semaphore_mem>>)
    %dma_start3A_19 = arith.constant 80 : i32
    %dma_start3A_20 = tpu.memref_slice %arg7[%dma_start3A_19] : memref<20000xi32, #tpu.memory_space<vmem>> -> memref<80xi32, #tpu.memory_space<vmem>>
    %dma_start3A_21 = arith.constant 0 : i32
    %dma_start3A_22 = arith.constant 0 : i32
    %dma_start3A_23 = tpu.memref_slice %arg2[%dma_start3A_21, %dma_start3A_22] : memref<20000x128xf32, #tpu.memory_space<hbm>> -> memref<20000x128xf32, #tpu.memory_space<hbm>>
    tpu.enqueue_indirect_dma source(%dma_start3A_23 : memref<20000x128xf32, #tpu.memory_space<hbm>>) target(%arg10 : memref<80x128xf32, #tpu.memory_space<vmem>>) offsets(%dma_start3A_20 : memref<80xi32, #tpu.memory_space<vmem>>) semaphore(%arg12 : memref<!tpu.dma_semaphore, #tpu.memory_space<semaphore_mem>>)
    %scan3A_24 = arith.constant 0 : i32
    %scan3A_25 = arith.constant 25 : i32
    %scan3A_26 = arith.addi %scan3A_24, %scan3A_25 : i32
    %scan3A_27 = arith.constant 1 : i32
    scf.for %scan3A_52 = %scan3A_24 to %scan3A_26 step %scan3A_27  : i32 {
      "tpu.region"() ({
        %run_scoped3A = tpu.sem_alloc : memref<!tpu.dma_semaphore, #tpu.memory_space<semaphore_mem>>
        %dma_start3A_58 = arith.constant 0 : i32
        %dma_start3A_59 = arith.constant 0 : i32
        %dma_start3A_60 = tpu.memref_slice %arg4[%arg1, %scan3A_52, %dma_start3A_58, %dma_start3A_59] : memref<16x25x10x80xi32, #tpu.memory_space<hbm>> -> memref<1x1x10x80xi32, #tpu.memory_space<hbm>>
        %dma_start3A_61 = tpu.memref_squeeze %dma_start3A_60 : memref<1x1x10x80xi32, #tpu.memory_space<hbm>> -> memref<10x80xi32, #tpu.memory_space<hbm>>
        %dma_start3A_62 = arith.constant 0 : i32
        %dma_start3A_63 = arith.constant 0 : i32
        %dma_start3A_64 = tpu.memref_slice %arg4[%arg1, %scan3A_52, %dma_start3A_62, %dma_start3A_63] : memref<16x25x10x80xi32, #tpu.memory_space<hbm>> -> memref<1x1x10x80xi32, #tpu.memory_space<hbm>>
        %dma_start3A_65 = tpu.memref_squeeze %dma_start3A_64 : memref<1x1x10x80xi32, #tpu.memory_space<hbm>> -> memref<10x80xi32, #tpu.memory_space<hbm>>
        tpu.enqueue_dma source(%dma_start3A_65 : memref<10x80xi32, #tpu.memory_space<hbm>>) target(%arg8 : memref<10x80xi32, #tpu.memory_space<vmem>>) target_semaphore(%run_scoped3A : memref<!tpu.dma_semaphore, #tpu.memory_space<semaphore_mem>>)
        %dma_wait3A_66 = arith.constant 0 : i32
        %dma_wait3A_67 = arith.constant 0 : i32
        %dma_wait3A_68 = tpu.memref_slice %arg4[%arg1, %scan3A_52, %dma_wait3A_66, %dma_wait3A_67] : memref<16x25x10x80xi32, #tpu.memory_space<hbm>> -> memref<1x1x10x80xi32, #tpu.memory_space<hbm>>
        %dma_wait3A_69 = tpu.memref_squeeze %dma_wait3A_68 : memref<1x1x10x80xi32, #tpu.memory_space<hbm>> -> memref<10x80xi32, #tpu.memory_space<hbm>>
        %dma_wait3A_70 = arith.constant 0 : i32
        %dma_wait3A_71 = arith.constant 0 : i32
        %dma_wait3A_72 = tpu.memref_slice %arg4[%arg1, %scan3A_52, %dma_wait3A_70, %dma_wait3A_71] : memref<16x25x10x80xi32, #tpu.memory_space<hbm>> -> memref<1x1x10x80xi32, #tpu.memory_space<hbm>>
        %dma_wait3A_73 = tpu.memref_squeeze %dma_wait3A_72 : memref<1x1x10x80xi32, #tpu.memory_space<hbm>> -> memref<10x80xi32, #tpu.memory_space<hbm>>
        tpu.wait_dma2 semaphore(%run_scoped3A : memref<!tpu.dma_semaphore, #tpu.memory_space<semaphore_mem>>) src(%dma_wait3A_73 : memref<10x80xi32, #tpu.memory_space<hbm>>) dst(%arg8 : memref<10x80xi32, #tpu.memory_space<vmem>>)
        tpu.yield
      }) : () -> ()
      %scan3A_53 = arith.constant 0 : i32
      %scan3A_54 = arith.constant 5 : i32
      %scan3A_55 = arith.addi %scan3A_53, %scan3A_54 : i32
      %scan3A_56 = arith.constant 1 : i32
      scf.for %scan3A_58 = %scan3A_53 to %scan3A_55 step %scan3A_56  : i32 {
        %mul3A = arith.constant 2 : i32
        %mul3A_59 = arith.muli %scan3A_58, %mul3A : i32
        %add3A = arith.constant 0 : i32
        %add3A_60 = arith.addi %mul3A_59, %add3A : i32
        %mul3A_61 = arith.constant 10 : i32
        %mul3A_62 = arith.muli %scan3A_52, %mul3A_61 : i32
        %add3A_63 = arith.addi %mul3A_62, %add3A_60 : i32
        %mul3A_64 = arith.constant 80 : i32
        %mul3A_65 = arith.muli %add3A_63, %mul3A_64 : i32
        %dma_wait3A_66 = tpu.memref_slice %arg7[%mul3A_65] : memref<20000xi32, #tpu.memory_space<vmem>> -> memref<80xi32, #tpu.memory_space<vmem>>
        %dma_wait3A_67 = arith.constant 0 : i32
        %dma_wait3A_68 = arith.constant 0 : i32
        %dma_wait3A_69 = tpu.memref_slice %arg2[%dma_wait3A_67, %dma_wait3A_68] : memref<20000x128xf32, #tpu.memory_space<hbm>> -> memref<20000x128xf32, #tpu.memory_space<hbm>>
        tpu.wait_indirect_dma semaphore(%arg11 : memref<!tpu.dma_semaphore, #tpu.memory_space<semaphore_mem>>) src(%dma_wait3A_69 : memref<20000x128xf32, #tpu.memory_space<hbm>>) dst(%arg9 : memref<80x128xf32, #tpu.memory_space<vmem>>)
        %dma_start3A_70 = arith.constant 0 : i32
        %dma_start3A_71 = tpu.memref_slice %arg8[%add3A_60, %dma_start3A_70] : memref<10x80xi32, #tpu.memory_space<vmem>> -> memref<1x80xi32, #tpu.memory_space<vmem>>
        %dma_start3A_72 = tpu.memref_squeeze %dma_start3A_71 : memref<1x80xi32, #tpu.memory_space<vmem>> -> memref<80xi32, #tpu.memory_space<vmem>>
        %dma_start3A_73 = arith.constant 0 : i32
        %dma_start3A_74 = arith.constant 0 : i32
        %dma_start3A_75 = tpu.memref_slice %arg6[%dma_start3A_73, %dma_start3A_74] : memref<10000x128xf32, #tpu.memory_space<vmem_shared>> -> memref<10000x128xf32, #tpu.memory_space<vmem_shared>>
        tpu.enqueue_indirect_dma source(%arg9 : memref<80x128xf32, #tpu.memory_space<vmem>>) target(%dma_start3A_75 : memref<10000x128xf32, #tpu.memory_space<vmem_shared>>) offsets(%dma_start3A_72 : memref<80xi32, #tpu.memory_space<vmem>>) semaphore(%arg13 : memref<!tpu.dma_semaphore, #tpu.memory_space<semaphore_mem>>) {add = true}
        %lt3A = arith.constant 248 : i32
        %lt3A_76 = arith.cmpi slt, %add3A_63, %lt3A : i32
        %convert_element_type3A = arith.extui %lt3A_76 : i1 to i32
        %cond3A = arith.constant 0 : i32
        %cond3A_77 = arith.cmpi ne, %convert_element_type3A, %cond3A : i32
        scf.if %cond3A_77 {
          %dma_wait3A_102 = arith.constant 0 : i32
          %dma_wait3A_103 = tpu.memref_slice %arg8[%add3A_60, %dma_wait3A_102] : memref<10x80xi32, #tpu.memory_space<vmem>> -> memref<1x80xi32, #tpu.memory_space<vmem>>
          %dma_wait3A_104 = tpu.memref_squeeze %dma_wait3A_103 : memref<1x80xi32, #tpu.memory_space<vmem>> -> memref<80xi32, #tpu.memory_space<vmem>>
          %dma_wait3A_105 = arith.constant 0 : i32
          %dma_wait3A_106 = arith.constant 0 : i32
          %dma_wait3A_107 = tpu.memref_slice %arg6[%dma_wait3A_105, %dma_wait3A_106] : memref<10000x128xf32, #tpu.memory_space<vmem_shared>> -> memref<10000x128xf32, #tpu.memory_space<vmem_shared>>
          tpu.wait_indirect_dma semaphore(%arg13 : memref<!tpu.dma_semaphore, #tpu.memory_space<semaphore_mem>>) src(%arg9 : memref<80x128xf32, #tpu.memory_space<vmem>>) dst(%dma_wait3A_107 : memref<10000x128xf32, #tpu.memory_space<vmem_shared>>)
          %add3A_108 = arith.constant 2 : i32
          %add3A_109 = arith.addi %add3A_63, %add3A_108 : i32
          %mul3A_110 = arith.constant 80 : i32
          %mul3A_111 = arith.muli %add3A_109, %mul3A_110 : i32
          %dma_start3A_112 = tpu.memref_slice %arg7[%mul3A_111] : memref<20000xi32, #tpu.memory_space<vmem>> -> memref<80xi32, #tpu.memory_space<vmem>>
          %dma_start3A_113 = arith.constant 0 : i32
          %dma_start3A_114 = arith.constant 0 : i32
          %dma_start3A_115 = tpu.memref_slice %arg2[%dma_start3A_113, %dma_start3A_114] : memref<20000x128xf32, #tpu.memory_space<hbm>> -> memref<20000x128xf32, #tpu.memory_space<hbm>>
          tpu.enqueue_indirect_dma source(%dma_start3A_115 : memref<20000x128xf32, #tpu.memory_space<hbm>>) target(%arg9 : memref<80x128xf32, #tpu.memory_space<vmem>>) offsets(%dma_start3A_112 : memref<80xi32, #tpu.memory_space<vmem>>) semaphore(%arg11 : memref<!tpu.dma_semaphore, #tpu.memory_space<semaphore_mem>>)
        } else {
        }
        %mul3A_78 = arith.constant 2 : i32
        %mul3A_79 = arith.muli %scan3A_58, %mul3A_78 : i32
        %add3A_80 = arith.constant 1 : i32
        %add3A_81 = arith.addi %mul3A_79, %add3A_80 : i32
        %mul3A_82 = arith.constant 10 : i32
        %mul3A_83 = arith.muli %scan3A_52, %mul3A_82 : i32
        %add3A_84 = arith.addi %mul3A_83, %add3A_81 : i32
        %mul3A_85 = arith.constant 80 : i32
        %mul3A_86 = arith.muli %add3A_84, %mul3A_85 : i32
        %dma_wait3A_87 = tpu.memref_slice %arg7[%mul3A_86] : memref<20000xi32, #tpu.memory_space<vmem>> -> memref<80xi32, #tpu.memory_space<vmem>>
        %dma_wait3A_88 = arith.constant 0 : i32
        %dma_wait3A_89 = arith.constant 0 : i32
        %dma_wait3A_90 = tpu.memref_slice %arg2[%dma_wait3A_88, %dma_wait3A_89] : memref<20000x128xf32, #tpu.memory_space<hbm>> -> memref<20000x128xf32, #tpu.memory_space<hbm>>
        tpu.wait_indirect_dma semaphore(%arg12 : memref<!tpu.dma_semaphore, #tpu.memory_space<semaphore_mem>>) src(%dma_wait3A_90 : memref<20000x128xf32, #tpu.memory_space<hbm>>) dst(%arg10 : memref<80x128xf32, #tpu.memory_space<vmem>>)
        %dma_start3A_91 = arith.constant 0 : i32
        %dma_start3A_92 = tpu.memref_slice %arg8[%add3A_81, %dma_start3A_91] : memref<10x80xi32, #tpu.memory_space<vmem>> -> memref<1x80xi32, #tpu.memory_space<vmem>>
        %dma_start3A_93 = tpu.memref_squeeze %dma_start3A_92 : memref<1x80xi32, #tpu.memory_space<vmem>> -> memref<80xi32, #tpu.memory_space<vmem>>
        %dma_start3A_94 = arith.constant 0 : i32
        %dma_start3A_95 = arith.constant 0 : i32
        %dma_start3A_96 = tpu.memref_slice %arg6[%dma_start3A_94, %dma_start3A_95] : memref<10000x128xf32, #tpu.memory_space<vmem_shared>> -> memref<10000x128xf32, #tpu.memory_space<vmem_shared>>
        tpu.enqueue_indirect_dma source(%arg10 : memref<80x128xf32, #tpu.memory_space<vmem>>) target(%dma_start3A_96 : memref<10000x128xf32, #tpu.memory_space<vmem_shared>>) offsets(%dma_start3A_93 : memref<80xi32, #tpu.memory_space<vmem>>) semaphore(%arg14 : memref<!tpu.dma_semaphore, #tpu.memory_space<semaphore_mem>>) {add = true}
        %lt3A_97 = arith.constant 248 : i32
        %lt3A_98 = arith.cmpi slt, %add3A_84, %lt3A_97 : i32
        %convert_element_type3A_99 = arith.extui %lt3A_98 : i1 to i32
        %cond3A_100 = arith.constant 0 : i32
        %cond3A_101 = arith.cmpi ne, %convert_element_type3A_99, %cond3A_100 : i32
        scf.if %cond3A_101 {
          %dma_wait3A_102 = arith.constant 0 : i32
          %dma_wait3A_103 = tpu.memref_slice %arg8[%add3A_81, %dma_wait3A_102] : memref<10x80xi32, #tpu.memory_space<vmem>> -> memref<1x80xi32, #tpu.memory_space<vmem>>
          %dma_wait3A_104 = tpu.memref_squeeze %dma_wait3A_103 : memref<1x80xi32, #tpu.memory_space<vmem>> -> memref<80xi32, #tpu.memory_space<vmem>>
          %dma_wait3A_105 = arith.constant 0 : i32
          %dma_wait3A_106 = arith.constant 0 : i32
          %dma_wait3A_107 = tpu.memref_slice %arg6[%dma_wait3A_105, %dma_wait3A_106] : memref<10000x128xf32, #tpu.memory_space<vmem_shared>> -> memref<10000x128xf32, #tpu.memory_space<vmem_shared>>
          tpu.wait_indirect_dma semaphore(%arg14 : memref<!tpu.dma_semaphore, #tpu.memory_space<semaphore_mem>>) src(%arg10 : memref<80x128xf32, #tpu.memory_space<vmem>>) dst(%dma_wait3A_107 : memref<10000x128xf32, #tpu.memory_space<vmem_shared>>)
          %add3A_108 = arith.constant 2 : i32
          %add3A_109 = arith.addi %add3A_84, %add3A_108 : i32
          %mul3A_110 = arith.constant 80 : i32
          %mul3A_111 = arith.muli %add3A_109, %mul3A_110 : i32
          %dma_start3A_112 = tpu.memref_slice %arg7[%mul3A_111] : memref<20000xi32, #tpu.memory_space<vmem>> -> memref<80xi32, #tpu.memory_space<vmem>>
          %dma_start3A_113 = arith.constant 0 : i32
          %dma_start3A_114 = arith.constant 0 : i32
          %dma_start3A_115 = tpu.memref_slice %arg2[%dma_start3A_113, %dma_start3A_114] : memref<20000x128xf32, #tpu.memory_space<hbm>> -> memref<20000x128xf32, #tpu.memory_space<hbm>>
          tpu.enqueue_indirect_dma source(%dma_start3A_115 : memref<20000x128xf32, #tpu.memory_space<hbm>>) target(%arg10 : memref<80x128xf32, #tpu.memory_space<vmem>>) offsets(%dma_start3A_112 : memref<80xi32, #tpu.memory_space<vmem>>) semaphore(%arg12 : memref<!tpu.dma_semaphore, #tpu.memory_space<semaphore_mem>>)
        } else {
        }
      }
      %scan3A_57 = arith.constant 5 : i32
    }
    %scan3A_28 = arith.constant 25 : i32
    %dma_wait3A = arith.constant 8 : i32
    %dma_wait3A_29 = arith.constant 0 : i32
    %dma_wait3A_30 = tpu.memref_slice %arg8[%dma_wait3A, %dma_wait3A_29] : memref<10x80xi32, #tpu.memory_space<vmem>> -> memref<1x80xi32, #tpu.memory_space<vmem>>
    %dma_wait3A_31 = tpu.memref_squeeze %dma_wait3A_30 : memref<1x80xi32, #tpu.memory_space<vmem>> -> memref<80xi32, #tpu.memory_space<vmem>>
    %dma_wait3A_32 = arith.constant 0 : i32
    %dma_wait3A_33 = arith.constant 0 : i32
    %dma_wait3A_34 = tpu.memref_slice %arg6[%dma_wait3A_32, %dma_wait3A_33] : memref<10000x128xf32, #tpu.memory_space<vmem_shared>> -> memref<10000x128xf32, #tpu.memory_space<vmem_shared>>
    tpu.wait_indirect_dma semaphore(%arg13 : memref<!tpu.dma_semaphore, #tpu.memory_space<semaphore_mem>>) src(%arg9 : memref<80x128xf32, #tpu.memory_space<vmem>>) dst(%dma_wait3A_34 : memref<10000x128xf32, #tpu.memory_space<vmem_shared>>)
    %dma_wait3A_35 = arith.constant 9 : i32
    %dma_wait3A_36 = arith.constant 0 : i32
    %dma_wait3A_37 = tpu.memref_slice %arg8[%dma_wait3A_35, %dma_wait3A_36] : memref<10x80xi32, #tpu.memory_space<vmem>> -> memref<1x80xi32, #tpu.memory_space<vmem>>
    %dma_wait3A_38 = tpu.memref_squeeze %dma_wait3A_37 : memref<1x80xi32, #tpu.memory_space<vmem>> -> memref<80xi32, #tpu.memory_space<vmem>>
    %dma_wait3A_39 = arith.constant 0 : i32
    %dma_wait3A_40 = arith.constant 0 : i32
    %dma_wait3A_41 = tpu.memref_slice %arg6[%dma_wait3A_39, %dma_wait3A_40] : memref<10000x128xf32, #tpu.memory_space<vmem_shared>> -> memref<10000x128xf32, #tpu.memory_space<vmem_shared>>
    tpu.wait_indirect_dma semaphore(%arg14 : memref<!tpu.dma_semaphore, #tpu.memory_space<semaphore_mem>>) src(%arg10 : memref<80x128xf32, #tpu.memory_space<vmem>>) dst(%dma_wait3A_41 : memref<10000x128xf32, #tpu.memory_space<vmem_shared>>)
    %barrier3A_42 = arith.constant 0 : index
    tpu.barrier barrier_id(%barrier3A_42)
    %while3A_43 = arith.constant 0 : i32
    %while3A_44 = arith.subi %select_n3A, %while3A_43 : i32
    %while3A_45 = arith.addi %while3A_43, %while3A_44 : i32
    %while3A_46 = arith.constant 1 : i32
    %while3A_47 = arith.divsi %while3A_44, %while3A_46 : i32
    %while3A_48 = arith.muli %while3A_47, %while3A_46 : i32
    %while3A_49 = arith.addi %while3A_43, %while3A_48 : i32
    %while3A_50 = arith.constant 1 : i32
    scf.for %while3A_52 = %while3A_43 to %while3A_49 step %while3A_50  : i32 {
      %mul3A = arith.constant 640 : i32
      %mul3A_53 = arith.muli %arg1, %mul3A : i32
      %mul3A_54 = arith.constant 80 : i32
      %mul3A_55 = arith.muli %while3A_52, %mul3A_54 : i32
      %add3A = arith.addi %mul3A_53, %mul3A_55 : i32
      "tpu.region"() ({
        %run_scoped3A = tpu.sem_alloc : memref<!tpu.dma_semaphore, #tpu.memory_space<semaphore_mem>>
        %dma_start3A_56 = arith.constant 0 : i32
        %dma_start3A_57 = tpu.memref_slice %arg6[%add3A, %dma_start3A_56] : memref<10000x128xf32, #tpu.memory_space<vmem_shared>> -> memref<80x128xf32, #tpu.memory_space<vmem_shared>>
        %dma_start3A_58 = arith.constant 0 : i32
        %dma_start3A_59 = tpu.memref_slice %arg6[%add3A, %dma_start3A_58] : memref<10000x128xf32, #tpu.memory_space<vmem_shared>> -> memref<80x128xf32, #tpu.memory_space<vmem_shared>>
        tpu.enqueue_dma source(%dma_start3A_59 : memref<80x128xf32, #tpu.memory_space<vmem_shared>>) target(%arg9 : memref<80x128xf32, #tpu.memory_space<vmem>>) target_semaphore(%run_scoped3A : memref<!tpu.dma_semaphore, #tpu.memory_space<semaphore_mem>>)
        %dma_wait3A_60 = arith.constant 0 : i32
        %dma_wait3A_61 = tpu.memref_slice %arg6[%add3A, %dma_wait3A_60] : memref<10000x128xf32, #tpu.memory_space<vmem_shared>> -> memref<80x128xf32, #tpu.memory_space<vmem_shared>>
        %dma_wait3A_62 = arith.constant 0 : i32
        %dma_wait3A_63 = tpu.memref_slice %arg6[%add3A, %dma_wait3A_62] : memref<10000x128xf32, #tpu.memory_space<vmem_shared>> -> memref<80x128xf32, #tpu.memory_space<vmem_shared>>
        tpu.wait_dma2 semaphore(%run_scoped3A : memref<!tpu.dma_semaphore, #tpu.memory_space<semaphore_mem>>) src(%dma_wait3A_63 : memref<80x128xf32, #tpu.memory_space<vmem_shared>>) dst(%arg9 : memref<80x128xf32, #tpu.memory_space<vmem>>)
        tpu.yield
      }) : () -> ()
      "tpu.region"() ({
        %run_scoped3A = tpu.sem_alloc : memref<!tpu.dma_semaphore, #tpu.memory_space<semaphore_mem>>
        %dma_start3A_56 = arith.constant 0 : i32
        %dma_start3A_57 = tpu.memref_slice %arg5[%arg0, %add3A, %dma_start3A_56] : memref<2x10000x128xf32, #tpu.memory_space<hbm>> -> memref<1x80x128xf32, #tpu.memory_space<hbm>>
        %dma_start3A_58 = tpu.memref_squeeze %dma_start3A_57 : memref<1x80x128xf32, #tpu.memory_space<hbm>> -> memref<80x128xf32, #tpu.memory_space<hbm>>
        %dma_start3A_59 = arith.constant 0 : i32
        %dma_start3A_60 = tpu.memref_slice %arg5[%arg0, %add3A, %dma_start3A_59] : memref<2x10000x128xf32, #tpu.memory_space<hbm>> -> memref<1x80x128xf32, #tpu.memory_space<hbm>>
        %dma_start3A_61 = tpu.memref_squeeze %dma_start3A_60 : memref<1x80x128xf32, #tpu.memory_space<hbm>> -> memref<80x128xf32, #tpu.memory_space<hbm>>
        tpu.enqueue_dma source(%arg9 : memref<80x128xf32, #tpu.memory_space<vmem>>) target(%dma_start3A_61 : memref<80x128xf32, #tpu.memory_space<hbm>>) target_semaphore(%run_scoped3A : memref<!tpu.dma_semaphore, #tpu.memory_space<semaphore_mem>>)
        %dma_wait3A_62 = arith.constant 0 : i32
        %dma_wait3A_63 = tpu.memref_slice %arg5[%arg0, %add3A, %dma_wait3A_62] : memref<2x10000x128xf32, #tpu.memory_space<hbm>> -> memref<1x80x128xf32, #tpu.memory_space<hbm>>
        %dma_wait3A_64 = tpu.memref_squeeze %dma_wait3A_63 : memref<1x80x128xf32, #tpu.memory_space<hbm>> -> memref<80x128xf32, #tpu.memory_space<hbm>>
        %dma_wait3A_65 = arith.constant 0 : i32
        %dma_wait3A_66 = tpu.memref_slice %arg5[%arg0, %add3A, %dma_wait3A_65] : memref<2x10000x128xf32, #tpu.memory_space<hbm>> -> memref<1x80x128xf32, #tpu.memory_space<hbm>>
        %dma_wait3A_67 = tpu.memref_squeeze %dma_wait3A_66 : memref<1x80x128xf32, #tpu.memory_space<hbm>> -> memref<80x128xf32, #tpu.memory_space<hbm>>
        tpu.wait_dma2 semaphore(%run_scoped3A : memref<!tpu.dma_semaphore, #tpu.memory_space<semaphore_mem>>) src(%arg9 : memref<80x128xf32, #tpu.memory_space<vmem>>) dst(%dma_wait3A_67 : memref<80x128xf32, #tpu.memory_space<hbm>>)
        tpu.yield
      }) : () -> ()
    }
    %while3A_51 = arith.constant 1 : i32
    scf.for %while3A_52 = %while3A_49 to %while3A_45 step %while3A_51  : i32 {
      %mul3A = arith.constant 640 : i32
      %mul3A_53 = arith.muli %arg1, %mul3A : i32
      %mul3A_54 = arith.constant 80 : i32
      %mul3A_55 = arith.muli %while3A_52, %mul3A_54 : i32
      %add3A = arith.addi %mul3A_53, %mul3A_55 : i32
      "tpu.region"() ({
        %run_scoped3A = tpu.sem_alloc : memref<!tpu.dma_semaphore, #tpu.memory_space<semaphore_mem>>
        %dma_start3A_56 = arith.constant 0 : i32
        %dma_start3A_57 = tpu.memref_slice %arg6[%add3A, %dma_start3A_56] : memref<10000x128xf32, #tpu.memory_space<vmem_shared>> -> memref<80x128xf32, #tpu.memory_space<vmem_shared>>
        %dma_start3A_58 = arith.constant 0 : i32
        %dma_start3A_59 = tpu.memref_slice %arg6[%add3A, %dma_start3A_58] : memref<10000x128xf32, #tpu.memory_space<vmem_shared>> -> memref<80x128xf32, #tpu.memory_space<vmem_shared>>
        tpu.enqueue_dma source(%dma_start3A_59 : memref<80x128xf32, #tpu.memory_space<vmem_shared>>) target(%arg9 : memref<80x128xf32, #tpu.memory_space<vmem>>) target_semaphore(%run_scoped3A : memref<!tpu.dma_semaphore, #tpu.memory_space<semaphore_mem>>)
        %dma_wait3A_60 = arith.constant 0 : i32
        %dma_wait3A_61 = tpu.memref_slice %arg6[%add3A, %dma_wait3A_60] : memref<10000x128xf32, #tpu.memory_space<vmem_shared>> -> memref<80x128xf32, #tpu.memory_space<vmem_shared>>
        %dma_wait3A_62 = arith.constant 0 : i32
        %dma_wait3A_63 = tpu.memref_slice %arg6[%add3A, %dma_wait3A_62] : memref<10000x128xf32, #tpu.memory_space<vmem_shared>> -> memref<80x128xf32, #tpu.memory_space<vmem_shared>>
        tpu.wait_dma2 semaphore(%run_scoped3A : memref<!tpu.dma_semaphore, #tpu.memory_space<semaphore_mem>>) src(%dma_wait3A_63 : memref<80x128xf32, #tpu.memory_space<vmem_shared>>) dst(%arg9 : memref<80x128xf32, #tpu.memory_space<vmem>>)
        tpu.yield
      }) : () -> ()
      "tpu.region"() ({
        %run_scoped3A = tpu.sem_alloc : memref<!tpu.dma_semaphore, #tpu.memory_space<semaphore_mem>>
        %dma_start3A_56 = arith.constant 0 : i32
        %dma_start3A_57 = tpu.memref_slice %arg5[%arg0, %add3A, %dma_start3A_56] : memref<2x10000x128xf32, #tpu.memory_space<hbm>> -> memref<1x80x128xf32, #tpu.memory_space<hbm>>
        %dma_start3A_58 = tpu.memref_squeeze %dma_start3A_57 : memref<1x80x128xf32, #tpu.memory_space<hbm>> -> memref<80x128xf32, #tpu.memory_space<hbm>>
        %dma_start3A_59 = arith.constant 0 : i32
        %dma_start3A_60 = tpu.memref_slice %arg5[%arg0, %add3A, %dma_start3A_59] : memref<2x10000x128xf32, #tpu.memory_space<hbm>> -> memref<1x80x128xf32, #tpu.memory_space<hbm>>
        %dma_start3A_61 = tpu.memref_squeeze %dma_start3A_60 : memref<1x80x128xf32, #tpu.memory_space<hbm>> -> memref<80x128xf32, #tpu.memory_space<hbm>>
        tpu.enqueue_dma source(%arg9 : memref<80x128xf32, #tpu.memory_space<vmem>>) target(%dma_start3A_61 : memref<80x128xf32, #tpu.memory_space<hbm>>) target_semaphore(%run_scoped3A : memref<!tpu.dma_semaphore, #tpu.memory_space<semaphore_mem>>)
        %dma_wait3A_62 = arith.constant 0 : i32
        %dma_wait3A_63 = tpu.memref_slice %arg5[%arg0, %add3A, %dma_wait3A_62] : memref<2x10000x128xf32, #tpu.memory_space<hbm>> -> memref<1x80x128xf32, #tpu.memory_space<hbm>>
        %dma_wait3A_64 = tpu.memref_squeeze %dma_wait3A_63 : memref<1x80x128xf32, #tpu.memory_space<hbm>> -> memref<80x128xf32, #tpu.memory_space<hbm>>
        %dma_wait3A_65 = arith.constant 0 : i32
        %dma_wait3A_66 = tpu.memref_slice %arg5[%arg0, %add3A, %dma_wait3A_65] : memref<2x10000x128xf32, #tpu.memory_space<hbm>> -> memref<1x80x128xf32, #tpu.memory_space<hbm>>
        %dma_wait3A_67 = tpu.memref_squeeze %dma_wait3A_66 : memref<1x80x128xf32, #tpu.memory_space<hbm>> -> memref<80x128xf32, #tpu.memory_space<hbm>>
        tpu.wait_dma2 semaphore(%run_scoped3A : memref<!tpu.dma_semaphore, #tpu.memory_space<semaphore_mem>>) src(%arg9 : memref<80x128xf32, #tpu.memory_space<vmem>>) dst(%dma_wait3A_67 : memref<80x128xf32, #tpu.memory_space<hbm>>)
        tpu.yield
      }) : () -> ()
    }
    return
  }
}

#map = affine_map<(d0, d1) -> (0)>
#map1 = affine_map<(d0, d1) -> (0, 0, 0)>
module attributes {stable_mosaic.version = 14 : i64} {
  func.func @_sc_degree(%arg0: i32, %arg1: i32, %arg2: memref<320000xi32, #tpu.memory_space<hbm>>, %arg3: memref<2x10000x128xf32, #tpu.memory_space<hbm>>, %arg4: memref<10000x128xf32, #tpu.memory_space<vmem_shared>>, %arg5: memref<80xi32, #tpu.memory_space<vmem>>, %arg6: memref<80x128xf32, #tpu.memory_space<vmem>>) attributes {dimension_semantics = [#tpu.dimension_semantics<core_parallel>, #tpu.dimension_semantics<subcore_parallel>], iteration_bounds = array<i64: 2, 16>, scalar_prefetch = 0 : i64, scratch_operands = 3 : i64, tpu.core_type = #tpu.core_type<sc_vector_subcore>, window_params = [{transform_indices = #map}, {transform_indices = #map1}]} {
    %mul3A = arith.constant 16 : i32
    %mul3A_0 = arith.muli %arg0, %mul3A : i32
    %add3A = arith.addi %mul3A_0, %arg1 : i32
    %eq3A = arith.constant 15 : i32
    %eq3A_1 = arith.cmpi eq, %arg1, %eq3A : i32
    %jit3A = arith.constant 5 : i32
    %jit3A_2 = arith.constant 8 : i32
    %select_n3A = arith.select %eq3A_1, %jit3A, %jit3A_2 : i32
    %broadcast_in_dim3A = arith.constant 0.000000e+00 : f32
    %broadcast_in_dim3A_3 = vector.broadcast %broadcast_in_dim3A : f32 to vector<16xf32>
    %scan3A = arith.constant 0 : i32
    %scan3A_4 = arith.constant 80 : i32
    %scan3A_5 = arith.addi %scan3A, %scan3A_4 : i32
    %scan3A_6 = arith.constant 2 : i32
    scf.for %scan3A_38 = %scan3A to %scan3A_5 step %scan3A_6  : i32 {
      %swap3A = arith.index_cast %scan3A_38 : i32 to index
      %swap3A_39 = arith.constant 0 : index
      %swap3A_40 = tpu.vector_load %arg6[%swap3A, %swap3A_39] {strides = array<i32>} : memref<80x128xf32, #tpu.memory_space<vmem>>, vector<1x16xf32>,
      %swap3A_41 = vector.shape_cast %swap3A_40 : vector<1x16xf32> to vector<16xf32>
      %swap3A_42 = vector.shape_cast %broadcast_in_dim3A_3 : vector<16xf32> to vector<1x16xf32>
      tpu.vector_store %arg6[%swap3A, %swap3A_39], %swap3A_42 {strides = array<i32>} : memref<80x128xf32, #tpu.memory_space<vmem>>, vector<1x16xf32>,
      %swap3A_43 = arith.index_cast %scan3A_38 : i32 to index
      %swap3A_44 = arith.constant 16 : index
      %swap3A_45 = tpu.vector_load %arg6[%swap3A_43, %swap3A_44] {strides = array<i32>} : memref<80x128xf32, #tpu.memory_space<vmem>>, vector<1x16xf32>,
      %swap3A_46 = vector.shape_cast %swap3A_45 : vector<1x16xf32> to vector<16xf32>
      %swap3A_47 = vector.shape_cast %broadcast_in_dim3A_3 : vector<16xf32> to vector<1x16xf32>
      tpu.vector_store %arg6[%swap3A_43, %swap3A_44], %swap3A_47 {strides = array<i32>} : memref<80x128xf32, #tpu.memory_space<vmem>>, vector<1x16xf32>,
      %swap3A_48 = arith.index_cast %scan3A_38 : i32 to index
      %swap3A_49 = arith.constant 32 : index
      %swap3A_50 = tpu.vector_load %arg6[%swap3A_48, %swap3A_49] {strides = array<i32>} : memref<80x128xf32, #tpu.memory_space<vmem>>, vector<1x16xf32>,
      %swap3A_51 = vector.shape_cast %swap3A_50 : vector<1x16xf32> to vector<16xf32>
      %swap3A_52 = vector.shape_cast %broadcast_in_dim3A_3 : vector<16xf32> to vector<1x16xf32>
      tpu.vector_store %arg6[%swap3A_48, %swap3A_49], %swap3A_52 {strides = array<i32>} : memref<80x128xf32, #tpu.memory_space<vmem>>, vector<1x16xf32>,
      %swap3A_53 = arith.index_cast %scan3A_38 : i32 to index
      %swap3A_54 = arith.constant 48 : index
      %swap3A_55 = tpu.vector_load %arg6[%swap3A_53, %swap3A_54] {strides = array<i32>} : memref<80x128xf32, #tpu.memory_space<vmem>>, vector<1x16xf32>,
      %swap3A_56 = vector.shape_cast %swap3A_55 : vector<1x16xf32> to vector<16xf32>
      %swap3A_57 = vector.shape_cast %broadcast_in_dim3A_3 : vector<16xf32> to vector<1x16xf32>
      tpu.vector_store %arg6[%swap3A_53, %swap3A_54], %swap3A_57 {strides = array<i32>} : memref<80x128xf32, #tpu.memory_space<vmem>>, vector<1x16xf32>,
      %swap3A_58 = arith.index_cast %scan3A_38 : i32 to index
      %swap3A_59 = arith.constant 64 : index
      %swap3A_60 = tpu.vector_load %arg6[%swap3A_58, %swap3A_59] {strides = array<i32>} : memref<80x128xf32, #tpu.memory_space<vmem>>, vector<1x16xf32>,
      %swap3A_61 = vector.shape_cast %swap3A_60 : vector<1x16xf32> to vector<16xf32>
      %swap3A_62 = vector.shape_cast %broadcast_in_dim3A_3 : vector<16xf32> to vector<1x16xf32>
      tpu.vector_store %arg6[%swap3A_58, %swap3A_59], %swap3A_62 {strides = array<i32>} : memref<80x128xf32, #tpu.memory_space<vmem>>, vector<1x16xf32>,
      %swap3A_63 = arith.index_cast %scan3A_38 : i32 to index
      %swap3A_64 = arith.constant 80 : index
      %swap3A_65 = tpu.vector_load %arg6[%swap3A_63, %swap3A_64] {strides = array<i32>} : memref<80x128xf32, #tpu.memory_space<vmem>>, vector<1x16xf32>,
      %swap3A_66 = vector.shape_cast %swap3A_65 : vector<1x16xf32> to vector<16xf32>
      %swap3A_67 = vector.shape_cast %broadcast_in_dim3A_3 : vector<16xf32> to vector<1x16xf32>
      tpu.vector_store %arg6[%swap3A_63, %swap3A_64], %swap3A_67 {strides = array<i32>} : memref<80x128xf32, #tpu.memory_space<vmem>>, vector<1x16xf32>,
      %swap3A_68 = arith.index_cast %scan3A_38 : i32 to index
      %swap3A_69 = arith.constant 96 : index
      %swap3A_70 = tpu.vector_load %arg6[%swap3A_68, %swap3A_69] {strides = array<i32>} : memref<80x128xf32, #tpu.memory_space<vmem>>, vector<1x16xf32>,
      %swap3A_71 = vector.shape_cast %swap3A_70 : vector<1x16xf32> to vector<16xf32>
      %swap3A_72 = vector.shape_cast %broadcast_in_dim3A_3 : vector<16xf32> to vector<1x16xf32>
      tpu.vector_store %arg6[%swap3A_68, %swap3A_69], %swap3A_72 {strides = array<i32>} : memref<80x128xf32, #tpu.memory_space<vmem>>, vector<1x16xf32>,
      %swap3A_73 = arith.index_cast %scan3A_38 : i32 to index
      %swap3A_74 = arith.constant 112 : index
      %swap3A_75 = tpu.vector_load %arg6[%swap3A_73, %swap3A_74] {strides = array<i32>} : memref<80x128xf32, #tpu.memory_space<vmem>>, vector<1x16xf32>,
      %swap3A_76 = vector.shape_cast %swap3A_75 : vector<1x16xf32> to vector<16xf32>
      %swap3A_77 = vector.shape_cast %broadcast_in_dim3A_3 : vector<16xf32> to vector<1x16xf32>
      tpu.vector_store %arg6[%swap3A_73, %swap3A_74], %swap3A_77 {strides = array<i32>} : memref<80x128xf32, #tpu.memory_space<vmem>>, vector<1x16xf32>,
      %scan3A_78 = arith.constant 1 : i32
      %scan3A_79 = arith.addi %scan3A_38, %scan3A_78 : i32
      %swap3A_80 = arith.index_cast %scan3A_79 : i32 to index
      %swap3A_81 = arith.constant 0 : index
      %swap3A_82 = tpu.vector_load %arg6[%swap3A_80, %swap3A_81] {strides = array<i32>} : memref<80x128xf32, #tpu.memory_space<vmem>>, vector<1x16xf32>,
      %swap3A_83 = vector.shape_cast %swap3A_82 : vector<1x16xf32> to vector<16xf32>
      %swap3A_84 = vector.shape_cast %broadcast_in_dim3A_3 : vector<16xf32> to vector<1x16xf32>
      tpu.vector_store %arg6[%swap3A_80, %swap3A_81], %swap3A_84 {strides = array<i32>} : memref<80x128xf32, #tpu.memory_space<vmem>>, vector<1x16xf32>,
      %swap3A_85 = arith.index_cast %scan3A_79 : i32 to index
      %swap3A_86 = arith.constant 16 : index
      %swap3A_87 = tpu.vector_load %arg6[%swap3A_85, %swap3A_86] {strides = array<i32>} : memref<80x128xf32, #tpu.memory_space<vmem>>, vector<1x16xf32>,
      %swap3A_88 = vector.shape_cast %swap3A_87 : vector<1x16xf32> to vector<16xf32>
      %swap3A_89 = vector.shape_cast %broadcast_in_dim3A_3 : vector<16xf32> to vector<1x16xf32>
      tpu.vector_store %arg6[%swap3A_85, %swap3A_86], %swap3A_89 {strides = array<i32>} : memref<80x128xf32, #tpu.memory_space<vmem>>, vector<1x16xf32>,
      %swap3A_90 = arith.index_cast %scan3A_79 : i32 to index
      %swap3A_91 = arith.constant 32 : index
      %swap3A_92 = tpu.vector_load %arg6[%swap3A_90, %swap3A_91] {strides = array<i32>} : memref<80x128xf32, #tpu.memory_space<vmem>>, vector<1x16xf32>,
      %swap3A_93 = vector.shape_cast %swap3A_92 : vector<1x16xf32> to vector<16xf32>
      %swap3A_94 = vector.shape_cast %broadcast_in_dim3A_3 : vector<16xf32> to vector<1x16xf32>
      tpu.vector_store %arg6[%swap3A_90, %swap3A_91], %swap3A_94 {strides = array<i32>} : memref<80x128xf32, #tpu.memory_space<vmem>>, vector<1x16xf32>,
      %swap3A_95 = arith.index_cast %scan3A_79 : i32 to index
      %swap3A_96 = arith.constant 48 : index
      %swap3A_97 = tpu.vector_load %arg6[%swap3A_95, %swap3A_96] {strides = array<i32>} : memref<80x128xf32, #tpu.memory_space<vmem>>, vector<1x16xf32>,
      %swap3A_98 = vector.shape_cast %swap3A_97 : vector<1x16xf32> to vector<16xf32>
      %swap3A_99 = vector.shape_cast %broadcast_in_dim3A_3 : vector<16xf32> to vector<1x16xf32>
      tpu.vector_store %arg6[%swap3A_95, %swap3A_96], %swap3A_99 {strides = array<i32>} : memref<80x128xf32, #tpu.memory_space<vmem>>, vector<1x16xf32>,
      %swap3A_100 = arith.index_cast %scan3A_79 : i32 to index
      %swap3A_101 = arith.constant 64 : index
      %swap3A_102 = tpu.vector_load %arg6[%swap3A_100, %swap3A_101] {strides = array<i32>} : memref<80x128xf32, #tpu.memory_space<vmem>>, vector<1x16xf32>,
      %swap3A_103 = vector.shape_cast %swap3A_102 : vector<1x16xf32> to vector<16xf32>
      %swap3A_104 = vector.shape_cast %broadcast_in_dim3A_3 : vector<16xf32> to vector<1x16xf32>
      tpu.vector_store %arg6[%swap3A_100, %swap3A_101], %swap3A_104 {strides = array<i32>} : memref<80x128xf32, #tpu.memory_space<vmem>>, vector<1x16xf32>,
      %swap3A_105 = arith.index_cast %scan3A_79 : i32 to index
      %swap3A_106 = arith.constant 80 : index
      %swap3A_107 = tpu.vector_load %arg6[%swap3A_105, %swap3A_106] {strides = array<i32>} : memref<80x128xf32, #tpu.memory_space<vmem>>, vector<1x16xf32>,
      %swap3A_108 = vector.shape_cast %swap3A_107 : vector<1x16xf32> to vector<16xf32>
      %swap3A_109 = vector.shape_cast %broadcast_in_dim3A_3 : vector<16xf32> to vector<1x16xf32>
      tpu.vector_store %arg6[%swap3A_105, %swap3A_106], %swap3A_109 {strides = array<i32>} : memref<80x128xf32, #tpu.memory_space<vmem>>, vector<1x16xf32>,
      %swap3A_110 = arith.index_cast %scan3A_79 : i32 to index
      %swap3A_111 = arith.constant 96 : index
      %swap3A_112 = tpu.vector_load %arg6[%swap3A_110, %swap3A_111] {strides = array<i32>} : memref<80x128xf32, #tpu.memory_space<vmem>>, vector<1x16xf32>,
      %swap3A_113 = vector.shape_cast %swap3A_112 : vector<1x16xf32> to vector<16xf32>
      %swap3A_114 = vector.shape_cast %broadcast_in_dim3A_3 : vector<16xf32> to vector<1x16xf32>
      tpu.vector_store %arg6[%swap3A_110, %swap3A_111], %swap3A_114 {strides = array<i32>} : memref<80x128xf32, #tpu.memory_space<vmem>>, vector<1x16xf32>,
      %swap3A_115 = arith.index_cast %scan3A_79 : i32 to index
      %swap3A_116 = arith.constant 112 : index
      %swap3A_117 = tpu.vector_load %arg6[%swap3A_115, %swap3A_116] {strides = array<i32>} : memref<80x128xf32, #tpu.memory_space<vmem>>, vector<1x16xf32>,
      %swap3A_118 = vector.shape_cast %swap3A_117 : vector<1x16xf32> to vector<16xf32>
      %swap3A_119 = vector.shape_cast %broadcast_in_dim3A_3 : vector<16xf32> to vector<1x16xf32>
      tpu.vector_store %arg6[%swap3A_115, %swap3A_116], %swap3A_119 {strides = array<i32>} : memref<80x128xf32, #tpu.memory_space<vmem>>, vector<1x16xf32>,
    }
    %scan3A_7 = arith.constant 80 : i32
    %while3A = arith.constant 0 : i32
    %while3A_8 = arith.subi %select_n3A, %while3A : i32
    %while3A_9 = arith.addi %while3A, %while3A_8 : i32
    %while3A_10 = arith.constant 1 : i32
    %while3A_11 = arith.divsi %while3A_8, %while3A_10 : i32
    %while3A_12 = arith.muli %while3A_11, %while3A_10 : i32
    %while3A_13 = arith.addi %while3A, %while3A_12 : i32
    %while3A_14 = arith.constant 1 : i32
    scf.for %while3A_38 = %while3A to %while3A_13 step %while3A_14  : i32 {
      %mul3A_39 = arith.constant 640 : i32
      %mul3A_40 = arith.muli %arg1, %mul3A_39 : i32
      %mul3A_41 = arith.constant 80 : i32
      %mul3A_42 = arith.muli %while3A_38, %mul3A_41 : i32
      %add3A_43 = arith.addi %mul3A_40, %mul3A_42 : i32
      "tpu.region"() ({
        %run_scoped3A = tpu.sem_alloc : memref<!tpu.dma_semaphore, #tpu.memory_space<semaphore_mem>>
        %dma_start3A = arith.constant 0 : i32
        %dma_start3A_44 = tpu.memref_slice %arg4[%add3A_43, %dma_start3A] : memref<10000x128xf32, #tpu.memory_space<vmem_shared>> -> memref<80x128xf32, #tpu.memory_space<vmem_shared>>
        %dma_start3A_45 = arith.constant 0 : i32
        %dma_start3A_46 = tpu.memref_slice %arg4[%add3A_43, %dma_start3A_45] : memref<10000x128xf32, #tpu.memory_space<vmem_shared>> -> memref<80x128xf32, #tpu.memory_space<vmem_shared>>
        tpu.enqueue_dma source(%arg6 : memref<80x128xf32, #tpu.memory_space<vmem>>) target(%dma_start3A_46 : memref<80x128xf32, #tpu.memory_space<vmem_shared>>) target_semaphore(%run_scoped3A : memref<!tpu.dma_semaphore, #tpu.memory_space<semaphore_mem>>)
        %dma_wait3A = arith.constant 0 : i32
        %dma_wait3A_47 = tpu.memref_slice %arg4[%add3A_43, %dma_wait3A] : memref<10000x128xf32, #tpu.memory_space<vmem_shared>> -> memref<80x128xf32, #tpu.memory_space<vmem_shared>>
        %dma_wait3A_48 = arith.constant 0 : i32
        %dma_wait3A_49 = tpu.memref_slice %arg4[%add3A_43, %dma_wait3A_48] : memref<10000x128xf32, #tpu.memory_space<vmem_shared>> -> memref<80x128xf32, #tpu.memory_space<vmem_shared>>
        tpu.wait_dma2 semaphore(%run_scoped3A : memref<!tpu.dma_semaphore, #tpu.memory_space<semaphore_mem>>) src(%arg6 : memref<80x128xf32, #tpu.memory_space<vmem>>) dst(%dma_wait3A_49 : memref<80x128xf32, #tpu.memory_space<vmem_shared>>)
        tpu.yield
      }) : () -> ()
    }
    %while3A_15 = arith.constant 1 : i32
    scf.for %while3A_38 = %while3A_13 to %while3A_9 step %while3A_15  : i32 {
      %mul3A_39 = arith.constant 640 : i32
      %mul3A_40 = arith.muli %arg1, %mul3A_39 : i32
      %mul3A_41 = arith.constant 80 : i32
      %mul3A_42 = arith.muli %while3A_38, %mul3A_41 : i32
      %add3A_43 = arith.addi %mul3A_40, %mul3A_42 : i32
      "tpu.region"() ({
        %run_scoped3A = tpu.sem_alloc : memref<!tpu.dma_semaphore, #tpu.memory_space<semaphore_mem>>
        %dma_start3A = arith.constant 0 : i32
        %dma_start3A_44 = tpu.memref_slice %arg4[%add3A_43, %dma_start3A] : memref<10000x128xf32, #tpu.memory_space<vmem_shared>> -> memref<80x128xf32, #tpu.memory_space<vmem_shared>>
        %dma_start3A_45 = arith.constant 0 : i32
        %dma_start3A_46 = tpu.memref_slice %arg4[%add3A_43, %dma_start3A_45] : memref<10000x128xf32, #tpu.memory_space<vmem_shared>> -> memref<80x128xf32, #tpu.memory_space<vmem_shared>>
        tpu.enqueue_dma source(%arg6 : memref<80x128xf32, #tpu.memory_space<vmem>>) target(%dma_start3A_46 : memref<80x128xf32, #tpu.memory_space<vmem_shared>>) target_semaphore(%run_scoped3A : memref<!tpu.dma_semaphore, #tpu.memory_space<semaphore_mem>>)
        %dma_wait3A = arith.constant 0 : i32
        %dma_wait3A_47 = tpu.memref_slice %arg4[%add3A_43, %dma_wait3A] : memref<10000x128xf32, #tpu.memory_space<vmem_shared>> -> memref<80x128xf32, #tpu.memory_space<vmem_shared>>
        %dma_wait3A_48 = arith.constant 0 : i32
        %dma_wait3A_49 = tpu.memref_slice %arg4[%add3A_43, %dma_wait3A_48] : memref<10000x128xf32, #tpu.memory_space<vmem_shared>> -> memref<80x128xf32, #tpu.memory_space<vmem_shared>>
        tpu.wait_dma2 semaphore(%run_scoped3A : memref<!tpu.dma_semaphore, #tpu.memory_space<semaphore_mem>>) src(%arg6 : memref<80x128xf32, #tpu.memory_space<vmem>>) dst(%dma_wait3A_49 : memref<80x128xf32, #tpu.memory_space<vmem_shared>>)
        tpu.yield
      }) : () -> ()
    }
    %barrier3A = arith.constant 0 : index
    tpu.barrier barrier_id(%barrier3A)
    %broadcast_in_dim3A_16 = arith.constant 1.000000e+00 : f32
    %broadcast_in_dim3A_17 = vector.broadcast %broadcast_in_dim3A_16 : f32 to vector<16xf32>
    %scan3A_18 = arith.constant 0 : i32
    %scan3A_19 = arith.constant 80 : i32
    %scan3A_20 = arith.addi %scan3A_18, %scan3A_19 : i32
    %scan3A_21 = arith.constant 2 : i32
    scf.for %scan3A_38 = %scan3A_18 to %scan3A_20 step %scan3A_21  : i32 {
      %swap3A = arith.index_cast %scan3A_38 : i32 to index
      %swap3A_39 = arith.constant 0 : index
      %swap3A_40 = tpu.vector_load %arg6[%swap3A, %swap3A_39] {strides = array<i32>} : memref<80x128xf32, #tpu.memory_space<vmem>>, vector<1x16xf32>,
      %swap3A_41 = vector.shape_cast %swap3A_40 : vector<1x16xf32> to vector<16xf32>
      %swap3A_42 = vector.shape_cast %broadcast_in_dim3A_17 : vector<16xf32> to vector<1x16xf32>
      tpu.vector_store %arg6[%swap3A, %swap3A_39], %swap3A_42 {strides = array<i32>} : memref<80x128xf32, #tpu.memory_space<vmem>>, vector<1x16xf32>,
      %swap3A_43 = arith.index_cast %scan3A_38 : i32 to index
      %swap3A_44 = arith.constant 16 : index
      %swap3A_45 = tpu.vector_load %arg6[%swap3A_43, %swap3A_44] {strides = array<i32>} : memref<80x128xf32, #tpu.memory_space<vmem>>, vector<1x16xf32>,
      %swap3A_46 = vector.shape_cast %swap3A_45 : vector<1x16xf32> to vector<16xf32>
      %swap3A_47 = vector.shape_cast %broadcast_in_dim3A_17 : vector<16xf32> to vector<1x16xf32>
      tpu.vector_store %arg6[%swap3A_43, %swap3A_44], %swap3A_47 {strides = array<i32>} : memref<80x128xf32, #tpu.memory_space<vmem>>, vector<1x16xf32>,
      %swap3A_48 = arith.index_cast %scan3A_38 : i32 to index
      %swap3A_49 = arith.constant 32 : index
      %swap3A_50 = tpu.vector_load %arg6[%swap3A_48, %swap3A_49] {strides = array<i32>} : memref<80x128xf32, #tpu.memory_space<vmem>>, vector<1x16xf32>,
      %swap3A_51 = vector.shape_cast %swap3A_50 : vector<1x16xf32> to vector<16xf32>
      %swap3A_52 = vector.shape_cast %broadcast_in_dim3A_17 : vector<16xf32> to vector<1x16xf32>
      tpu.vector_store %arg6[%swap3A_48, %swap3A_49], %swap3A_52 {strides = array<i32>} : memref<80x128xf32, #tpu.memory_space<vmem>>, vector<1x16xf32>,
      %swap3A_53 = arith.index_cast %scan3A_38 : i32 to index
      %swap3A_54 = arith.constant 48 : index
      %swap3A_55 = tpu.vector_load %arg6[%swap3A_53, %swap3A_54] {strides = array<i32>} : memref<80x128xf32, #tpu.memory_space<vmem>>, vector<1x16xf32>,
      %swap3A_56 = vector.shape_cast %swap3A_55 : vector<1x16xf32> to vector<16xf32>
      %swap3A_57 = vector.shape_cast %broadcast_in_dim3A_17 : vector<16xf32> to vector<1x16xf32>
      tpu.vector_store %arg6[%swap3A_53, %swap3A_54], %swap3A_57 {strides = array<i32>} : memref<80x128xf32, #tpu.memory_space<vmem>>, vector<1x16xf32>,
      %swap3A_58 = arith.index_cast %scan3A_38 : i32 to index
      %swap3A_59 = arith.constant 64 : index
      %swap3A_60 = tpu.vector_load %arg6[%swap3A_58, %swap3A_59] {strides = array<i32>} : memref<80x128xf32, #tpu.memory_space<vmem>>, vector<1x16xf32>,
      %swap3A_61 = vector.shape_cast %swap3A_60 : vector<1x16xf32> to vector<16xf32>
      %swap3A_62 = vector.shape_cast %broadcast_in_dim3A_17 : vector<16xf32> to vector<1x16xf32>
      tpu.vector_store %arg6[%swap3A_58, %swap3A_59], %swap3A_62 {strides = array<i32>} : memref<80x128xf32, #tpu.memory_space<vmem>>, vector<1x16xf32>,
      %swap3A_63 = arith.index_cast %scan3A_38 : i32 to index
      %swap3A_64 = arith.constant 80 : index
      %swap3A_65 = tpu.vector_load %arg6[%swap3A_63, %swap3A_64] {strides = array<i32>} : memref<80x128xf32, #tpu.memory_space<vmem>>, vector<1x16xf32>,
      %swap3A_66 = vector.shape_cast %swap3A_65 : vector<1x16xf32> to vector<16xf32>
      %swap3A_67 = vector.shape_cast %broadcast_in_dim3A_17 : vector<16xf32> to vector<1x16xf32>
      tpu.vector_store %arg6[%swap3A_63, %swap3A_64], %swap3A_67 {strides = array<i32>} : memref<80x128xf32, #tpu.memory_space<vmem>>, vector<1x16xf32>,
      %swap3A_68 = arith.index_cast %scan3A_38 : i32 to index
      %swap3A_69 = arith.constant 96 : index
      %swap3A_70 = tpu.vector_load %arg6[%swap3A_68, %swap3A_69] {strides = array<i32>} : memref<80x128xf32, #tpu.memory_space<vmem>>, vector<1x16xf32>,
      %swap3A_71 = vector.shape_cast %swap3A_70 : vector<1x16xf32> to vector<16xf32>
      %swap3A_72 = vector.shape_cast %broadcast_in_dim3A_17 : vector<16xf32> to vector<1x16xf32>
      tpu.vector_store %arg6[%swap3A_68, %swap3A_69], %swap3A_72 {strides = array<i32>} : memref<80x128xf32, #tpu.memory_space<vmem>>, vector<1x16xf32>,
      %swap3A_73 = arith.index_cast %scan3A_38 : i32 to index
      %swap3A_74 = arith.constant 112 : index
      %swap3A_75 = tpu.vector_load %arg6[%swap3A_73, %swap3A_74] {strides = array<i32>} : memref<80x128xf32, #tpu.memory_space<vmem>>, vector<1x16xf32>,
      %swap3A_76 = vector.shape_cast %swap3A_75 : vector<1x16xf32> to vector<16xf32>
      %swap3A_77 = vector.shape_cast %broadcast_in_dim3A_17 : vector<16xf32> to vector<1x16xf32>
      tpu.vector_store %arg6[%swap3A_73, %swap3A_74], %swap3A_77 {strides = array<i32>} : memref<80x128xf32, #tpu.memory_space<vmem>>, vector<1x16xf32>,
      %scan3A_78 = arith.constant 1 : i32
      %scan3A_79 = arith.addi %scan3A_38, %scan3A_78 : i32
      %swap3A_80 = arith.index_cast %scan3A_79 : i32 to index
      %swap3A_81 = arith.constant 0 : index
      %swap3A_82 = tpu.vector_load %arg6[%swap3A_80, %swap3A_81] {strides = array<i32>} : memref<80x128xf32, #tpu.memory_space<vmem>>, vector<1x16xf32>,
      %swap3A_83 = vector.shape_cast %swap3A_82 : vector<1x16xf32> to vector<16xf32>
      %swap3A_84 = vector.shape_cast %broadcast_in_dim3A_17 : vector<16xf32> to vector<1x16xf32>
      tpu.vector_store %arg6[%swap3A_80, %swap3A_81], %swap3A_84 {strides = array<i32>} : memref<80x128xf32, #tpu.memory_space<vmem>>, vector<1x16xf32>,
      %swap3A_85 = arith.index_cast %scan3A_79 : i32 to index
      %swap3A_86 = arith.constant 16 : index
      %swap3A_87 = tpu.vector_load %arg6[%swap3A_85, %swap3A_86] {strides = array<i32>} : memref<80x128xf32, #tpu.memory_space<vmem>>, vector<1x16xf32>,
      %swap3A_88 = vector.shape_cast %swap3A_87 : vector<1x16xf32> to vector<16xf32>
      %swap3A_89 = vector.shape_cast %broadcast_in_dim3A_17 : vector<16xf32> to vector<1x16xf32>
      tpu.vector_store %arg6[%swap3A_85, %swap3A_86], %swap3A_89 {strides = array<i32>} : memref<80x128xf32, #tpu.memory_space<vmem>>, vector<1x16xf32>,
      %swap3A_90 = arith.index_cast %scan3A_79 : i32 to index
      %swap3A_91 = arith.constant 32 : index
      %swap3A_92 = tpu.vector_load %arg6[%swap3A_90, %swap3A_91] {strides = array<i32>} : memref<80x128xf32, #tpu.memory_space<vmem>>, vector<1x16xf32>,
      %swap3A_93 = vector.shape_cast %swap3A_92 : vector<1x16xf32> to vector<16xf32>
      %swap3A_94 = vector.shape_cast %broadcast_in_dim3A_17 : vector<16xf32> to vector<1x16xf32>
      tpu.vector_store %arg6[%swap3A_90, %swap3A_91], %swap3A_94 {strides = array<i32>} : memref<80x128xf32, #tpu.memory_space<vmem>>, vector<1x16xf32>,
      %swap3A_95 = arith.index_cast %scan3A_79 : i32 to index
      %swap3A_96 = arith.constant 48 : index
      %swap3A_97 = tpu.vector_load %arg6[%swap3A_95, %swap3A_96] {strides = array<i32>} : memref<80x128xf32, #tpu.memory_space<vmem>>, vector<1x16xf32>,
      %swap3A_98 = vector.shape_cast %swap3A_97 : vector<1x16xf32> to vector<16xf32>
      %swap3A_99 = vector.shape_cast %broadcast_in_dim3A_17 : vector<16xf32> to vector<1x16xf32>
      tpu.vector_store %arg6[%swap3A_95, %swap3A_96], %swap3A_99 {strides = array<i32>} : memref<80x128xf32, #tpu.memory_space<vmem>>, vector<1x16xf32>,
      %swap3A_100 = arith.index_cast %scan3A_79 : i32 to index
      %swap3A_101 = arith.constant 64 : index
      %swap3A_102 = tpu.vector_load %arg6[%swap3A_100, %swap3A_101] {strides = array<i32>} : memref<80x128xf32, #tpu.memory_space<vmem>>, vector<1x16xf32>,
      %swap3A_103 = vector.shape_cast %swap3A_102 : vector<1x16xf32> to vector<16xf32>
      %swap3A_104 = vector.shape_cast %broadcast_in_dim3A_17 : vector<16xf32> to vector<1x16xf32>
      tpu.vector_store %arg6[%swap3A_100, %swap3A_101], %swap3A_104 {strides = array<i32>} : memref<80x128xf32, #tpu.memory_space<vmem>>, vector<1x16xf32>,
      %swap3A_105 = arith.index_cast %scan3A_79 : i32 to index
      %swap3A_106 = arith.constant 80 : index
      %swap3A_107 = tpu.vector_load %arg6[%swap3A_105, %swap3A_106] {strides = array<i32>} : memref<80x128xf32, #tpu.memory_space<vmem>>, vector<1x16xf32>,
      %swap3A_108 = vector.shape_cast %swap3A_107 : vector<1x16xf32> to vector<16xf32>
      %swap3A_109 = vector.shape_cast %broadcast_in_dim3A_17 : vector<16xf32> to vector<1x16xf32>
      tpu.vector_store %arg6[%swap3A_105, %swap3A_106], %swap3A_109 {strides = array<i32>} : memref<80x128xf32, #tpu.memory_space<vmem>>, vector<1x16xf32>,
      %swap3A_110 = arith.index_cast %scan3A_79 : i32 to index
      %swap3A_111 = arith.constant 96 : index
      %swap3A_112 = tpu.vector_load %arg6[%swap3A_110, %swap3A_111] {strides = array<i32>} : memref<80x128xf32, #tpu.memory_space<vmem>>, vector<1x16xf32>,
      %swap3A_113 = vector.shape_cast %swap3A_112 : vector<1x16xf32> to vector<16xf32>
      %swap3A_114 = vector.shape_cast %broadcast_in_dim3A_17 : vector<16xf32> to vector<1x16xf32>
      tpu.vector_store %arg6[%swap3A_110, %swap3A_111], %swap3A_114 {strides = array<i32>} : memref<80x128xf32, #tpu.memory_space<vmem>>, vector<1x16xf32>,
      %swap3A_115 = arith.index_cast %scan3A_79 : i32 to index
      %swap3A_116 = arith.constant 112 : index
      %swap3A_117 = tpu.vector_load %arg6[%swap3A_115, %swap3A_116] {strides = array<i32>} : memref<80x128xf32, #tpu.memory_space<vmem>>, vector<1x16xf32>,
      %swap3A_118 = vector.shape_cast %swap3A_117 : vector<1x16xf32> to vector<16xf32>
      %swap3A_119 = vector.shape_cast %broadcast_in_dim3A_17 : vector<16xf32> to vector<1x16xf32>
      tpu.vector_store %arg6[%swap3A_115, %swap3A_116], %swap3A_119 {strides = array<i32>} : memref<80x128xf32, #tpu.memory_space<vmem>>, vector<1x16xf32>,
    }
    %scan3A_22 = arith.constant 80 : i32
    %scan3A_23 = arith.constant 0 : i32
    %scan3A_24 = arith.constant 125 : i32
    %scan3A_25 = arith.addi %scan3A_23, %scan3A_24 : i32
    %scan3A_26 = arith.constant 1 : i32
    scf.for %scan3A_38 = %scan3A_23 to %scan3A_25 step %scan3A_26  : i32 {
      %mul3A_39 = arith.constant 10000 : i32
      %mul3A_40 = arith.muli %add3A, %mul3A_39 : i32
      %mul3A_41 = arith.constant 80 : i32
      %mul3A_42 = arith.muli %scan3A_38, %mul3A_41 : i32
      %add3A_43 = arith.addi %mul3A_40, %mul3A_42 : i32
      "tpu.region"() ({
        %run_scoped3A = tpu.sem_alloc : memref<!tpu.dma_semaphore, #tpu.memory_space<semaphore_mem>>
        %dma_start3A = tpu.memref_slice %arg2[%add3A_43] : memref<320000xi32, #tpu.memory_space<hbm>> -> memref<80xi32, #tpu.memory_space<hbm>>
        %dma_start3A_44 = tpu.memref_slice %arg2[%add3A_43] : memref<320000xi32, #tpu.memory_space<hbm>> -> memref<80xi32, #tpu.memory_space<hbm>>
        tpu.enqueue_dma source(%dma_start3A_44 : memref<80xi32, #tpu.memory_space<hbm>>) target(%arg5 : memref<80xi32, #tpu.memory_space<vmem>>) target_semaphore(%run_scoped3A : memref<!tpu.dma_semaphore, #tpu.memory_space<semaphore_mem>>)
        %dma_wait3A = tpu.memref_slice %arg2[%add3A_43] : memref<320000xi32, #tpu.memory_space<hbm>> -> memref<80xi32, #tpu.memory_space<hbm>>
        %dma_wait3A_45 = tpu.memref_slice %arg2[%add3A_43] : memref<320000xi32, #tpu.memory_space<hbm>> -> memref<80xi32, #tpu.memory_space<hbm>>
        tpu.wait_dma2 semaphore(%run_scoped3A : memref<!tpu.dma_semaphore, #tpu.memory_space<semaphore_mem>>) src(%dma_wait3A_45 : memref<80xi32, #tpu.memory_space<hbm>>) dst(%arg5 : memref<80xi32, #tpu.memory_space<vmem>>)
        tpu.yield
      }) : () -> ()
      "tpu.region"() ({
        %run_scoped3A = tpu.sem_alloc : memref<!tpu.dma_semaphore, #tpu.memory_space<semaphore_mem>>
        %dma_start3A = arith.constant 0 : i32
        %dma_start3A_44 = arith.constant 0 : i32
        %dma_start3A_45 = tpu.memref_slice %arg4[%dma_start3A, %dma_start3A_44] : memref<10000x128xf32, #tpu.memory_space<vmem_shared>> -> memref<10000x128xf32, #tpu.memory_space<vmem_shared>>
        tpu.enqueue_indirect_dma source(%arg6 : memref<80x128xf32, #tpu.memory_space<vmem>>) target(%dma_start3A_45 : memref<10000x128xf32, #tpu.memory_space<vmem_shared>>) offsets(%arg5 : memref<80xi32, #tpu.memory_space<vmem>>) semaphore(%run_scoped3A : memref<!tpu.dma_semaphore, #tpu.memory_space<semaphore_mem>>) {add = true}
        %dma_wait3A = arith.constant 0 : i32
        %dma_wait3A_46 = arith.constant 0 : i32
        %dma_wait3A_47 = tpu.memref_slice %arg4[%dma_wait3A, %dma_wait3A_46] : memref<10000x128xf32, #tpu.memory_space<vmem_shared>> -> memref<10000x128xf32, #tpu.memory_space<vmem_shared>>
        tpu.wait_indirect_dma semaphore(%run_scoped3A : memref<!tpu.dma_semaphore, #tpu.memory_space<semaphore_mem>>) src(%arg6 : memref<80x128xf32, #tpu.memory_space<vmem>>) dst(%dma_wait3A_47 : memref<10000x128xf32, #tpu.memory_space<vmem_shared>>)
        tpu.yield
      }) : () -> ()
    }
    %scan3A_27 = arith.constant 125 : i32
    %barrier3A_28 = arith.constant 0 : index
    tpu.barrier barrier_id(%barrier3A_28)
    %while3A_29 = arith.constant 0 : i32
    %while3A_30 = arith.subi %select_n3A, %while3A_29 : i32
    %while3A_31 = arith.addi %while3A_29, %while3A_30 : i32
    %while3A_32 = arith.constant 1 : i32
    %while3A_33 = arith.divsi %while3A_30, %while3A_32 : i32
    %while3A_34 = arith.muli %while3A_33, %while3A_32 : i32
    %while3A_35 = arith.addi %while3A_29, %while3A_34 : i32
    %while3A_36 = arith.constant 1 : i32
    scf.for %while3A_38 = %while3A_29 to %while3A_35 step %while3A_36  : i32 {
      %mul3A_39 = arith.constant 640 : i32
      %mul3A_40 = arith.muli %arg1, %mul3A_39 : i32
      %mul3A_41 = arith.constant 80 : i32
      %mul3A_42 = arith.muli %while3A_38, %mul3A_41 : i32
      %add3A_43 = arith.addi %mul3A_40, %mul3A_42 : i32
      "tpu.region"() ({
        %run_scoped3A = tpu.sem_alloc : memref<!tpu.dma_semaphore, #tpu.memory_space<semaphore_mem>>
        %dma_start3A = arith.constant 0 : i32
        %dma_start3A_44 = tpu.memref_slice %arg4[%add3A_43, %dma_start3A] : memref<10000x128xf32, #tpu.memory_space<vmem_shared>> -> memref<80x128xf32, #tpu.memory_space<vmem_shared>>
        %dma_start3A_45 = arith.constant 0 : i32
        %dma_start3A_46 = tpu.memref_slice %arg4[%add3A_43, %dma_start3A_45] : memref<10000x128xf32, #tpu.memory_space<vmem_shared>> -> memref<80x128xf32, #tpu.memory_space<vmem_shared>>
        tpu.enqueue_dma source(%dma_start3A_46 : memref<80x128xf32, #tpu.memory_space<vmem_shared>>) target(%arg6 : memref<80x128xf32, #tpu.memory_space<vmem>>) target_semaphore(%run_scoped3A : memref<!tpu.dma_semaphore, #tpu.memory_space<semaphore_mem>>)
        %dma_wait3A = arith.constant 0 : i32
        %dma_wait3A_47 = tpu.memref_slice %arg4[%add3A_43, %dma_wait3A] : memref<10000x128xf32, #tpu.memory_space<vmem_shared>> -> memref<80x128xf32, #tpu.memory_space<vmem_shared>>
        %dma_wait3A_48 = arith.constant 0 : i32
        %dma_wait3A_49 = tpu.memref_slice %arg4[%add3A_43, %dma_wait3A_48] : memref<10000x128xf32, #tpu.memory_space<vmem_shared>> -> memref<80x128xf32, #tpu.memory_space<vmem_shared>>
        tpu.wait_dma2 semaphore(%run_scoped3A : memref<!tpu.dma_semaphore, #tpu.memory_space<semaphore_mem>>) src(%dma_wait3A_49 : memref<80x128xf32, #tpu.memory_space<vmem_shared>>) dst(%arg6 : memref<80x128xf32, #tpu.memory_space<vmem>>)
        tpu.yield
      }) : () -> ()
      "tpu.region"() ({
        %run_scoped3A = tpu.sem_alloc : memref<!tpu.dma_semaphore, #tpu.memory_space<semaphore_mem>>
        %dma_start3A = arith.constant 0 : i32
        %dma_start3A_44 = tpu.memref_slice %arg3[%arg0, %add3A_43, %dma_start3A] : memref<2x10000x128xf32, #tpu.memory_space<hbm>> -> memref<1x80x128xf32, #tpu.memory_space<hbm>>
        %dma_start3A_45 = tpu.memref_squeeze %dma_start3A_44 : memref<1x80x128xf32, #tpu.memory_space<hbm>> -> memref<80x128xf32, #tpu.memory_space<hbm>>
        %dma_start3A_46 = arith.constant 0 : i32
        %dma_start3A_47 = tpu.memref_slice %arg3[%arg0, %add3A_43, %dma_start3A_46] : memref<2x10000x128xf32, #tpu.memory_space<hbm>> -> memref<1x80x128xf32, #tpu.memory_space<hbm>>
        %dma_start3A_48 = tpu.memref_squeeze %dma_start3A_47 : memref<1x80x128xf32, #tpu.memory_space<hbm>> -> memref<80x128xf32, #tpu.memory_space<hbm>>
        tpu.enqueue_dma source(%arg6 : memref<80x128xf32, #tpu.memory_space<vmem>>) target(%dma_start3A_48 : memref<80x128xf32, #tpu.memory_space<hbm>>) target_semaphore(%run_scoped3A : memref<!tpu.dma_semaphore, #tpu.memory_space<semaphore_mem>>)
        %dma_wait3A = arith.constant 0 : i32
        %dma_wait3A_49 = tpu.memref_slice %arg3[%arg0, %add3A_43, %dma_wait3A] : memref<2x10000x128xf32, #tpu.memory_space<hbm>> -> memref<1x80x128xf32, #tpu.memory_space<hbm>>
        %dma_wait3A_50 = tpu.memref_squeeze %dma_wait3A_49 : memref<1x80x128xf32, #tpu.memory_space<hbm>> -> memref<80x128xf32, #tpu.memory_space<hbm>>
        %dma_wait3A_51 = arith.constant 0 : i32
        %dma_wait3A_52 = tpu.memref_slice %arg3[%arg0, %add3A_43, %dma_wait3A_51] : memref<2x10000x128xf32, #tpu.memory_space<hbm>> -> memref<1x80x128xf32, #tpu.memory_space<hbm>>
        %dma_wait3A_53 = tpu.memref_squeeze %dma_wait3A_52 : memref<1x80x128xf32, #tpu.memory_space<hbm>> -> memref<80x128xf32, #tpu.memory_space<hbm>>
        tpu.wait_dma2 semaphore(%run_scoped3A : memref<!tpu.dma_semaphore, #tpu.memory_space<semaphore_mem>>) src(%arg6 : memref<80x128xf32, #tpu.memory_space<vmem>>) dst(%dma_wait3A_53 : memref<80x128xf32, #tpu.memory_space<hbm>>)
        tpu.yield
      }) : () -> ()
    }
    %while3A_37 = arith.constant 1 : i32
    scf.for %while3A_38 = %while3A_35 to %while3A_31 step %while3A_37  : i32 {
      %mul3A_39 = arith.constant 640 : i32
      %mul3A_40 = arith.muli %arg1, %mul3A_39 : i32
      %mul3A_41 = arith.constant 80 : i32
      %mul3A_42 = arith.muli %while3A_38, %mul3A_41 : i32
      %add3A_43 = arith.addi %mul3A_40, %mul3A_42 : i32
      "tpu.region"() ({
        %run_scoped3A = tpu.sem_alloc : memref<!tpu.dma_semaphore, #tpu.memory_space<semaphore_mem>>
        %dma_start3A = arith.constant 0 : i32
        %dma_start3A_44 = tpu.memref_slice %arg4[%add3A_43, %dma_start3A] : memref<10000x128xf32, #tpu.memory_space<vmem_shared>> -> memref<80x128xf32, #tpu.memory_space<vmem_shared>>
        %dma_start3A_45 = arith.constant 0 : i32
        %dma_start3A_46 = tpu.memref_slice %arg4[%add3A_43, %dma_start3A_45] : memref<10000x128xf32, #tpu.memory_space<vmem_shared>> -> memref<80x128xf32, #tpu.memory_space<vmem_shared>>
        tpu.enqueue_dma source(%dma_start3A_46 : memref<80x128xf32, #tpu.memory_space<vmem_shared>>) target(%arg6 : memref<80x128xf32, #tpu.memory_space<vmem>>) target_semaphore(%run_scoped3A : memref<!tpu.dma_semaphore, #tpu.memory_space<semaphore_mem>>)
        %dma_wait3A = arith.constant 0 : i32
        %dma_wait3A_47 = tpu.memref_slice %arg4[%add3A_43, %dma_wait3A] : memref<10000x128xf32, #tpu.memory_space<vmem_shared>> -> memref<80x128xf32, #tpu.memory_space<vmem_shared>>
        %dma_wait3A_48 = arith.constant 0 : i32
        %dma_wait3A_49 = tpu.memref_slice %arg4[%add3A_43, %dma_wait3A_48] : memref<10000x128xf32, #tpu.memory_space<vmem_shared>> -> memref<80x128xf32, #tpu.memory_space<vmem_shared>>
        tpu.wait_dma2 semaphore(%run_scoped3A : memref<!tpu.dma_semaphore, #tpu.memory_space<semaphore_mem>>) src(%dma_wait3A_49 : memref<80x128xf32, #tpu.memory_space<vmem_shared>>) dst(%arg6 : memref<80x128xf32, #tpu.memory_space<vmem>>)
        tpu.yield
      }) : () -> ()
      "tpu.region"() ({
        %run_scoped3A = tpu.sem_alloc : memref<!tpu.dma_semaphore, #tpu.memory_space<semaphore_mem>>
        %dma_start3A = arith.constant 0 : i32
        %dma_start3A_44 = tpu.memref_slice %arg3[%arg0, %add3A_43, %dma_start3A] : memref<2x10000x128xf32, #tpu.memory_space<hbm>> -> memref<1x80x128xf32, #tpu.memory_space<hbm>>
        %dma_start3A_45 = tpu.memref_squeeze %dma_start3A_44 : memref<1x80x128xf32, #tpu.memory_space<hbm>> -> memref<80x128xf32, #tpu.memory_space<hbm>>
        %dma_start3A_46 = arith.constant 0 : i32
        %dma_start3A_47 = tpu.memref_slice %arg3[%arg0, %add3A_43, %dma_start3A_46] : memref<2x10000x128xf32, #tpu.memory_space<hbm>> -> memref<1x80x128xf32, #tpu.memory_space<hbm>>
        %dma_start3A_48 = tpu.memref_squeeze %dma_start3A_47 : memref<1x80x128xf32, #tpu.memory_space<hbm>> -> memref<80x128xf32, #tpu.memory_space<hbm>>
        tpu.enqueue_dma source(%arg6 : memref<80x128xf32, #tpu.memory_space<vmem>>) target(%dma_start3A_48 : memref<80x128xf32, #tpu.memory_space<hbm>>) target_semaphore(%run_scoped3A : memref<!tpu.dma_semaphore, #tpu.memory_space<semaphore_mem>>)
        %dma_wait3A = arith.constant 0 : i32
        %dma_wait3A_49 = tpu.memref_slice %arg3[%arg0, %add3A_43, %dma_wait3A] : memref<2x10000x128xf32, #tpu.memory_space<hbm>> -> memref<1x80x128xf32, #tpu.memory_space<hbm>>
        %dma_wait3A_50 = tpu.memref_squeeze %dma_wait3A_49 : memref<1x80x128xf32, #tpu.memory_space<hbm>> -> memref<80x128xf32, #tpu.memory_space<hbm>>
        %dma_wait3A_51 = arith.constant 0 : i32
        %dma_wait3A_52 = tpu.memref_slice %arg3[%arg0, %add3A_43, %dma_wait3A_51] : memref<2x10000x128xf32, #tpu.memory_space<hbm>> -> memref<1x80x128xf32, #tpu.memory_space<hbm>>
        %dma_wait3A_53 = tpu.memref_squeeze %dma_wait3A_52 : memref<1x80x128xf32, #tpu.memory_space<hbm>> -> memref<80x128xf32, #tpu.memory_space<hbm>>
        tpu.wait_dma2 semaphore(%run_scoped3A : memref<!tpu.dma_semaphore, #tpu.memory_space<semaphore_mem>>) src(%arg6 : memref<80x128xf32, #tpu.memory_space<vmem>>) dst(%dma_wait3A_53 : memref<80x128xf32, #tpu.memory_space<hbm>>)
        tpu.yield
      }) : () -> ()
    }
    return
  }
}

#map = affine_map<(d0, d1) -> (0, 0)>
#map1 = affine_map<(d0, d1) -> (0, 0, 0)>
#map2 = affine_map<(d0, d1) -> (0, 0, 0, 0)>
module attributes {stable_mosaic.version = 14 : i64} {
  func.func @_sc_aggregate(%arg0: i32, %arg1: i32, %arg2: memref<20000x128xf32, #tpu.memory_space<hbm>>, %arg3: memref<2x16x20000xi32, #tpu.memory_space<hbm>>, %arg4: memref<16x25x10x80xi32, #tpu.memory_space<hbm>>, %arg5: memref<2x10000x128xf32, #tpu.memory_space<hbm>>, %arg6: memref<10000x128xf32, #tpu.memory_space<vmem_shared>>, %arg7: memref<20000xi32, #tpu.memory_space<vmem>>, %arg8: memref<10x80xi32, #tpu.memory_space<vmem>>, %arg9: memref<80x128xf32, #tpu.memory_space<vmem>>, %arg10: memref<80x128xf32, #tpu.memory_space<vmem>>, %arg11: memref<!tpu.dma_semaphore, #tpu.memory_space<semaphore_mem>>, %arg12: memref<!tpu.dma_semaphore, #tpu.memory_space<semaphore_mem>>, %arg13: memref<!tpu.dma_semaphore, #tpu.memory_space<semaphore_mem>>, %arg14: memref<!tpu.dma_semaphore, #tpu.memory_space<semaphore_mem>>) attributes {dimension_semantics = [#tpu.dimension_semantics<core_parallel>, #tpu.dimension_semantics<subcore_parallel>], iteration_bounds = array<i64: 2, 16>, scalar_prefetch = 0 : i64, scratch_operands = 9 : i64, tpu.core_type = #tpu.core_type<sc_vector_subcore>, window_params = [{transform_indices = #map}, {transform_indices = #map1}, {transform_indices = #map2}, {transform_indices = #map1}]} {
    %eq3A = arith.constant 15 : i32
    %eq3A_0 = arith.cmpi eq, %arg1, %eq3A : i32
    %jit3A = arith.constant 5 : i32
    %jit3A_1 = arith.constant 8 : i32
    %select_n3A = arith.select %eq3A_0, %jit3A, %jit3A_1 : i32
    %broadcast_in_dim3A = arith.constant 0.000000e+00 : f32
    %broadcast_in_dim3A_2 = vector.broadcast %broadcast_in_dim3A : f32 to vector<16xf32>
    %scan3A = arith.constant 0 : i32
    %scan3A_3 = arith.constant 80 : i32
    %scan3A_4 = arith.addi %scan3A, %scan3A_3 : i32
    %scan3A_5 = arith.constant 2 : i32
    scf.for %scan3A_52 = %scan3A to %scan3A_4 step %scan3A_5  : i32 {
      %swap3A = arith.index_cast %scan3A_52 : i32 to index
      %swap3A_53 = arith.constant 0 : index
      %swap3A_54 = tpu.vector_load %arg9[%swap3A, %swap3A_53] {strides = array<i32>} : memref<80x128xf32, #tpu.memory_space<vmem>>, vector<1x16xf32>,
      %swap3A_55 = vector.shape_cast %swap3A_54 : vector<1x16xf32> to vector<16xf32>
      %swap3A_56 = vector.shape_cast %broadcast_in_dim3A_2 : vector<16xf32> to vector<1x16xf32>
      tpu.vector_store %arg9[%swap3A, %swap3A_53], %swap3A_56 {strides = array<i32>} : memref<80x128xf32, #tpu.memory_space<vmem>>, vector<1x16xf32>,
      %swap3A_57 = arith.index_cast %scan3A_52 : i32 to index
      %swap3A_58 = arith.constant 16 : index
      %swap3A_59 = tpu.vector_load %arg9[%swap3A_57, %swap3A_58] {strides = array<i32>} : memref<80x128xf32, #tpu.memory_space<vmem>>, vector<1x16xf32>,
      %swap3A_60 = vector.shape_cast %swap3A_59 : vector<1x16xf32> to vector<16xf32>
      %swap3A_61 = vector.shape_cast %broadcast_in_dim3A_2 : vector<16xf32> to vector<1x16xf32>
      tpu.vector_store %arg9[%swap3A_57, %swap3A_58], %swap3A_61 {strides = array<i32>} : memref<80x128xf32, #tpu.memory_space<vmem>>, vector<1x16xf32>,
      %swap3A_62 = arith.index_cast %scan3A_52 : i32 to index
      %swap3A_63 = arith.constant 32 : index
      %swap3A_64 = tpu.vector_load %arg9[%swap3A_62, %swap3A_63] {strides = array<i32>} : memref<80x128xf32, #tpu.memory_space<vmem>>, vector<1x16xf32>,
      %swap3A_65 = vector.shape_cast %swap3A_64 : vector<1x16xf32> to vector<16xf32>
      %swap3A_66 = vector.shape_cast %broadcast_in_dim3A_2 : vector<16xf32> to vector<1x16xf32>
      tpu.vector_store %arg9[%swap3A_62, %swap3A_63], %swap3A_66 {strides = array<i32>} : memref<80x128xf32, #tpu.memory_space<vmem>>, vector<1x16xf32>,
      %swap3A_67 = arith.index_cast %scan3A_52 : i32 to index
      %swap3A_68 = arith.constant 48 : index
      %swap3A_69 = tpu.vector_load %arg9[%swap3A_67, %swap3A_68] {strides = array<i32>} : memref<80x128xf32, #tpu.memory_space<vmem>>, vector<1x16xf32>,
      %swap3A_70 = vector.shape_cast %swap3A_69 : vector<1x16xf32> to vector<16xf32>
      %swap3A_71 = vector.shape_cast %broadcast_in_dim3A_2 : vector<16xf32> to vector<1x16xf32>
      tpu.vector_store %arg9[%swap3A_67, %swap3A_68], %swap3A_71 {strides = array<i32>} : memref<80x128xf32, #tpu.memory_space<vmem>>, vector<1x16xf32>,
      %swap3A_72 = arith.index_cast %scan3A_52 : i32 to index
      %swap3A_73 = arith.constant 64 : index
      %swap3A_74 = tpu.vector_load %arg9[%swap3A_72, %swap3A_73] {strides = array<i32>} : memref<80x128xf32, #tpu.memory_space<vmem>>, vector<1x16xf32>,
      %swap3A_75 = vector.shape_cast %swap3A_74 : vector<1x16xf32> to vector<16xf32>
      %swap3A_76 = vector.shape_cast %broadcast_in_dim3A_2 : vector<16xf32> to vector<1x16xf32>
      tpu.vector_store %arg9[%swap3A_72, %swap3A_73], %swap3A_76 {strides = array<i32>} : memref<80x128xf32, #tpu.memory_space<vmem>>, vector<1x16xf32>,
      %swap3A_77 = arith.index_cast %scan3A_52 : i32 to index
      %swap3A_78 = arith.constant 80 : index
      %swap3A_79 = tpu.vector_load %arg9[%swap3A_77, %swap3A_78] {strides = array<i32>} : memref<80x128xf32, #tpu.memory_space<vmem>>, vector<1x16xf32>,
      %swap3A_80 = vector.shape_cast %swap3A_79 : vector<1x16xf32> to vector<16xf32>
      %swap3A_81 = vector.shape_cast %broadcast_in_dim3A_2 : vector<16xf32> to vector<1x16xf32>
      tpu.vector_store %arg9[%swap3A_77, %swap3A_78], %swap3A_81 {strides = array<i32>} : memref<80x128xf32, #tpu.memory_space<vmem>>, vector<1x16xf32>,
      %swap3A_82 = arith.index_cast %scan3A_52 : i32 to index
      %swap3A_83 = arith.constant 96 : index
      %swap3A_84 = tpu.vector_load %arg9[%swap3A_82, %swap3A_83] {strides = array<i32>} : memref<80x128xf32, #tpu.memory_space<vmem>>, vector<1x16xf32>,
      %swap3A_85 = vector.shape_cast %swap3A_84 : vector<1x16xf32> to vector<16xf32>
      %swap3A_86 = vector.shape_cast %broadcast_in_dim3A_2 : vector<16xf32> to vector<1x16xf32>
      tpu.vector_store %arg9[%swap3A_82, %swap3A_83], %swap3A_86 {strides = array<i32>} : memref<80x128xf32, #tpu.memory_space<vmem>>, vector<1x16xf32>,
      %swap3A_87 = arith.index_cast %scan3A_52 : i32 to index
      %swap3A_88 = arith.constant 112 : index
      %swap3A_89 = tpu.vector_load %arg9[%swap3A_87, %swap3A_88] {strides = array<i32>} : memref<80x128xf32, #tpu.memory_space<vmem>>, vector<1x16xf32>,
      %swap3A_90 = vector.shape_cast %swap3A_89 : vector<1x16xf32> to vector<16xf32>
      %swap3A_91 = vector.shape_cast %broadcast_in_dim3A_2 : vector<16xf32> to vector<1x16xf32>
      tpu.vector_store %arg9[%swap3A_87, %swap3A_88], %swap3A_91 {strides = array<i32>} : memref<80x128xf32, #tpu.memory_space<vmem>>, vector<1x16xf32>,
      %scan3A_92 = arith.constant 1 : i32
      %scan3A_93 = arith.addi %scan3A_52, %scan3A_92 : i32
      %swap3A_94 = arith.index_cast %scan3A_93 : i32 to index
      %swap3A_95 = arith.constant 0 : index
      %swap3A_96 = tpu.vector_load %arg9[%swap3A_94, %swap3A_95] {strides = array<i32>} : memref<80x128xf32, #tpu.memory_space<vmem>>, vector<1x16xf32>,
      %swap3A_97 = vector.shape_cast %swap3A_96 : vector<1x16xf32> to vector<16xf32>
      %swap3A_98 = vector.shape_cast %broadcast_in_dim3A_2 : vector<16xf32> to vector<1x16xf32>
      tpu.vector_store %arg9[%swap3A_94, %swap3A_95], %swap3A_98 {strides = array<i32>} : memref<80x128xf32, #tpu.memory_space<vmem>>, vector<1x16xf32>,
      %swap3A_99 = arith.index_cast %scan3A_93 : i32 to index
      %swap3A_100 = arith.constant 16 : index
      %swap3A_101 = tpu.vector_load %arg9[%swap3A_99, %swap3A_100] {strides = array<i32>} : memref<80x128xf32, #tpu.memory_space<vmem>>, vector<1x16xf32>,
      %swap3A_102 = vector.shape_cast %swap3A_101 : vector<1x16xf32> to vector<16xf32>
      %swap3A_103 = vector.shape_cast %broadcast_in_dim3A_2 : vector<16xf32> to vector<1x16xf32>
      tpu.vector_store %arg9[%swap3A_99, %swap3A_100], %swap3A_103 {strides = array<i32>} : memref<80x128xf32, #tpu.memory_space<vmem>>, vector<1x16xf32>,
      %swap3A_104 = arith.index_cast %scan3A_93 : i32 to index
      %swap3A_105 = arith.constant 32 : index
      %swap3A_106 = tpu.vector_load %arg9[%swap3A_104, %swap3A_105] {strides = array<i32>} : memref<80x128xf32, #tpu.memory_space<vmem>>, vector<1x16xf32>,
      %swap3A_107 = vector.shape_cast %swap3A_106 : vector<1x16xf32> to vector<16xf32>
      %swap3A_108 = vector.shape_cast %broadcast_in_dim3A_2 : vector<16xf32> to vector<1x16xf32>
      tpu.vector_store %arg9[%swap3A_104, %swap3A_105], %swap3A_108 {strides = array<i32>} : memref<80x128xf32, #tpu.memory_space<vmem>>, vector<1x16xf32>,
      %swap3A_109 = arith.index_cast %scan3A_93 : i32 to index
      %swap3A_110 = arith.constant 48 : index
      %swap3A_111 = tpu.vector_load %arg9[%swap3A_109, %swap3A_110] {strides = array<i32>} : memref<80x128xf32, #tpu.memory_space<vmem>>, vector<1x16xf32>,
      %swap3A_112 = vector.shape_cast %swap3A_111 : vector<1x16xf32> to vector<16xf32>
      %swap3A_113 = vector.shape_cast %broadcast_in_dim3A_2 : vector<16xf32> to vector<1x16xf32>
      tpu.vector_store %arg9[%swap3A_109, %swap3A_110], %swap3A_113 {strides = array<i32>} : memref<80x128xf32, #tpu.memory_space<vmem>>, vector<1x16xf32>,
      %swap3A_114 = arith.index_cast %scan3A_93 : i32 to index
      %swap3A_115 = arith.constant 64 : index
      %swap3A_116 = tpu.vector_load %arg9[%swap3A_114, %swap3A_115] {strides = array<i32>} : memref<80x128xf32, #tpu.memory_space<vmem>>, vector<1x16xf32>,
      %swap3A_117 = vector.shape_cast %swap3A_116 : vector<1x16xf32> to vector<16xf32>
      %swap3A_118 = vector.shape_cast %broadcast_in_dim3A_2 : vector<16xf32> to vector<1x16xf32>
      tpu.vector_store %arg9[%swap3A_114, %swap3A_115], %swap3A_118 {strides = array<i32>} : memref<80x128xf32, #tpu.memory_space<vmem>>, vector<1x16xf32>,
      %swap3A_119 = arith.index_cast %scan3A_93 : i32 to index
      %swap3A_120 = arith.constant 80 : index
      %swap3A_121 = tpu.vector_load %arg9[%swap3A_119, %swap3A_120] {strides = array<i32>} : memref<80x128xf32, #tpu.memory_space<vmem>>, vector<1x16xf32>,
      %swap3A_122 = vector.shape_cast %swap3A_121 : vector<1x16xf32> to vector<16xf32>
      %swap3A_123 = vector.shape_cast %broadcast_in_dim3A_2 : vector<16xf32> to vector<1x16xf32>
      tpu.vector_store %arg9[%swap3A_119, %swap3A_120], %swap3A_123 {strides = array<i32>} : memref<80x128xf32, #tpu.memory_space<vmem>>, vector<1x16xf32>,
      %swap3A_124 = arith.index_cast %scan3A_93 : i32 to index
      %swap3A_125 = arith.constant 96 : index
      %swap3A_126 = tpu.vector_load %arg9[%swap3A_124, %swap3A_125] {strides = array<i32>} : memref<80x128xf32, #tpu.memory_space<vmem>>, vector<1x16xf32>,
      %swap3A_127 = vector.shape_cast %swap3A_126 : vector<1x16xf32> to vector<16xf32>
      %swap3A_128 = vector.shape_cast %broadcast_in_dim3A_2 : vector<16xf32> to vector<1x16xf32>
      tpu.vector_store %arg9[%swap3A_124, %swap3A_125], %swap3A_128 {strides = array<i32>} : memref<80x128xf32, #tpu.memory_space<vmem>>, vector<1x16xf32>,
      %swap3A_129 = arith.index_cast %scan3A_93 : i32 to index
      %swap3A_130 = arith.constant 112 : index
      %swap3A_131 = tpu.vector_load %arg9[%swap3A_129, %swap3A_130] {strides = array<i32>} : memref<80x128xf32, #tpu.memory_space<vmem>>, vector<1x16xf32>,
      %swap3A_132 = vector.shape_cast %swap3A_131 : vector<1x16xf32> to vector<16xf32>
      %swap3A_133 = vector.shape_cast %broadcast_in_dim3A_2 : vector<16xf32> to vector<1x16xf32>
      tpu.vector_store %arg9[%swap3A_129, %swap3A_130], %swap3A_133 {strides = array<i32>} : memref<80x128xf32, #tpu.memory_space<vmem>>, vector<1x16xf32>,
    }
    %scan3A_6 = arith.constant 80 : i32
    %while3A = arith.constant 0 : i32
    %while3A_7 = arith.subi %select_n3A, %while3A : i32
    %while3A_8 = arith.addi %while3A, %while3A_7 : i32
    %while3A_9 = arith.constant 1 : i32
    %while3A_10 = arith.divsi %while3A_7, %while3A_9 : i32
    %while3A_11 = arith.muli %while3A_10, %while3A_9 : i32
    %while3A_12 = arith.addi %while3A, %while3A_11 : i32
    %while3A_13 = arith.constant 1 : i32
    scf.for %while3A_52 = %while3A to %while3A_12 step %while3A_13  : i32 {
      %mul3A = arith.constant 640 : i32
      %mul3A_53 = arith.muli %arg1, %mul3A : i32
      %mul3A_54 = arith.constant 80 : i32
      %mul3A_55 = arith.muli %while3A_52, %mul3A_54 : i32
      %add3A = arith.addi %mul3A_53, %mul3A_55 : i32
      "tpu.region"() ({
        %run_scoped3A = tpu.sem_alloc : memref<!tpu.dma_semaphore, #tpu.memory_space<semaphore_mem>>
        %dma_start3A_56 = arith.constant 0 : i32
        %dma_start3A_57 = tpu.memref_slice %arg6[%add3A, %dma_start3A_56] : memref<10000x128xf32, #tpu.memory_space<vmem_shared>> -> memref<80x128xf32, #tpu.memory_space<vmem_shared>>
        %dma_start3A_58 = arith.constant 0 : i32
        %dma_start3A_59 = tpu.memref_slice %arg6[%add3A, %dma_start3A_58] : memref<10000x128xf32, #tpu.memory_space<vmem_shared>> -> memref<80x128xf32, #tpu.memory_space<vmem_shared>>
        tpu.enqueue_dma source(%arg9 : memref<80x128xf32, #tpu.memory_space<vmem>>) target(%dma_start3A_59 : memref<80x128xf32, #tpu.memory_space<vmem_shared>>) target_semaphore(%run_scoped3A : memref<!tpu.dma_semaphore, #tpu.memory_space<semaphore_mem>>)
        %dma_wait3A_60 = arith.constant 0 : i32
        %dma_wait3A_61 = tpu.memref_slice %arg6[%add3A, %dma_wait3A_60] : memref<10000x128xf32, #tpu.memory_space<vmem_shared>> -> memref<80x128xf32, #tpu.memory_space<vmem_shared>>
        %dma_wait3A_62 = arith.constant 0 : i32
        %dma_wait3A_63 = tpu.memref_slice %arg6[%add3A, %dma_wait3A_62] : memref<10000x128xf32, #tpu.memory_space<vmem_shared>> -> memref<80x128xf32, #tpu.memory_space<vmem_shared>>
        tpu.wait_dma2 semaphore(%run_scoped3A : memref<!tpu.dma_semaphore, #tpu.memory_space<semaphore_mem>>) src(%arg9 : memref<80x128xf32, #tpu.memory_space<vmem>>) dst(%dma_wait3A_63 : memref<80x128xf32, #tpu.memory_space<vmem_shared>>)
        tpu.yield
      }) : () -> ()
    }
    %while3A_14 = arith.constant 1 : i32
    scf.for %while3A_52 = %while3A_12 to %while3A_8 step %while3A_14  : i32 {
      %mul3A = arith.constant 640 : i32
      %mul3A_53 = arith.muli %arg1, %mul3A : i32
      %mul3A_54 = arith.constant 80 : i32
      %mul3A_55 = arith.muli %while3A_52, %mul3A_54 : i32
      %add3A = arith.addi %mul3A_53, %mul3A_55 : i32
      "tpu.region"() ({
        %run_scoped3A = tpu.sem_alloc : memref<!tpu.dma_semaphore, #tpu.memory_space<semaphore_mem>>
        %dma_start3A_56 = arith.constant 0 : i32
        %dma_start3A_57 = tpu.memref_slice %arg6[%add3A, %dma_start3A_56] : memref<10000x128xf32, #tpu.memory_space<vmem_shared>> -> memref<80x128xf32, #tpu.memory_space<vmem_shared>>
        %dma_start3A_58 = arith.constant 0 : i32
        %dma_start3A_59 = tpu.memref_slice %arg6[%add3A, %dma_start3A_58] : memref<10000x128xf32, #tpu.memory_space<vmem_shared>> -> memref<80x128xf32, #tpu.memory_space<vmem_shared>>
        tpu.enqueue_dma source(%arg9 : memref<80x128xf32, #tpu.memory_space<vmem>>) target(%dma_start3A_59 : memref<80x128xf32, #tpu.memory_space<vmem_shared>>) target_semaphore(%run_scoped3A : memref<!tpu.dma_semaphore, #tpu.memory_space<semaphore_mem>>)
        %dma_wait3A_60 = arith.constant 0 : i32
        %dma_wait3A_61 = tpu.memref_slice %arg6[%add3A, %dma_wait3A_60] : memref<10000x128xf32, #tpu.memory_space<vmem_shared>> -> memref<80x128xf32, #tpu.memory_space<vmem_shared>>
        %dma_wait3A_62 = arith.constant 0 : i32
        %dma_wait3A_63 = tpu.memref_slice %arg6[%add3A, %dma_wait3A_62] : memref<10000x128xf32, #tpu.memory_space<vmem_shared>> -> memref<80x128xf32, #tpu.memory_space<vmem_shared>>
        tpu.wait_dma2 semaphore(%run_scoped3A : memref<!tpu.dma_semaphore, #tpu.memory_space<semaphore_mem>>) src(%arg9 : memref<80x128xf32, #tpu.memory_space<vmem>>) dst(%dma_wait3A_63 : memref<80x128xf32, #tpu.memory_space<vmem_shared>>)
        tpu.yield
      }) : () -> ()
    }
    "tpu.region"() ({
      %run_scoped3A = tpu.sem_alloc : memref<!tpu.dma_semaphore, #tpu.memory_space<semaphore_mem>>
      %dma_start3A_52 = arith.constant 0 : i32
      %dma_start3A_53 = tpu.memref_slice %arg3[%arg0, %arg1, %dma_start3A_52] : memref<2x16x20000xi32, #tpu.memory_space<hbm>> -> memref<1x1x20000xi32, #tpu.memory_space<hbm>>
      %dma_start3A_54 = tpu.memref_squeeze %dma_start3A_53 : memref<1x1x20000xi32, #tpu.memory_space<hbm>> -> memref<20000xi32, #tpu.memory_space<hbm>>
      %dma_start3A_55 = arith.constant 0 : i32
      %dma_start3A_56 = tpu.memref_slice %arg3[%arg0, %arg1, %dma_start3A_55] : memref<2x16x20000xi32, #tpu.memory_space<hbm>> -> memref<1x1x20000xi32, #tpu.memory_space<hbm>>
      %dma_start3A_57 = tpu.memref_squeeze %dma_start3A_56 : memref<1x1x20000xi32, #tpu.memory_space<hbm>> -> memref<20000xi32, #tpu.memory_space<hbm>>
      tpu.enqueue_dma source(%dma_start3A_57 : memref<20000xi32, #tpu.memory_space<hbm>>) target(%arg7 : memref<20000xi32, #tpu.memory_space<vmem>>) target_semaphore(%run_scoped3A : memref<!tpu.dma_semaphore, #tpu.memory_space<semaphore_mem>>)
      %dma_wait3A_58 = arith.constant 0 : i32
      %dma_wait3A_59 = tpu.memref_slice %arg3[%arg0, %arg1, %dma_wait3A_58] : memref<2x16x20000xi32, #tpu.memory_space<hbm>> -> memref<1x1x20000xi32, #tpu.memory_space<hbm>>
      %dma_wait3A_60 = tpu.memref_squeeze %dma_wait3A_59 : memref<1x1x20000xi32, #tpu.memory_space<hbm>> -> memref<20000xi32, #tpu.memory_space<hbm>>
      %dma_wait3A_61 = arith.constant 0 : i32
      %dma_wait3A_62 = tpu.memref_slice %arg3[%arg0, %arg1, %dma_wait3A_61] : memref<2x16x20000xi32, #tpu.memory_space<hbm>> -> memref<1x1x20000xi32, #tpu.memory_space<hbm>>
      %dma_wait3A_63 = tpu.memref_squeeze %dma_wait3A_62 : memref<1x1x20000xi32, #tpu.memory_space<hbm>> -> memref<20000xi32, #tpu.memory_space<hbm>>
      tpu.wait_dma2 semaphore(%run_scoped3A : memref<!tpu.dma_semaphore, #tpu.memory_space<semaphore_mem>>) src(%dma_wait3A_63 : memref<20000xi32, #tpu.memory_space<hbm>>) dst(%arg7 : memref<20000xi32, #tpu.memory_space<vmem>>)
      tpu.yield
    }) : () -> ()
    %barrier3A = arith.constant 0 : index
    tpu.barrier barrier_id(%barrier3A)
    %dma_start3A = arith.constant 0 : i32
    %dma_start3A_15 = tpu.memref_slice %arg7[%dma_start3A] : memref<20000xi32, #tpu.memory_space<vmem>> -> memref<80xi32, #tpu.memory_space<vmem>>
    %dma_start3A_16 = arith.constant 0 : i32
    %dma_start3A_17 = arith.constant 0 : i32
    %dma_start3A_18 = tpu.memref_slice %arg2[%dma_start3A_16, %dma_start3A_17] : memref<20000x128xf32, #tpu.memory_space<hbm>> -> memref<20000x128xf32, #tpu.memory_space<hbm>>
    tpu.enqueue_indirect_dma source(%dma_start3A_18 : memref<20000x128xf32, #tpu.memory_space<hbm>>) target(%arg9 : memref<80x128xf32, #tpu.memory_space<vmem>>) offsets(%dma_start3A_15 : memref<80xi32, #tpu.memory_space<vmem>>) semaphore(%arg11 : memref<!tpu.dma_semaphore, #tpu.memory_space<semaphore_mem>>)
    %dma_start3A_19 = arith.constant 80 : i32
    %dma_start3A_20 = tpu.memref_slice %arg7[%dma_start3A_19] : memref<20000xi32, #tpu.memory_space<vmem>> -> memref<80xi32, #tpu.memory_space<vmem>>
    %dma_start3A_21 = arith.constant 0 : i32
    %dma_start3A_22 = arith.constant 0 : i32
    %dma_start3A_23 = tpu.memref_slice %arg2[%dma_start3A_21, %dma_start3A_22] : memref<20000x128xf32, #tpu.memory_space<hbm>> -> memref<20000x128xf32, #tpu.memory_space<hbm>>
    tpu.enqueue_indirect_dma source(%dma_start3A_23 : memref<20000x128xf32, #tpu.memory_space<hbm>>) target(%arg10 : memref<80x128xf32, #tpu.memory_space<vmem>>) offsets(%dma_start3A_20 : memref<80xi32, #tpu.memory_space<vmem>>) semaphore(%arg12 : memref<!tpu.dma_semaphore, #tpu.memory_space<semaphore_mem>>)
    %scan3A_24 = arith.constant 0 : i32
    %scan3A_25 = arith.constant 25 : i32
    %scan3A_26 = arith.addi %scan3A_24, %scan3A_25 : i32
    %scan3A_27 = arith.constant 1 : i32
    scf.for %scan3A_52 = %scan3A_24 to %scan3A_26 step %scan3A_27  : i32 {
      "tpu.region"() ({
        %run_scoped3A = tpu.sem_alloc : memref<!tpu.dma_semaphore, #tpu.memory_space<semaphore_mem>>
        %dma_start3A_58 = arith.constant 0 : i32
        %dma_start3A_59 = arith.constant 0 : i32
        %dma_start3A_60 = tpu.memref_slice %arg4[%arg1, %scan3A_52, %dma_start3A_58, %dma_start3A_59] : memref<16x25x10x80xi32, #tpu.memory_space<hbm>> -> memref<1x1x10x80xi32, #tpu.memory_space<hbm>>
        %dma_start3A_61 = tpu.memref_squeeze %dma_start3A_60 : memref<1x1x10x80xi32, #tpu.memory_space<hbm>> -> memref<10x80xi32, #tpu.memory_space<hbm>>
        %dma_start3A_62 = arith.constant 0 : i32
        %dma_start3A_63 = arith.constant 0 : i32
        %dma_start3A_64 = tpu.memref_slice %arg4[%arg1, %scan3A_52, %dma_start3A_62, %dma_start3A_63] : memref<16x25x10x80xi32, #tpu.memory_space<hbm>> -> memref<1x1x10x80xi32, #tpu.memory_space<hbm>>
        %dma_start3A_65 = tpu.memref_squeeze %dma_start3A_64 : memref<1x1x10x80xi32, #tpu.memory_space<hbm>> -> memref<10x80xi32, #tpu.memory_space<hbm>>
        tpu.enqueue_dma source(%dma_start3A_65 : memref<10x80xi32, #tpu.memory_space<hbm>>) target(%arg8 : memref<10x80xi32, #tpu.memory_space<vmem>>) target_semaphore(%run_scoped3A : memref<!tpu.dma_semaphore, #tpu.memory_space<semaphore_mem>>)
        %dma_wait3A_66 = arith.constant 0 : i32
        %dma_wait3A_67 = arith.constant 0 : i32
        %dma_wait3A_68 = tpu.memref_slice %arg4[%arg1, %scan3A_52, %dma_wait3A_66, %dma_wait3A_67] : memref<16x25x10x80xi32, #tpu.memory_space<hbm>> -> memref<1x1x10x80xi32, #tpu.memory_space<hbm>>
        %dma_wait3A_69 = tpu.memref_squeeze %dma_wait3A_68 : memref<1x1x10x80xi32, #tpu.memory_space<hbm>> -> memref<10x80xi32, #tpu.memory_space<hbm>>
        %dma_wait3A_70 = arith.constant 0 : i32
        %dma_wait3A_71 = arith.constant 0 : i32
        %dma_wait3A_72 = tpu.memref_slice %arg4[%arg1, %scan3A_52, %dma_wait3A_70, %dma_wait3A_71] : memref<16x25x10x80xi32, #tpu.memory_space<hbm>> -> memref<1x1x10x80xi32, #tpu.memory_space<hbm>>
        %dma_wait3A_73 = tpu.memref_squeeze %dma_wait3A_72 : memref<1x1x10x80xi32, #tpu.memory_space<hbm>> -> memref<10x80xi32, #tpu.memory_space<hbm>>
        tpu.wait_dma2 semaphore(%run_scoped3A : memref<!tpu.dma_semaphore, #tpu.memory_space<semaphore_mem>>) src(%dma_wait3A_73 : memref<10x80xi32, #tpu.memory_space<hbm>>) dst(%arg8 : memref<10x80xi32, #tpu.memory_space<vmem>>)
        tpu.yield
      }) : () -> ()
      %scan3A_53 = arith.constant 0 : i32
      %scan3A_54 = arith.constant 5 : i32
      %scan3A_55 = arith.addi %scan3A_53, %scan3A_54 : i32
      %scan3A_56 = arith.constant 1 : i32
      scf.for %scan3A_58 = %scan3A_53 to %scan3A_55 step %scan3A_56  : i32 {
        %mul3A = arith.constant 2 : i32
        %mul3A_59 = arith.muli %scan3A_58, %mul3A : i32
        %add3A = arith.constant 0 : i32
        %add3A_60 = arith.addi %mul3A_59, %add3A : i32
        %mul3A_61 = arith.constant 10 : i32
        %mul3A_62 = arith.muli %scan3A_52, %mul3A_61 : i32
        %add3A_63 = arith.addi %mul3A_62, %add3A_60 : i32
        %mul3A_64 = arith.constant 80 : i32
        %mul3A_65 = arith.muli %add3A_63, %mul3A_64 : i32
        %dma_wait3A_66 = tpu.memref_slice %arg7[%mul3A_65] : memref<20000xi32, #tpu.memory_space<vmem>> -> memref<80xi32, #tpu.memory_space<vmem>>
        %dma_wait3A_67 = arith.constant 0 : i32
        %dma_wait3A_68 = arith.constant 0 : i32
        %dma_wait3A_69 = tpu.memref_slice %arg2[%dma_wait3A_67, %dma_wait3A_68] : memref<20000x128xf32, #tpu.memory_space<hbm>> -> memref<20000x128xf32, #tpu.memory_space<hbm>>
        tpu.wait_indirect_dma semaphore(%arg11 : memref<!tpu.dma_semaphore, #tpu.memory_space<semaphore_mem>>) src(%dma_wait3A_69 : memref<20000x128xf32, #tpu.memory_space<hbm>>) dst(%arg9 : memref<80x128xf32, #tpu.memory_space<vmem>>)
        %dma_start3A_70 = arith.constant 0 : i32
        %dma_start3A_71 = tpu.memref_slice %arg8[%add3A_60, %dma_start3A_70] : memref<10x80xi32, #tpu.memory_space<vmem>> -> memref<1x80xi32, #tpu.memory_space<vmem>>
        %dma_start3A_72 = tpu.memref_squeeze %dma_start3A_71 : memref<1x80xi32, #tpu.memory_space<vmem>> -> memref<80xi32, #tpu.memory_space<vmem>>
        %dma_start3A_73 = arith.constant 0 : i32
        %dma_start3A_74 = arith.constant 0 : i32
        %dma_start3A_75 = tpu.memref_slice %arg6[%dma_start3A_73, %dma_start3A_74] : memref<10000x128xf32, #tpu.memory_space<vmem_shared>> -> memref<10000x128xf32, #tpu.memory_space<vmem_shared>>
        tpu.enqueue_indirect_dma source(%arg9 : memref<80x128xf32, #tpu.memory_space<vmem>>) target(%dma_start3A_75 : memref<10000x128xf32, #tpu.memory_space<vmem_shared>>) offsets(%dma_start3A_72 : memref<80xi32, #tpu.memory_space<vmem>>) semaphore(%arg13 : memref<!tpu.dma_semaphore, #tpu.memory_space<semaphore_mem>>) {add = true}
        %lt3A = arith.constant 248 : i32
        %lt3A_76 = arith.cmpi slt, %add3A_63, %lt3A : i32
        %convert_element_type3A = arith.extui %lt3A_76 : i1 to i32
        %cond3A = arith.constant 0 : i32
        %cond3A_77 = arith.cmpi ne, %convert_element_type3A, %cond3A : i32
        scf.if %cond3A_77 {
          %dma_wait3A_102 = arith.constant 0 : i32
          %dma_wait3A_103 = tpu.memref_slice %arg8[%add3A_60, %dma_wait3A_102] : memref<10x80xi32, #tpu.memory_space<vmem>> -> memref<1x80xi32, #tpu.memory_space<vmem>>
          %dma_wait3A_104 = tpu.memref_squeeze %dma_wait3A_103 : memref<1x80xi32, #tpu.memory_space<vmem>> -> memref<80xi32, #tpu.memory_space<vmem>>
          %dma_wait3A_105 = arith.constant 0 : i32
          %dma_wait3A_106 = arith.constant 0 : i32
          %dma_wait3A_107 = tpu.memref_slice %arg6[%dma_wait3A_105, %dma_wait3A_106] : memref<10000x128xf32, #tpu.memory_space<vmem_shared>> -> memref<10000x128xf32, #tpu.memory_space<vmem_shared>>
          tpu.wait_indirect_dma semaphore(%arg13 : memref<!tpu.dma_semaphore, #tpu.memory_space<semaphore_mem>>) src(%arg9 : memref<80x128xf32, #tpu.memory_space<vmem>>) dst(%dma_wait3A_107 : memref<10000x128xf32, #tpu.memory_space<vmem_shared>>)
          %add3A_108 = arith.constant 2 : i32
          %add3A_109 = arith.addi %add3A_63, %add3A_108 : i32
          %mul3A_110 = arith.constant 80 : i32
          %mul3A_111 = arith.muli %add3A_109, %mul3A_110 : i32
          %dma_start3A_112 = tpu.memref_slice %arg7[%mul3A_111] : memref<20000xi32, #tpu.memory_space<vmem>> -> memref<80xi32, #tpu.memory_space<vmem>>
          %dma_start3A_113 = arith.constant 0 : i32
          %dma_start3A_114 = arith.constant 0 : i32
          %dma_start3A_115 = tpu.memref_slice %arg2[%dma_start3A_113, %dma_start3A_114] : memref<20000x128xf32, #tpu.memory_space<hbm>> -> memref<20000x128xf32, #tpu.memory_space<hbm>>
          tpu.enqueue_indirect_dma source(%dma_start3A_115 : memref<20000x128xf32, #tpu.memory_space<hbm>>) target(%arg9 : memref<80x128xf32, #tpu.memory_space<vmem>>) offsets(%dma_start3A_112 : memref<80xi32, #tpu.memory_space<vmem>>) semaphore(%arg11 : memref<!tpu.dma_semaphore, #tpu.memory_space<semaphore_mem>>)
        } else {
        }
        %mul3A_78 = arith.constant 2 : i32
        %mul3A_79 = arith.muli %scan3A_58, %mul3A_78 : i32
        %add3A_80 = arith.constant 1 : i32
        %add3A_81 = arith.addi %mul3A_79, %add3A_80 : i32
        %mul3A_82 = arith.constant 10 : i32
        %mul3A_83 = arith.muli %scan3A_52, %mul3A_82 : i32
        %add3A_84 = arith.addi %mul3A_83, %add3A_81 : i32
        %mul3A_85 = arith.constant 80 : i32
        %mul3A_86 = arith.muli %add3A_84, %mul3A_85 : i32
        %dma_wait3A_87 = tpu.memref_slice %arg7[%mul3A_86] : memref<20000xi32, #tpu.memory_space<vmem>> -> memref<80xi32, #tpu.memory_space<vmem>>
        %dma_wait3A_88 = arith.constant 0 : i32
        %dma_wait3A_89 = arith.constant 0 : i32
        %dma_wait3A_90 = tpu.memref_slice %arg2[%dma_wait3A_88, %dma_wait3A_89] : memref<20000x128xf32, #tpu.memory_space<hbm>> -> memref<20000x128xf32, #tpu.memory_space<hbm>>
        tpu.wait_indirect_dma semaphore(%arg12 : memref<!tpu.dma_semaphore, #tpu.memory_space<semaphore_mem>>) src(%dma_wait3A_90 : memref<20000x128xf32, #tpu.memory_space<hbm>>) dst(%arg10 : memref<80x128xf32, #tpu.memory_space<vmem>>)
        %dma_start3A_91 = arith.constant 0 : i32
        %dma_start3A_92 = tpu.memref_slice %arg8[%add3A_81, %dma_start3A_91] : memref<10x80xi32, #tpu.memory_space<vmem>> -> memref<1x80xi32, #tpu.memory_space<vmem>>
        %dma_start3A_93 = tpu.memref_squeeze %dma_start3A_92 : memref<1x80xi32, #tpu.memory_space<vmem>> -> memref<80xi32, #tpu.memory_space<vmem>>
        %dma_start3A_94 = arith.constant 0 : i32
        %dma_start3A_95 = arith.constant 0 : i32
        %dma_start3A_96 = tpu.memref_slice %arg6[%dma_start3A_94, %dma_start3A_95] : memref<10000x128xf32, #tpu.memory_space<vmem_shared>> -> memref<10000x128xf32, #tpu.memory_space<vmem_shared>>
        tpu.enqueue_indirect_dma source(%arg10 : memref<80x128xf32, #tpu.memory_space<vmem>>) target(%dma_start3A_96 : memref<10000x128xf32, #tpu.memory_space<vmem_shared>>) offsets(%dma_start3A_93 : memref<80xi32, #tpu.memory_space<vmem>>) semaphore(%arg14 : memref<!tpu.dma_semaphore, #tpu.memory_space<semaphore_mem>>) {add = true}
        %lt3A_97 = arith.constant 248 : i32
        %lt3A_98 = arith.cmpi slt, %add3A_84, %lt3A_97 : i32
        %convert_element_type3A_99 = arith.extui %lt3A_98 : i1 to i32
        %cond3A_100 = arith.constant 0 : i32
        %cond3A_101 = arith.cmpi ne, %convert_element_type3A_99, %cond3A_100 : i32
        scf.if %cond3A_101 {
          %dma_wait3A_102 = arith.constant 0 : i32
          %dma_wait3A_103 = tpu.memref_slice %arg8[%add3A_81, %dma_wait3A_102] : memref<10x80xi32, #tpu.memory_space<vmem>> -> memref<1x80xi32, #tpu.memory_space<vmem>>
          %dma_wait3A_104 = tpu.memref_squeeze %dma_wait3A_103 : memref<1x80xi32, #tpu.memory_space<vmem>> -> memref<80xi32, #tpu.memory_space<vmem>>
          %dma_wait3A_105 = arith.constant 0 : i32
          %dma_wait3A_106 = arith.constant 0 : i32
          %dma_wait3A_107 = tpu.memref_slice %arg6[%dma_wait3A_105, %dma_wait3A_106] : memref<10000x128xf32, #tpu.memory_space<vmem_shared>> -> memref<10000x128xf32, #tpu.memory_space<vmem_shared>>
          tpu.wait_indirect_dma semaphore(%arg14 : memref<!tpu.dma_semaphore, #tpu.memory_space<semaphore_mem>>) src(%arg10 : memref<80x128xf32, #tpu.memory_space<vmem>>) dst(%dma_wait3A_107 : memref<10000x128xf32, #tpu.memory_space<vmem_shared>>)
          %add3A_108 = arith.constant 2 : i32
          %add3A_109 = arith.addi %add3A_84, %add3A_108 : i32
          %mul3A_110 = arith.constant 80 : i32
          %mul3A_111 = arith.muli %add3A_109, %mul3A_110 : i32
          %dma_start3A_112 = tpu.memref_slice %arg7[%mul3A_111] : memref<20000xi32, #tpu.memory_space<vmem>> -> memref<80xi32, #tpu.memory_space<vmem>>
          %dma_start3A_113 = arith.constant 0 : i32
          %dma_start3A_114 = arith.constant 0 : i32
          %dma_start3A_115 = tpu.memref_slice %arg2[%dma_start3A_113, %dma_start3A_114] : memref<20000x128xf32, #tpu.memory_space<hbm>> -> memref<20000x128xf32, #tpu.memory_space<hbm>>
          tpu.enqueue_indirect_dma source(%dma_start3A_115 : memref<20000x128xf32, #tpu.memory_space<hbm>>) target(%arg10 : memref<80x128xf32, #tpu.memory_space<vmem>>) offsets(%dma_start3A_112 : memref<80xi32, #tpu.memory_space<vmem>>) semaphore(%arg12 : memref<!tpu.dma_semaphore, #tpu.memory_space<semaphore_mem>>)
        } else {
        }
      }
      %scan3A_57 = arith.constant 5 : i32
    }
    %scan3A_28 = arith.constant 25 : i32
    %dma_wait3A = arith.constant 8 : i32
    %dma_wait3A_29 = arith.constant 0 : i32
    %dma_wait3A_30 = tpu.memref_slice %arg8[%dma_wait3A, %dma_wait3A_29] : memref<10x80xi32, #tpu.memory_space<vmem>> -> memref<1x80xi32, #tpu.memory_space<vmem>>
    %dma_wait3A_31 = tpu.memref_squeeze %dma_wait3A_30 : memref<1x80xi32, #tpu.memory_space<vmem>> -> memref<80xi32, #tpu.memory_space<vmem>>
    %dma_wait3A_32 = arith.constant 0 : i32
    %dma_wait3A_33 = arith.constant 0 : i32
    %dma_wait3A_34 = tpu.memref_slice %arg6[%dma_wait3A_32, %dma_wait3A_33] : memref<10000x128xf32, #tpu.memory_space<vmem_shared>> -> memref<10000x128xf32, #tpu.memory_space<vmem_shared>>
    tpu.wait_indirect_dma semaphore(%arg13 : memref<!tpu.dma_semaphore, #tpu.memory_space<semaphore_mem>>) src(%arg9 : memref<80x128xf32, #tpu.memory_space<vmem>>) dst(%dma_wait3A_34 : memref<10000x128xf32, #tpu.memory_space<vmem_shared>>)
    %dma_wait3A_35 = arith.constant 9 : i32
    %dma_wait3A_36 = arith.constant 0 : i32
    %dma_wait3A_37 = tpu.memref_slice %arg8[%dma_wait3A_35, %dma_wait3A_36] : memref<10x80xi32, #tpu.memory_space<vmem>> -> memref<1x80xi32, #tpu.memory_space<vmem>>
    %dma_wait3A_38 = tpu.memref_squeeze %dma_wait3A_37 : memref<1x80xi32, #tpu.memory_space<vmem>> -> memref<80xi32, #tpu.memory_space<vmem>>
    %dma_wait3A_39 = arith.constant 0 : i32
    %dma_wait3A_40 = arith.constant 0 : i32
    %dma_wait3A_41 = tpu.memref_slice %arg6[%dma_wait3A_39, %dma_wait3A_40] : memref<10000x128xf32, #tpu.memory_space<vmem_shared>> -> memref<10000x128xf32, #tpu.memory_space<vmem_shared>>
    tpu.wait_indirect_dma semaphore(%arg14 : memref<!tpu.dma_semaphore, #tpu.memory_space<semaphore_mem>>) src(%arg10 : memref<80x128xf32, #tpu.memory_space<vmem>>) dst(%dma_wait3A_41 : memref<10000x128xf32, #tpu.memory_space<vmem_shared>>)
    %barrier3A_42 = arith.constant 0 : index
    tpu.barrier barrier_id(%barrier3A_42)
    %while3A_43 = arith.constant 0 : i32
    %while3A_44 = arith.subi %select_n3A, %while3A_43 : i32
    %while3A_45 = arith.addi %while3A_43, %while3A_44 : i32
    %while3A_46 = arith.constant 1 : i32
    %while3A_47 = arith.divsi %while3A_44, %while3A_46 : i32
    %while3A_48 = arith.muli %while3A_47, %while3A_46 : i32
    %while3A_49 = arith.addi %while3A_43, %while3A_48 : i32
    %while3A_50 = arith.constant 1 : i32
    scf.for %while3A_52 = %while3A_43 to %while3A_49 step %while3A_50  : i32 {
      %mul3A = arith.constant 640 : i32
      %mul3A_53 = arith.muli %arg1, %mul3A : i32
      %mul3A_54 = arith.constant 80 : i32
      %mul3A_55 = arith.muli %while3A_52, %mul3A_54 : i32
      %add3A = arith.addi %mul3A_53, %mul3A_55 : i32
      "tpu.region"() ({
        %run_scoped3A = tpu.sem_alloc : memref<!tpu.dma_semaphore, #tpu.memory_space<semaphore_mem>>
        %dma_start3A_56 = arith.constant 0 : i32
        %dma_start3A_57 = tpu.memref_slice %arg6[%add3A, %dma_start3A_56] : memref<10000x128xf32, #tpu.memory_space<vmem_shared>> -> memref<80x128xf32, #tpu.memory_space<vmem_shared>>
        %dma_start3A_58 = arith.constant 0 : i32
        %dma_start3A_59 = tpu.memref_slice %arg6[%add3A, %dma_start3A_58] : memref<10000x128xf32, #tpu.memory_space<vmem_shared>> -> memref<80x128xf32, #tpu.memory_space<vmem_shared>>
        tpu.enqueue_dma source(%dma_start3A_59 : memref<80x128xf32, #tpu.memory_space<vmem_shared>>) target(%arg9 : memref<80x128xf32, #tpu.memory_space<vmem>>) target_semaphore(%run_scoped3A : memref<!tpu.dma_semaphore, #tpu.memory_space<semaphore_mem>>)
        %dma_wait3A_60 = arith.constant 0 : i32
        %dma_wait3A_61 = tpu.memref_slice %arg6[%add3A, %dma_wait3A_60] : memref<10000x128xf32, #tpu.memory_space<vmem_shared>> -> memref<80x128xf32, #tpu.memory_space<vmem_shared>>
        %dma_wait3A_62 = arith.constant 0 : i32
        %dma_wait3A_63 = tpu.memref_slice %arg6[%add3A, %dma_wait3A_62] : memref<10000x128xf32, #tpu.memory_space<vmem_shared>> -> memref<80x128xf32, #tpu.memory_space<vmem_shared>>
        tpu.wait_dma2 semaphore(%run_scoped3A : memref<!tpu.dma_semaphore, #tpu.memory_space<semaphore_mem>>) src(%dma_wait3A_63 : memref<80x128xf32, #tpu.memory_space<vmem_shared>>) dst(%arg9 : memref<80x128xf32, #tpu.memory_space<vmem>>)
        tpu.yield
      }) : () -> ()
      "tpu.region"() ({
        %run_scoped3A = tpu.sem_alloc : memref<!tpu.dma_semaphore, #tpu.memory_space<semaphore_mem>>
        %dma_start3A_56 = arith.constant 0 : i32
        %dma_start3A_57 = tpu.memref_slice %arg5[%arg0, %add3A, %dma_start3A_56] : memref<2x10000x128xf32, #tpu.memory_space<hbm>> -> memref<1x80x128xf32, #tpu.memory_space<hbm>>
        %dma_start3A_58 = tpu.memref_squeeze %dma_start3A_57 : memref<1x80x128xf32, #tpu.memory_space<hbm>> -> memref<80x128xf32, #tpu.memory_space<hbm>>
        %dma_start3A_59 = arith.constant 0 : i32
        %dma_start3A_60 = tpu.memref_slice %arg5[%arg0, %add3A, %dma_start3A_59] : memref<2x10000x128xf32, #tpu.memory_space<hbm>> -> memref<1x80x128xf32, #tpu.memory_space<hbm>>
        %dma_start3A_61 = tpu.memref_squeeze %dma_start3A_60 : memref<1x80x128xf32, #tpu.memory_space<hbm>> -> memref<80x128xf32, #tpu.memory_space<hbm>>
        tpu.enqueue_dma source(%arg9 : memref<80x128xf32, #tpu.memory_space<vmem>>) target(%dma_start3A_61 : memref<80x128xf32, #tpu.memory_space<hbm>>) target_semaphore(%run_scoped3A : memref<!tpu.dma_semaphore, #tpu.memory_space<semaphore_mem>>)
        %dma_wait3A_62 = arith.constant 0 : i32
        %dma_wait3A_63 = tpu.memref_slice %arg5[%arg0, %add3A, %dma_wait3A_62] : memref<2x10000x128xf32, #tpu.memory_space<hbm>> -> memref<1x80x128xf32, #tpu.memory_space<hbm>>
        %dma_wait3A_64 = tpu.memref_squeeze %dma_wait3A_63 : memref<1x80x128xf32, #tpu.memory_space<hbm>> -> memref<80x128xf32, #tpu.memory_space<hbm>>
        %dma_wait3A_65 = arith.constant 0 : i32
        %dma_wait3A_66 = tpu.memref_slice %arg5[%arg0, %add3A, %dma_wait3A_65] : memref<2x10000x128xf32, #tpu.memory_space<hbm>> -> memref<1x80x128xf32, #tpu.memory_space<hbm>>
        %dma_wait3A_67 = tpu.memref_squeeze %dma_wait3A_66 : memref<1x80x128xf32, #tpu.memory_space<hbm>> -> memref<80x128xf32, #tpu.memory_space<hbm>>
        tpu.wait_dma2 semaphore(%run_scoped3A : memref<!tpu.dma_semaphore, #tpu.memory_space<semaphore_mem>>) src(%arg9 : memref<80x128xf32, #tpu.memory_space<vmem>>) dst(%dma_wait3A_67 : memref<80x128xf32, #tpu.memory_space<hbm>>)
        tpu.yield
      }) : () -> ()
    }
    %while3A_51 = arith.constant 1 : i32
    scf.for %while3A_52 = %while3A_49 to %while3A_45 step %while3A_51  : i32 {
      %mul3A = arith.constant 640 : i32
      %mul3A_53 = arith.muli %arg1, %mul3A : i32
      %mul3A_54 = arith.constant 80 : i32
      %mul3A_55 = arith.muli %while3A_52, %mul3A_54 : i32
      %add3A = arith.addi %mul3A_53, %mul3A_55 : i32
      "tpu.region"() ({
        %run_scoped3A = tpu.sem_alloc : memref<!tpu.dma_semaphore, #tpu.memory_space<semaphore_mem>>
        %dma_start3A_56 = arith.constant 0 : i32
        %dma_start3A_57 = tpu.memref_slice %arg6[%add3A, %dma_start3A_56] : memref<10000x128xf32, #tpu.memory_space<vmem_shared>> -> memref<80x128xf32, #tpu.memory_space<vmem_shared>>
        %dma_start3A_58 = arith.constant 0 : i32
        %dma_start3A_59 = tpu.memref_slice %arg6[%add3A, %dma_start3A_58] : memref<10000x128xf32, #tpu.memory_space<vmem_shared>> -> memref<80x128xf32, #tpu.memory_space<vmem_shared>>
        tpu.enqueue_dma source(%dma_start3A_59 : memref<80x128xf32, #tpu.memory_space<vmem_shared>>) target(%arg9 : memref<80x128xf32, #tpu.memory_space<vmem>>) target_semaphore(%run_scoped3A : memref<!tpu.dma_semaphore, #tpu.memory_space<semaphore_mem>>)
        %dma_wait3A_60 = arith.constant 0 : i32
        %dma_wait3A_61 = tpu.memref_slice %arg6[%add3A, %dma_wait3A_60] : memref<10000x128xf32, #tpu.memory_space<vmem_shared>> -> memref<80x128xf32, #tpu.memory_space<vmem_shared>>
        %dma_wait3A_62 = arith.constant 0 : i32
        %dma_wait3A_63 = tpu.memref_slice %arg6[%add3A, %dma_wait3A_62] : memref<10000x128xf32, #tpu.memory_space<vmem_shared>> -> memref<80x128xf32, #tpu.memory_space<vmem_shared>>
        tpu.wait_dma2 semaphore(%run_scoped3A : memref<!tpu.dma_semaphore, #tpu.memory_space<semaphore_mem>>) src(%dma_wait3A_63 : memref<80x128xf32, #tpu.memory_space<vmem_shared>>) dst(%arg9 : memref<80x128xf32, #tpu.memory_space<vmem>>)
        tpu.yield
      }) : () -> ()
      "tpu.region"() ({
        %run_scoped3A = tpu.sem_alloc : memref<!tpu.dma_semaphore, #tpu.memory_space<semaphore_mem>>
        %dma_start3A_56 = arith.constant 0 : i32
        %dma_start3A_57 = tpu.memref_slice %arg5[%arg0, %add3A, %dma_start3A_56] : memref<2x10000x128xf32, #tpu.memory_space<hbm>> -> memref<1x80x128xf32, #tpu.memory_space<hbm>>
        %dma_start3A_58 = tpu.memref_squeeze %dma_start3A_57 : memref<1x80x128xf32, #tpu.memory_space<hbm>> -> memref<80x128xf32, #tpu.memory_space<hbm>>
        %dma_start3A_59 = arith.constant 0 : i32
        %dma_start3A_60 = tpu.memref_slice %arg5[%arg0, %add3A, %dma_start3A_59] : memref<2x10000x128xf32, #tpu.memory_space<hbm>> -> memref<1x80x128xf32, #tpu.memory_space<hbm>>
        %dma_start3A_61 = tpu.memref_squeeze %dma_start3A_60 : memref<1x80x128xf32, #tpu.memory_space<hbm>> -> memref<80x128xf32, #tpu.memory_space<hbm>>
        tpu.enqueue_dma source(%arg9 : memref<80x128xf32, #tpu.memory_space<vmem>>) target(%dma_start3A_61 : memref<80x128xf32, #tpu.memory_space<hbm>>) target_semaphore(%run_scoped3A : memref<!tpu.dma_semaphore, #tpu.memory_space<semaphore_mem>>)
        %dma_wait3A_62 = arith.constant 0 : i32
        %dma_wait3A_63 = tpu.memref_slice %arg5[%arg0, %add3A, %dma_wait3A_62] : memref<2x10000x128xf32, #tpu.memory_space<hbm>> -> memref<1x80x128xf32, #tpu.memory_space<hbm>>
        %dma_wait3A_64 = tpu.memref_squeeze %dma_wait3A_63 : memref<1x80x128xf32, #tpu.memory_space<hbm>> -> memref<80x128xf32, #tpu.memory_space<hbm>>
        %dma_wait3A_65 = arith.constant 0 : i32
        %dma_wait3A_66 = tpu.memref_slice %arg5[%arg0, %add3A, %dma_wait3A_65] : memref<2x10000x128xf32, #tpu.memory_space<hbm>> -> memref<1x80x128xf32, #tpu.memory_space<hbm>>
        %dma_wait3A_67 = tpu.memref_squeeze %dma_wait3A_66 : memref<1x80x128xf32, #tpu.memory_space<hbm>> -> memref<80x128xf32, #tpu.memory_space<hbm>>
        tpu.wait_dma2 semaphore(%run_scoped3A : memref<!tpu.dma_semaphore, #tpu.memory_space<semaphore_mem>>) src(%arg9 : memref<80x128xf32, #tpu.memory_space<vmem>>) dst(%dma_wait3A_67 : memref<80x128xf32, #tpu.memory_space<hbm>>)
        tpu.yield
      }) : () -> ()
    }
    return
  }
}

module attributes {stable_mosaic.version = 14 : i64} {
  func.func @_tc_embed_body(%arg0: i32, %arg1: memref<1000x128xf32, #tpu.memory_space<vmem>>, %arg2: memref<128x256xf32, #tpu.memory_space<vmem>>, %arg3: memref<256x256xf32, #tpu.memory_space<vmem>>, %arg4: memref<2x1000x128xf32, #tpu.memory_space<vmem>>, %arg5: memref<2x1000x128xf32, #tpu.memory_space<vmem>>) attributes {dimension_semantics = [#tpu.dimension_semantics<arbitrary>], iteration_bounds = array<i64: 10>, scalar_prefetch = 0 : i64, scratch_operands = 0 : i64, tpu.core_type = #tpu.core_type<tc>, window_params = [{transform_indices = @transform_0, window_bounds = array<i64: 1000, 128>}, {pipeline_mode = #tpu.pipeline_mode<synchronous>, transform_indices = @transform_1, window_bounds = array<i64: 128, 256>}, {pipeline_mode = #tpu.pipeline_mode<synchronous>, transform_indices = @transform_2, window_bounds = array<i64: 256, 256>}, {transform_indices = @transform_3, window_bounds = array<i64: 2, 1000, 128>}, {transform_indices = @transform_4, window_bounds = array<i64: 2, 1000, 128>}]} {
    %get3A = arith.constant 0 : index
    %get3A_0 = arith.constant 0 : index
    %get3A_1 = vector.load %arg1[%get3A, %get3A_0] : memref<1000x128xf32, #tpu.memory_space<vmem>>, vector<1000x128xf32>
    %get3A_2 = arith.constant 0 : index
    %get3A_3 = arith.constant 0 : index
    %get3A_4 = vector.load %arg2[%get3A_2, %get3A_3] : memref<128x256xf32, #tpu.memory_space<vmem>>, vector<128x256xf32>
    %dot_general3A = arith.constant dense<0.000000e+00> : vector<1000x256xf32>
    %dot_general3A_5 = tpu.matmul %get3A_1, %get3A_4, %dot_general3A {dimension_numbers = #tpu.dot_dimension_numbers<[1], [0], [0], [1], [0, 0, 1, 1], [], []>, transpose_lhs_hint = false} : vector<1000x128xf32>, vector<128x256xf32>, vector<1000x256xf32> -> vector<1000x256xf32>
    %get3A_6 = arith.constant 0 : index
    %get3A_7 = arith.constant 0 : index
    %get3A_8 = vector.load %arg3[%get3A_6, %get3A_7] : memref<256x256xf32, #tpu.memory_space<vmem>>, vector<256x256xf32>
    %dot_general3A_9 = arith.constant dense<0.000000e+00> : vector<1000x256xf32>
    %dot_general3A_10 = tpu.matmul %dot_general3A_5, %get3A_8, %dot_general3A_9 {dimension_numbers = #tpu.dot_dimension_numbers<[1], [0], [0], [1], [0, 0, 1, 1], [], []>, transpose_lhs_hint = false} : vector<1000x256xf32>, vector<256x256xf32>, vector<1000x256xf32> -> vector<1000x256xf32>
    %get3A_11 = arith.constant 0 : index
    %get3A_12 = arith.constant 0 : index
    %get3A_13 = arith.constant 0 : index
    %get3A_14 = vector.load %arg4[%get3A_11, %get3A_12, %get3A_13] : memref<2x1000x128xf32, #tpu.memory_space<vmem>>, vector<2x1000x128xf32>
    %slice3A = vector.extract_strided_slice %get3A_14 {offsets = [0, 0, 0], sizes = [1, 1000, 128], strides = [1, 1, 1]} : vector<2x1000x128xf32> to vector<1x1000x128xf32>
    %squeeze3A = vector.shape_cast %slice3A : vector<1x1000x128xf32> to vector<1000x128xf32>
    %slice3A_15 = vector.extract_strided_slice %squeeze3A {offsets = [0, 0], sizes = [1000, 1], strides = [1, 1]} : vector<1000x128xf32> to vector<1000x1xf32>
    %slice3A_16 = vector.extract_strided_slice %get3A_14 {offsets = [1, 0, 0], sizes = [1, 1000, 128], strides = [1, 1, 1]} : vector<2x1000x128xf32> to vector<1x1000x128xf32>
    %squeeze3A_17 = vector.shape_cast %slice3A_16 : vector<1x1000x128xf32> to vector<1000x128xf32>
    %slice3A_18 = vector.extract_strided_slice %squeeze3A_17 {offsets = [0, 0], sizes = [1000, 1], strides = [1, 1]} : vector<1000x128xf32> to vector<1000x1xf32>
    %add3A = arith.addf %slice3A_15, %slice3A_18 : vector<1000x1xf32>
    %max3A = arith.constant 1.000000e+00 : f32
    %max3A_19 = vector.broadcast %max3A : f32 to vector<1000x1xf32>
    %max3A_20 = arith.maximumf %add3A, %max3A_19 : vector<1000x1xf32>
    %rsqrt3A = math.rsqrt %max3A_20 : vector<1000x1xf32>
    %mul3A = vector.broadcast %rsqrt3A : vector<1000x1xf32> to vector<1000x256xf32>
    %mul3A_21 = arith.mulf %dot_general3A_10, %mul3A : vector<1000x256xf32>
    %slice3A_22 = vector.extract_strided_slice %mul3A_21 {offsets = [0, 0], sizes = [1000, 128], strides = [1, 1]} : vector<1000x256xf32> to vector<1000x128xf32>
    %swap3A = arith.constant 0 : index
    %swap3A_23 = arith.constant 0 : index
    %swap3A_24 = arith.constant 0 : index
    %swap3A_25 = vector.load %arg5[%swap3A, %swap3A_23, %swap3A_24] : memref<2x1000x128xf32, #tpu.memory_space<vmem>>, vector<1x1000x128xf32>
    %swap3A_26 = vector.shape_cast %swap3A_25 : vector<1x1000x128xf32> to vector<1000x128xf32>
    %swap3A_27 = vector.shape_cast %slice3A_22 : vector<1000x128xf32> to vector<1x1000x128xf32>
    tpu.vector_store %arg5[%swap3A, %swap3A_23, %swap3A_24], %swap3A_27 {strides = array<i32>} : memref<2x1000x128xf32, #tpu.memory_space<vmem>>, vector<1x1000x128xf32>,
    %slice3A_28 = vector.extract_strided_slice %mul3A_21 {offsets = [0, 128], sizes = [1000, 128], strides = [1, 1]} : vector<1000x256xf32> to vector<1000x128xf32>
    %swap3A_29 = arith.constant 1 : index
    %swap3A_30 = arith.constant 0 : index
    %swap3A_31 = arith.constant 0 : index
    %swap3A_32 = vector.load %arg5[%swap3A_29, %swap3A_30, %swap3A_31] : memref<2x1000x128xf32, #tpu.memory_space<vmem>>, vector<1x1000x128xf32>
    %swap3A_33 = vector.shape_cast %swap3A_32 : vector<1x1000x128xf32> to vector<1000x128xf32>
    %swap3A_34 = vector.shape_cast %slice3A_28 : vector<1000x128xf32> to vector<1x1000x128xf32>
    tpu.vector_store %arg5[%swap3A_29, %swap3A_30, %swap3A_31], %swap3A_34 {strides = array<i32>} : memref<2x1000x128xf32, #tpu.memory_space<vmem>>, vector<1x1000x128xf32>,
    return
  }
  func.func @transform_0(%arg0: i32) -> (i32, i32) {
    %c0_i32 = arith.constant 0 : i32
    %c0_i32_0 = arith.constant 0 : i32
    return %arg0, %c0_i32 : i32, i32
  }
  func.func @transform_1(%arg0: i32) -> (i32, i32) {
    %c0_i32 = arith.constant 0 : i32
    %c0_i32_0 = arith.constant 0 : i32
    %c0_i32_1 = arith.constant 0 : i32
    return %c0_i32, %c0_i32_0 : i32, i32
  }
  func.func @transform_2(%arg0: i32) -> (i32, i32) {
    %c0_i32 = arith.constant 0 : i32
    %c0_i32_0 = arith.constant 0 : i32
    %c0_i32_1 = arith.constant 0 : i32
    return %c0_i32, %c0_i32_0 : i32, i32
  }
  func.func @transform_3(%arg0: i32) -> (i32, i32, i32) {
    %c0_i32 = arith.constant 0 : i32
    %c0_i32_0 = arith.constant 0 : i32
    %c0_i32_1 = arith.constant 0 : i32
    return %c0_i32, %arg0, %c0_i32_0 : i32, i32, i32
  }
  func.func @transform_4(%arg0: i32) -> (i32, i32, i32) {
    %c0_i32 = arith.constant 0 : i32
    %c0_i32_0 = arith.constant 0 : i32
    %c0_i32_1 = arith.constant 0 : i32
    return %c0_i32, %arg0, %c0_i32_0 : i32, i32, i32
  }
}

module attributes {stable_mosaic.version = 14 : i64} {
  func.func @_tc_layer2_body(%arg0: i32, %arg1: memref<2x1000x128xf32, #tpu.memory_space<vmem>>, %arg2: memref<2x1000x128xf32, #tpu.memory_space<vmem>>, %arg3: memref<256x256xf32, #tpu.memory_space<vmem>>, %arg4: memref<2x1000x128xf32, #tpu.memory_space<vmem>>) attributes {dimension_semantics = [#tpu.dimension_semantics<arbitrary>], iteration_bounds = array<i64: 10>, scalar_prefetch = 0 : i64, scratch_operands = 0 : i64, tpu.core_type = #tpu.core_type<tc>, window_params = [{transform_indices = @transform_0, window_bounds = array<i64: 2, 1000, 128>}, {transform_indices = @transform_1, window_bounds = array<i64: 2, 1000, 128>}, {pipeline_mode = #tpu.pipeline_mode<synchronous>, transform_indices = @transform_2, window_bounds = array<i64: 256, 256>}, {transform_indices = @transform_3, window_bounds = array<i64: 2, 1000, 128>}]} {
    %get3A = arith.constant 0 : index
    %get3A_0 = arith.constant 0 : index
    %get3A_1 = arith.constant 0 : index
    %get3A_2 = vector.load %arg2[%get3A, %get3A_0, %get3A_1] : memref<2x1000x128xf32, #tpu.memory_space<vmem>>, vector<2x1000x128xf32>
    %slice3A = vector.extract_strided_slice %get3A_2 {offsets = [0, 0, 0], sizes = [1, 1000, 128], strides = [1, 1, 1]} : vector<2x1000x128xf32> to vector<1x1000x128xf32>
    %squeeze3A = vector.shape_cast %slice3A : vector<1x1000x128xf32> to vector<1000x128xf32>
    %slice3A_3 = vector.extract_strided_slice %squeeze3A {offsets = [0, 0], sizes = [1000, 1], strides = [1, 1]} : vector<1000x128xf32> to vector<1000x1xf32>
    %slice3A_4 = vector.extract_strided_slice %get3A_2 {offsets = [1, 0, 0], sizes = [1, 1000, 128], strides = [1, 1, 1]} : vector<2x1000x128xf32> to vector<1x1000x128xf32>
    %squeeze3A_5 = vector.shape_cast %slice3A_4 : vector<1x1000x128xf32> to vector<1000x128xf32>
    %slice3A_6 = vector.extract_strided_slice %squeeze3A_5 {offsets = [0, 0], sizes = [1000, 1], strides = [1, 1]} : vector<1000x128xf32> to vector<1000x1xf32>
    %add3A = arith.addf %slice3A_3, %slice3A_6 : vector<1000x1xf32>
    %max3A = arith.constant 1.000000e+00 : f32
    %max3A_7 = vector.broadcast %max3A : f32 to vector<1000x1xf32>
    %max3A_8 = arith.maximumf %add3A, %max3A_7 : vector<1000x1xf32>
    %rsqrt3A = math.rsqrt %max3A_8 : vector<1000x1xf32>
    %get3A_9 = arith.constant 0 : index
    %get3A_10 = arith.constant 0 : index
    %get3A_11 = arith.constant 0 : index
    %get3A_12 = vector.load %arg1[%get3A_9, %get3A_10, %get3A_11] : memref<2x1000x128xf32, #tpu.memory_space<vmem>>, vector<2x1000x128xf32>
    %slice3A_13 = vector.extract_strided_slice %get3A_12 {offsets = [0, 0, 0], sizes = [1, 1000, 128], strides = [1, 1, 1]} : vector<2x1000x128xf32> to vector<1x1000x128xf32>
    %squeeze3A_14 = vector.shape_cast %slice3A_13 : vector<1x1000x128xf32> to vector<1000x128xf32>
    %slice3A_15 = vector.extract_strided_slice %get3A_12 {offsets = [1, 0, 0], sizes = [1, 1000, 128], strides = [1, 1, 1]} : vector<2x1000x128xf32> to vector<1x1000x128xf32>
    %squeeze3A_16 = vector.shape_cast %slice3A_15 : vector<1x1000x128xf32> to vector<1000x128xf32>
    %concatenate3A = tpu.concatenate %squeeze3A_14, %squeeze3A_16 in 1 : vector<1000x128xf32>, vector<1000x128xf32> -> vector<1000x256xf32>
    %mul3A = vector.broadcast %rsqrt3A : vector<1000x1xf32> to vector<1000x256xf32>
    %mul3A_17 = arith.mulf %concatenate3A, %mul3A : vector<1000x256xf32>
    %max3A_18 = arith.constant 0.000000e+00 : f32
    %max3A_19 = vector.broadcast %max3A_18 : f32 to vector<1000x256xf32>
    %max3A_20 = arith.maximumf %mul3A_17, %max3A_19 : vector<1000x256xf32>
    %get3A_21 = arith.constant 0 : index
    %get3A_22 = arith.constant 0 : index
    %get3A_23 = vector.load %arg3[%get3A_21, %get3A_22] : memref<256x256xf32, #tpu.memory_space<vmem>>, vector<256x256xf32>
    %dot_general3A = arith.constant dense<0.000000e+00> : vector<1000x256xf32>
    %dot_general3A_24 = tpu.matmul %max3A_20, %get3A_23, %dot_general3A {dimension_numbers = #tpu.dot_dimension_numbers<[1], [0], [0], [1], [0, 0, 1, 1], [], []>, transpose_lhs_hint = false} : vector<1000x256xf32>, vector<256x256xf32>, vector<1000x256xf32> -> vector<1000x256xf32>
    %mul3A_25 = vector.broadcast %rsqrt3A : vector<1000x1xf32> to vector<1000x256xf32>
    %mul3A_26 = arith.mulf %dot_general3A_24, %mul3A_25 : vector<1000x256xf32>
    %slice3A_27 = vector.extract_strided_slice %mul3A_26 {offsets = [0, 0], sizes = [1000, 128], strides = [1, 1]} : vector<1000x256xf32> to vector<1000x128xf32>
    %swap3A = arith.constant 0 : index
    %swap3A_28 = arith.constant 0 : index
    %swap3A_29 = arith.constant 0 : index
    %swap3A_30 = vector.load %arg4[%swap3A, %swap3A_28, %swap3A_29] : memref<2x1000x128xf32, #tpu.memory_space<vmem>>, vector<1x1000x128xf32>
    %swap3A_31 = vector.shape_cast %swap3A_30 : vector<1x1000x128xf32> to vector<1000x128xf32>
    %swap3A_32 = vector.shape_cast %slice3A_27 : vector<1000x128xf32> to vector<1x1000x128xf32>
    tpu.vector_store %arg4[%swap3A, %swap3A_28, %swap3A_29], %swap3A_32 {strides = array<i32>} : memref<2x1000x128xf32, #tpu.memory_space<vmem>>, vector<1x1000x128xf32>,
    %slice3A_33 = vector.extract_strided_slice %mul3A_26 {offsets = [0, 128], sizes = [1000, 128], strides = [1, 1]} : vector<1000x256xf32> to vector<1000x128xf32>
    %swap3A_34 = arith.constant 1 : index
    %swap3A_35 = arith.constant 0 : index
    %swap3A_36 = arith.constant 0 : index
    %swap3A_37 = vector.load %arg4[%swap3A_34, %swap3A_35, %swap3A_36] : memref<2x1000x128xf32, #tpu.memory_space<vmem>>, vector<1x1000x128xf32>
    %swap3A_38 = vector.shape_cast %swap3A_37 : vector<1x1000x128xf32> to vector<1000x128xf32>
    %swap3A_39 = vector.shape_cast %slice3A_33 : vector<1000x128xf32> to vector<1x1000x128xf32>
    tpu.vector_store %arg4[%swap3A_34, %swap3A_35, %swap3A_36], %swap3A_39 {strides = array<i32>} : memref<2x1000x128xf32, #tpu.memory_space<vmem>>, vector<1x1000x128xf32>,
    return
  }
  func.func @transform_0(%arg0: i32) -> (i32, i32, i32) {
    %c0_i32 = arith.constant 0 : i32
    %c0_i32_0 = arith.constant 0 : i32
    %c0_i32_1 = arith.constant 0 : i32
    return %c0_i32, %arg0, %c0_i32_0 : i32, i32, i32
  }
  func.func @transform_1(%arg0: i32) -> (i32, i32, i32) {
    %c0_i32 = arith.constant 0 : i32
    %c0_i32_0 = arith.constant 0 : i32
    %c0_i32_1 = arith.constant 0 : i32
    return %c0_i32, %arg0, %c0_i32_0 : i32, i32, i32
  }
  func.func @transform_2(%arg0: i32) -> (i32, i32) {
    %c0_i32 = arith.constant 0 : i32
    %c0_i32_0 = arith.constant 0 : i32
    %c0_i32_1 = arith.constant 0 : i32
    return %c0_i32, %c0_i32_0 : i32, i32
  }
  func.func @transform_3(%arg0: i32) -> (i32, i32, i32) {
    %c0_i32 = arith.constant 0 : i32
    %c0_i32_0 = arith.constant 0 : i32
    %c0_i32_1 = arith.constant 0 : i32
    return %c0_i32, %arg0, %c0_i32_0 : i32, i32, i32
  }
}

module attributes {stable_mosaic.version = 14 : i64} {
  func.func @_tc_readout_body(%arg0: i32, %arg1: memref<2x1000x128xf32, #tpu.memory_space<vmem>>, %arg2: memref<2x1000x128xf32, #tpu.memory_space<vmem>>, %arg3: memref<128x256xf32, #tpu.memory_space<vmem>>, %arg4: memref<128x128xf32, #tpu.memory_space<vmem>>, %arg5: memref<8x128xf32, #tpu.memory_space<vmem>>, %arg6: memref<8x128xf32, #tpu.memory_space<vmem>>, %arg7: memref<8x128xf32, #tpu.memory_space<vmem>>) attributes {dimension_semantics = [#tpu.dimension_semantics<arbitrary>], iteration_bounds = array<i64: 10>, scalar_prefetch = 0 : i64, scratch_operands = 1 : i64, tpu.core_type = #tpu.core_type<tc>, window_params = [{transform_indices = @transform_0, window_bounds = array<i64: 2, 1000, 128>}, {transform_indices = @transform_1, window_bounds = array<i64: 2, 1000, 128>}, {pipeline_mode = #tpu.pipeline_mode<synchronous>, transform_indices = @transform_2, window_bounds = array<i64: 128, 256>}, {pipeline_mode = #tpu.pipeline_mode<synchronous>, transform_indices = @transform_3, window_bounds = array<i64: 128, 128>}, {pipeline_mode = #tpu.pipeline_mode<synchronous>, transform_indices = @transform_4, window_bounds = array<i64: 8, 128>}, {pipeline_mode = #tpu.pipeline_mode<synchronous>, transform_indices = @transform_5, window_bounds = array<i64: 8, 128>}]} {
    %eq3A = arith.constant 0 : i32
    %eq3A_0 = arith.cmpi eq, %arg0, %eq3A : i32
    %convert_element_type3A = arith.extui %eq3A_0 : i1 to i32
    %cond3A = arith.constant 0 : i32
    %cond3A_1 = arith.cmpi ne, %convert_element_type3A, %cond3A : i32
    scf.if %cond3A_1 {
      %broadcast_in_dim3A_58 = arith.constant 0.000000e+00 : f32
      %broadcast_in_dim3A_59 = vector.broadcast %broadcast_in_dim3A_58 : f32 to vector<8x128xf32>
      %swap3A_60 = arith.constant 0 : index
      %swap3A_61 = arith.constant 0 : index
      %swap3A_62 = vector.load %arg7[%swap3A_60, %swap3A_61] : memref<8x128xf32, #tpu.memory_space<vmem>>, vector<8x128xf32>
      tpu.vector_store %arg7[%swap3A_60, %swap3A_61], %broadcast_in_dim3A_59 {strides = array<i32>} : memref<8x128xf32, #tpu.memory_space<vmem>>, vector<8x128xf32>,
    } else {
    }
    %get3A = arith.constant 0 : index
    %get3A_2 = arith.constant 0 : index
    %get3A_3 = arith.constant 0 : index
    %get3A_4 = vector.load %arg2[%get3A, %get3A_2, %get3A_3] : memref<2x1000x128xf32, #tpu.memory_space<vmem>>, vector<2x1000x128xf32>
    %slice3A = vector.extract_strided_slice %get3A_4 {offsets = [0, 0, 0], sizes = [1, 1000, 128], strides = [1, 1, 1]} : vector<2x1000x128xf32> to vector<1x1000x128xf32>
    %squeeze3A = vector.shape_cast %slice3A : vector<1x1000x128xf32> to vector<1000x128xf32>
    %slice3A_5 = vector.extract_strided_slice %squeeze3A {offsets = [0, 0], sizes = [1000, 1], strides = [1, 1]} : vector<1000x128xf32> to vector<1000x1xf32>
    %slice3A_6 = vector.extract_strided_slice %get3A_4 {offsets = [1, 0, 0], sizes = [1, 1000, 128], strides = [1, 1, 1]} : vector<2x1000x128xf32> to vector<1x1000x128xf32>
    %squeeze3A_7 = vector.shape_cast %slice3A_6 : vector<1x1000x128xf32> to vector<1000x128xf32>
    %slice3A_8 = vector.extract_strided_slice %squeeze3A_7 {offsets = [0, 0], sizes = [1000, 1], strides = [1, 1]} : vector<1000x128xf32> to vector<1000x1xf32>
    %add3A = arith.addf %slice3A_5, %slice3A_8 : vector<1000x1xf32>
    %max3A = arith.constant 1.000000e+00 : f32
    %max3A_9 = vector.broadcast %max3A : f32 to vector<1000x1xf32>
    %max3A_10 = arith.maximumf %add3A, %max3A_9 : vector<1000x1xf32>
    %rsqrt3A = math.rsqrt %max3A_10 : vector<1000x1xf32>
    %get3A_11 = arith.constant 0 : index
    %get3A_12 = arith.constant 0 : index
    %get3A_13 = arith.constant 0 : index
    %get3A_14 = vector.load %arg1[%get3A_11, %get3A_12, %get3A_13] : memref<2x1000x128xf32, #tpu.memory_space<vmem>>, vector<2x1000x128xf32>
    %slice3A_15 = vector.extract_strided_slice %get3A_14 {offsets = [0, 0, 0], sizes = [1, 1000, 128], strides = [1, 1, 1]} : vector<2x1000x128xf32> to vector<1x1000x128xf32>
    %squeeze3A_16 = vector.shape_cast %slice3A_15 : vector<1x1000x128xf32> to vector<1000x128xf32>
    %slice3A_17 = vector.extract_strided_slice %get3A_14 {offsets = [1, 0, 0], sizes = [1, 1000, 128], strides = [1, 1, 1]} : vector<2x1000x128xf32> to vector<1x1000x128xf32>
    %squeeze3A_18 = vector.shape_cast %slice3A_17 : vector<1x1000x128xf32> to vector<1000x128xf32>
    %concatenate3A = tpu.concatenate %squeeze3A_16, %squeeze3A_18 in 1 : vector<1000x128xf32>, vector<1000x128xf32> -> vector<1000x256xf32>
    %mul3A = vector.broadcast %rsqrt3A : vector<1000x1xf32> to vector<1000x256xf32>
    %mul3A_19 = arith.mulf %concatenate3A, %mul3A : vector<1000x256xf32>
    %max3A_20 = arith.constant 0.000000e+00 : f32
    %max3A_21 = vector.broadcast %max3A_20 : f32 to vector<1000x256xf32>
    %max3A_22 = arith.maximumf %mul3A_19, %max3A_21 : vector<1000x256xf32>
    %get3A_23 = arith.constant 0 : index
    %get3A_24 = arith.constant 0 : index
    %get3A_25 = vector.load %arg3[%get3A_23, %get3A_24] : memref<128x256xf32, #tpu.memory_space<vmem>>, vector<128x256xf32>
    %mul3A_26 = arith.mulf %max3A_22, %max3A_22 : vector<1000x256xf32>
    %reduce_sum3A = arith.constant dense<0.000000e+00> : vector<1000xf32>
    %reduce_sum3A_27 = vector.multi_reduction <add>, %mul3A_26, %reduce_sum3A [1] : vector<1000x256xf32> to vector<1000xf32>
    %broadcast_in_dim3A = vector.shape_cast %reduce_sum3A_27 : vector<1000xf32> to vector<1000x1xf32>
    %mul3A_28 = arith.mulf %get3A_25, %get3A_25 : vector<128x256xf32>
    %reduce_sum3A_29 = arith.constant dense<0.000000e+00> : vector<128xf32>
    %reduce_sum3A_30 = vector.multi_reduction <add>, %mul3A_28, %reduce_sum3A_29 [1] : vector<128x256xf32> to vector<128xf32>
    %broadcast_in_dim3A_31 = vector.shape_cast %reduce_sum3A_30 : vector<128xf32> to vector<1x128xf32>
    %dot_general3A = arith.constant dense<0.000000e+00> : vector<1000x128xf32>
    %dot_general3A_32 = tpu.matmul %max3A_22, %get3A_25, %dot_general3A {dimension_numbers = #tpu.dot_dimension_numbers<[1], [1], [0], [0], [0, 0, 1, 0], [], []>, transpose_lhs_hint = false} : vector<1000x256xf32>, vector<128x256xf32>, vector<1000x128xf32> -> vector<1000x128xf32>
    %add3A_33 = vector.broadcast %broadcast_in_dim3A : vector<1000x1xf32> to vector<1000x128xf32>
    %add3A_34 = vector.broadcast %broadcast_in_dim3A_31 : vector<1x128xf32> to vector<1000x128xf32>
    %add3A_35 = arith.addf %add3A_33, %add3A_34 : vector<1000x128xf32>
    %mul3A_36 = arith.constant 2.000000e+00 : f32
    %mul3A_37 = vector.broadcast %mul3A_36 : f32 to vector<1000x128xf32>
    %mul3A_38 = arith.mulf %mul3A_37, %dot_general3A_32 : vector<1000x128xf32>
    %sub3A = arith.subf %add3A_35, %mul3A_38 : vector<1000x128xf32>
    %max3A_39 = arith.constant 0.000000e+00 : f32
    %max3A_40 = vector.broadcast %max3A_39 : f32 to vector<1000x128xf32>
    %max3A_41 = arith.maximumf %sub3A, %max3A_40 : vector<1000x128xf32>
    %add3A_42 = arith.constant 9.99999993E-9 : f32
    %add3A_43 = vector.broadcast %add3A_42 : f32 to vector<1000x128xf32>
    %add3A_44 = arith.addf %max3A_41, %add3A_43 : vector<1000x128xf32>
    %sqrt3A = math.sqrt %add3A_44 : vector<1000x128xf32>
    %get3A_45 = arith.constant 0 : index
    %get3A_46 = arith.constant 0 : index
    %get3A_47 = vector.load %arg7[%get3A_45, %get3A_46] : memref<8x128xf32, #tpu.memory_space<vmem>>, vector<8x128xf32>
    %reshape3A = vector.shape_cast %sqrt3A : vector<1000x128xf32> to vector<125x8x128xf32>
    %reduce_sum3A_48 = arith.constant dense<0.000000e+00> : vector<8x128xf32>
    %reduce_sum3A_49 = vector.multi_reduction <add>, %reshape3A, %reduce_sum3A_48 [0] : vector<125x8x128xf32> to vector<8x128xf32>
    %add3A_50 = arith.addf %get3A_47, %reduce_sum3A_49 : vector<8x128xf32>
    %swap3A = arith.constant 0 : index
    %swap3A_51 = arith.constant 0 : index
    %swap3A_52 = vector.load %arg7[%swap3A, %swap3A_51] : memref<8x128xf32, #tpu.memory_space<vmem>>, vector<8x128xf32>
    tpu.vector_store %arg7[%swap3A, %swap3A_51], %add3A_50 {strides = array<i32>} : memref<8x128xf32, #tpu.memory_space<vmem>>, vector<8x128xf32>,
    %eq3A_53 = arith.constant 9 : i32
    %eq3A_54 = arith.cmpi eq, %arg0, %eq3A_53 : i32
    %convert_element_type3A_55 = arith.extui %eq3A_54 : i1 to i32
    %cond3A_56 = arith.constant 0 : i32
    %cond3A_57 = arith.cmpi ne, %convert_element_type3A_55, %cond3A_56 : i32
    scf.if %cond3A_57 {
      %get3A_58 = arith.constant 0 : index
      %get3A_59 = arith.constant 0 : index
      %get3A_60 = vector.load %arg7[%get3A_58, %get3A_59] : memref<8x128xf32, #tpu.memory_space<vmem>>, vector<8x128xf32>
      %reduce_sum3A_61 = arith.constant dense<0.000000e+00> : vector<128xf32>
      %reduce_sum3A_62 = vector.multi_reduction <add>, %get3A_60, %reduce_sum3A_61 [0] : vector<8x128xf32> to vector<128xf32>
      %broadcast_in_dim3A_63 = vector.shape_cast %reduce_sum3A_62 : vector<128xf32> to vector<1x128xf32>
      %mul3A_64 = arith.constant 9.99999974E-5 : f32
      %mul3A_65 = vector.broadcast %mul3A_64 : f32 to vector<1x128xf32>
      %mul3A_66 = arith.mulf %broadcast_in_dim3A_63, %mul3A_65 : vector<1x128xf32>
      %get3A_67 = arith.constant 0 : index
      %get3A_68 = arith.constant 0 : index
      %get3A_69 = vector.load %arg4[%get3A_67, %get3A_68] : memref<128x128xf32, #tpu.memory_space<vmem>>, vector<128x128xf32>
      %dot_general3A_70 = arith.constant dense<0.000000e+00> : vector<1x128xf32>
      %dot_general3A_71 = tpu.matmul %mul3A_66, %get3A_69, %dot_general3A_70 {dimension_numbers = #tpu.dot_dimension_numbers<[1], [0], [0], [1], [0, 0, 1, 1], [], []>, transpose_lhs_hint = false} : vector<1x128xf32>, vector<128x128xf32>, vector<1x128xf32> -> vector<1x128xf32>
      %broadcast_in_dim3A_72 = vector.shape_cast %dot_general3A_71 : vector<1x128xf32> to vector<1x128xf32>
      %broadcast_in_dim3A_73 = vector.broadcast %broadcast_in_dim3A_72 : vector<1x128xf32> to vector<8x128xf32>
      %get3A_74 = arith.constant 0 : index
      %get3A_75 = arith.constant 0 : index
      %get3A_76 = vector.load %arg5[%get3A_74, %get3A_75] : memref<8x128xf32, #tpu.memory_space<vmem>>, vector<8x128xf32>
      %add3A_77 = arith.addf %broadcast_in_dim3A_73, %get3A_76 : vector<8x128xf32>
      %swap3A_78 = arith.constant 0 : index
      %swap3A_79 = arith.constant 0 : index
      %swap3A_80 = vector.load %arg6[%swap3A_78, %swap3A_79] : memref<8x128xf32, #tpu.memory_space<vmem>>, vector<8x128xf32>
      tpu.vector_store %arg6[%swap3A_78, %swap3A_79], %add3A_77 {strides = array<i32>} : memref<8x128xf32, #tpu.memory_space<vmem>>, vector<8x128xf32>,
    } else {
    }
    return
  }
  func.func @transform_0(%arg0: i32) -> (i32, i32, i32) {
    %c0_i32 = arith.constant 0 : i32
    %c0_i32_0 = arith.constant 0 : i32
    %c0_i32_1 = arith.constant 0 : i32
    return %c0_i32, %arg0, %c0_i32_0 : i32, i32, i32
  }
  func.func @transform_1(%arg0: i32) -> (i32, i32, i32) {
    %c0_i32 = arith.constant 0 : i32
    %c0_i32_0 = arith.constant 0 : i32
    %c0_i32_1 = arith.constant 0 : i32
    return %c0_i32, %arg0, %c0_i32_0 : i32, i32, i32
  }
  func.func @transform_2(%arg0: i32) -> (i32, i32) {
    %c0_i32 = arith.constant 0 : i32
    %c0_i32_0 = arith.constant 0 : i32
    %c0_i32_1 = arith.constant 0 : i32
    return %c0_i32, %c0_i32_0 : i32, i32
  }
  func.func @transform_3(%arg0: i32) -> (i32, i32) {
    %c0_i32 = arith.constant 0 : i32
    %c0_i32_0 = arith.constant 0 : i32
    %c0_i32_1 = arith.constant 0 : i32
    return %c0_i32, %c0_i32_0 : i32, i32
  }
  func.func @transform_4(%arg0: i32) -> (i32, i32) {
    %c0_i32 = arith.constant 0 : i32
    %c0_i32_0 = arith.constant 0 : i32
    %c0_i32_1 = arith.constant 0 : i32
    return %c0_i32, %c0_i32_0 : i32, i32
  }
  func.func @transform_5(%arg0: i32) -> (i32, i32) {
    %c0_i32 = arith.constant 0 : i32
    %c0_i32_0 = arith.constant 0 : i32
    %c0_i32_1 = arith.constant 0 : i32
    return %c0_i32, %c0_i32_0 : i32, i32
  }
}

</mosaic_0001>

<sc_bundles>
// kernel: kernel.11.cloned.1.call-start
scs
__scs_entry_jumppad:
0x0: {  	(pc) =	sbr.rel $0x88, $3  }
0x1: {  	(tag) =	ssettag $0x0;
	lr =	simm.s32 $0x1  }
0x2: {  	[smem:$0x3F99] =	sst lr;
	_ =	strace $0xD0000000  }
0x3: {  	_ = 	snop  }
0x4: {  	_ = 	snop  }
0x5: {  	_ = 	snop  }
0x6: {  	_ = 	snop  }
0x7: {  	_ = 	snop  }
__scs_overlays_trampoline_lowered:
0x8: {  	[smem:$0x3FA8] =	sst s0  }
0x9: {  	[smem:$0x3FA9] =	sst s1  }
0xa: {  	[smem:$0x3FAA] =	sst s2  }
0xb: {  	[smem:$0x3FAB] =	sst s3  }
0xc: {  	[smem:$0x3FAC] =	sst s4  }
0xd: {  	[smem:$0x3FAD] =	sst s5  }
0xe: {  	[smem:$0x3FAE] =	sst s6  }
0xf: {  	[smem:$0x3FAF] =	sst s7  }
0x10: {  	[smem:$0x3FB0] =	sst s8  }
0x11: {  	[smem:$0x3FB1] =	sst s9;
	s0 =	simm.s32 @!p0 $0x0  }
0x12: {  	s1 =	sld [smem:$0x3F97];
	s0 =	simm.s32 @p0 $0x1  }
0x13: {  	[smem:$0x3FB2] =	sst s0;
	s0 =	simm.s32 @!p1 $0x0  }
0x14: {  	s2 =	sld [smem:$0x3F96];
	s0 =	simm.s32 @p1 $0x1  }
0x15: {  	[smem:$0x3FB3] =	sst s0;
	s0 =	simm.s32 @!p2 $0x0  }
0x16: {  	s3 =	sld [smem:$0x3FDB];
	s0 =	simm.s32 @p2 $0x1  }
0x17: {  	s4 =	simm.s32 $0x1BF5;
	[smem:$0x3FB5] =	sst s0  }
0x18: {  	s0 =	sld [smem:$0x3F98];
	_ =	swait.ge [sflag:s4], $0x0  }
0x19: {  	s7 =	sld [smem:$0x3F99]  }
0x1a: {  	s8 =	sadd.s32 $0xFFFFE003, lr  }
0x1b: {  	s9 =	sadd.s32 $0xFFFFFEF7, lr;
	s5 =	simm.s32 $0xFFFFFFFF;
	p2 =	slt.u32 s8, $0xFFFFF086  }
0x1c: {  	p1 =	slt.u32 s9, $0xF7A;
	s5 =	simm.s32 @!p2 $0x0  }
0x1d: {  	s5 =	simm.s32 @p1 $0x1;
	p0 =	seq.s32 s7, s2  }
0x1e: {  	s7 =	smul.u32 @!p0 $0xF7A, s2;
	p2 =	seq.s32 @!p0 s5, $0x0  }
0x1f: {  	s9 =	smul.u32 $0xF7A, s1;
	s8 =	simm.s32 @!p0 $0x1BF5;
	p2 =	por !p2, p0  }
0x20: {  	[sflag:s8] =	ssyncset.s32 @!p0 $0xFFFFF086;
	s6 =	sadd.s32 @!p0 s3, s7;
	s7 =	simm.s32 @!p0 $0x108  }
0x21: {  	s3 =	sadd.s32 s3, s9;
	s6 =	sadd.s32 @!p0 $0x88, s6;
	s7 =	simm.s32 @p2 $0x1082  }
0x22: {  	[simem:s7], [sflag:s8] =	dma.local @!p0 [hbm:s6], $0xF7A  }
0x23: {  	s9 =	sor.u32 $0xD0000000, s2;
	s6 =	simm.s32 $0x108;
	_ =	swait.ge @!p0 [sflag:s8], $0x0  }
0x24: {  	s3 =	sadd.s32 $0x88, s3;
	s6 =	simm.s32 @!p1 $0x1082;
	[sflag:s4] =	ssyncset.s32 $0xFFFFF086  }
0x25: {  	[simem:s6], [sflag:s4] =	dma.local [hbm:s3], $0xF7A  }
0x26: {  	[smem:$0x3F99] =	sst s1;
	(tag) =	ssettag s2;
	_ =	strace s9  }
0x27: {  	s1 =	sld [smem:$0x3FA9]  }
0x28: {  	s2 =	sld [smem:$0x3FAA]  }
0x29: {  	s4 =	sld [smem:$0x3FAC]  }
0x2a: {  	p0 =	seq.s32 s5, $0x0;
	s5 =	sld [smem:$0x3FAD]  }
0x2b: {  	s6 =	sld [smem:$0x3FAE]  }
0x2c: {  	s7 =	sld [smem:$0x3FAF]  }
0x2d: {  	s3 =	simm.s32 $0x108;
	s8 =	sld [smem:$0x3FB0]  }
0x2e: {  	s3 =	simm.s32 @!p0 $0x1082;
	s9 =	sld [smem:$0x3FB1]  }
0x2f: {  	lr =	sadd.s32 s0, s3;
	s0 =	sld [smem:$0x3FA8]  }
0x30: {  	s3 =	sld [smem:$0x3FAB]  }
0x31: {  	[smem:$0x3FB4] =	sst s10  }
0x32: {  	s10 =	sld [smem:$0x3FB2];
	_ =	sdelay $0x3  }
0x33: {  	p0 =	seq.s32 s10, $0x1;
	s10 =	sld [smem:$0x3FB4];
	_ =	sdelay $0x3  }
0x34: {  	[smem:$0x3FB4] =	sst s10  }
0x35: {  	s10 =	sld [smem:$0x3FB3];
	_ =	sdelay $0x3  }
0x36: {  	p1 =	seq.s32 s10, $0x1;
	s10 =	sld [smem:$0x3FB4];
	_ =	sdelay $0x3  }
0x37: {  	[smem:$0x3FB4] =	sst s10  }
0x38: {  	s10 =	sld [smem:$0x3FB5]  }
0x39: {  	_ = 	snop;
	(pc) =	sbr.ind lr, $3  }
0x3a: {  	_ = 	snop  }
0x3b: {  	_ = 	snop  }
0x3c: {  	p2 =	seq.s32 s10, $0x1;
	s10 =	sld [smem:$0x3FB4]  }
0x3d: {  	_ =	shalt  }
0x3e: {  	_ =	shalt  }
0x3f: {  	_ =	shalt  }
0x40: {  	_ =	shalt  }
0x41: {  	_ =	shalt  }
0x42: {  	_ =	shalt  }
0x43: {  	_ =	shalt  }
0x44: {  	_ =	shalt  }
0x45: {  	_ =	shalt  }
0x46: {  	_ =	shalt  }
0x47: {  	_ =	shalt  }
0x48: {  	_ =	shalt  }
0x49: {  	_ =	shalt  }
0x4a: {  	_ =	shalt  }
0x4b: {  	_ =	shalt  }
0x4c: {  	_ =	shalt  }
0x4d: {  	_ =	shalt  }
0x4e: {  	_ =	shalt  }
0x4f: {  	_ =	shalt  }
0x50: {  	_ =	shalt  }
0x51: {  	_ =	shalt  }
0x52: {  	_ =	shalt  }
0x53: {  	_ =	shalt  }
0x54: {  	_ =	shalt  }
0x55: {  	_ =	shalt  }
0x56: {  	_ =	shalt  }
0x57: {  	_ =	shalt  }
0x58: {  	_ =	shalt  }
0x59: {  	_ =	shalt  }
0x5a: {  	_ =	shalt  }
0x5b: {  	_ =	shalt  }
0x5c: {  	_ =	shalt  }
0x5d: {  	_ =	shalt  }
0x5e: {  	_ =	shalt  }
0x5f: {  	_ =	shalt  }
0x60: {  	_ =	shalt  }
0x61: {  	_ =	shalt  }
0x62: {  	_ =	shalt  }
0x63: {  	_ =	shalt  }
0x64: {  	_ =	shalt  }
0x65: {  	_ =	shalt  }
0x66: {  	_ =	shalt  }
0x67: {  	_ =	shalt  }
0x68: {  	_ =	shalt  }
0x69: {  	_ =	shalt  }
0x6a: {  	_ =	shalt  }
0x6b: {  	_ =	shalt  }
0x6c: {  	_ =	shalt  }
0x6d: {  	_ =	shalt  }
0x6e: {  	_ =	shalt  }
0x6f: {  	_ =	shalt  }
0x70: {  	_ =	shalt  }
0x71: {  	_ =	shalt  }
0x72: {  	_ =	shalt  }
0x73: {  	_ =	shalt  }
0x74: {  	_ =	shalt  }
0x75: {  	_ =	shalt  }
0x76: {  	_ =	shalt  }
0x77: {  	_ =	shalt  }
0x78: {  	_ =	shalt  }
0x79: {  	_ =	shalt  }
0x7a: {  	_ =	shalt  }
0x7b: {  	_ =	shalt  }
0x7c: {  	_ =	shalt  }
0x7d: {  	_ =	shalt  }
0x7e: {  	_ =	shalt  }
0x7f: {  	_ =	shalt  }
0x80: {  	_ =	shalt  }
0x81: {  	_ =	shalt  }
0x82: {  	_ =	shalt  }
0x83: {  	_ =	shalt  }
0x84: {  	_ =	shalt  }
0x85: {  	_ =	shalt  }
0x86: {  	_ =	shalt  }
0x87: {  	_ =	shalt  }
.Lfunc_end0:
.L_simem_size_0:
called_computation.1_lowered:
.L_overlay_start_0:
0x88: {  	s2 =	sld [smem:$0x3FD9]  }
0x89: {  	s3 =	sld [smem:$0x3FFE];
	_ =	sdelay $0x1  }
0x8a: {  	s1 =	srdreg.scid  }
0x8b: {  	s0 =	sand.u32 $0x1, s1  }
0x8c: {  	s16 =	sshll.u32 s0, $0xA;
	s2 =	sadd.s32 s3, s2  }
0x8d: {  	s2 =	sadd.s32 s2, s16  }
0x8e: {  	[smem:$0x3FC0] =	sst s2  }
0x8f: {  	_ = 	snop  }
0x90: {  	(tm) =	ssettm $0x1  }
0x91: {  	s17 =	sld [smem:$0x3FFB];
	_ =	sdelay $0x3  }
0x92: {  	_ =	strace s17  }
0x93: {  	s2 =	sld [smem:$0x3FFC];
	_ =	sdelay $0x3  }
0x94: {  	_ =	strace s2  }
0x95: {  	s2 =	sld [smem:$0x3FFD];
	_ =	sdelay $0x3  }
0x96: {  	_ =	strace s2  }
0x97: {  	_ =	strace $0x8FFFFFFF  }
0x98: {  	s18 =	sld [smem:$0x3FDB];
	_ =	sdelay $0x1  }
0x99: {  	s19 =	simm.s32 $_scs_section_size  }
0x9a: {  	s4 =	simm.s32 $_size__tile_overlayer_lowered;
	s5 =	simm.s32 $_tile_overlayer_lowered  }
0x9b: {  	s22 =	simm.s32 $0x1BFF;
	s21 =	sshll.u32 s5, $0x1;
	s2 =	sadd.s32 s19, s18  }
0x9c: {  	s6 =	simm.s32 $0x0;
	s20 =	sshll.u32 s4, $0x1;
	s4 =	sadd.s32 s21, s2  }
0x9d: {  	[timem:s6], [sflag:s22] =	dma.local [hbm:s4], s20  }
0x9e: {  	_ =	swait.ge [sflag:s22], s20  }
0x9f: {  	s3 =	ssub.s32 $0x0, s20;
	[sflag:s22] =	ssyncset.done $0x0  }
0xa0: {  	[sflag:s22] =	ssyncadd.s32 s3;
	_ =	sdelay $0x1  }
0xa1: {  	s23 =	simm.s32 $0x1B8B  }
0xa2: {  	_ =	swait.ge [sflag:s23], $0x1  }
0xa3: {  	[sflag:s23] =	ssyncset.done $0x0  }
0xa4: {  	s25 =	simm.s32 $0x1B8E;
	s24 =	sld [smem:$0x3FFE];
	[sflag:s23] =	ssyncadd.s32 $0xFFFFFFFF  }
0xa5: {  	s26 =	simm.s32 $execute0_lowered;
	[smem:$0x3FD2] =	sst s25  }
0xa6: {  	s4 =	sshll.u32 s26, $0x1;
	_ =	strace $0x80000049;
	[dreg:$0x1] =	wrdreg $0xFFFFFFFF  }
0xa7: {  	s28 =	simm.s32 $_size_execute0_lowered;
	s2 =	sadd.s32 s2, s4;
	[dreg:$0x0] =	wrdreg $0x0  }
0xa8: {  	s4 =	sshll.u32 s28, $0x1;
	[dreg:$0x2] =	wrdreg s2  }
0xa9: {  	[dreg:$0x3] =	wrdreg s4  }
0xaa: {  	[dreg:$0x4] =	wrdreg $0xC0  }
0xab: {  	_ =	task [dreg:s6], $0x5FFFF  }
0xac: {  	[dreg:$0x1] =	wrdreg $0xFFFFFFFF  }
0xad: {  	[dreg:$0x0] =	wrdreg $0x60  }
0xae: {  	[dreg:$0x2] =	wrdreg s24  }
0xaf: {  	[dreg:$0x3] =	wrdreg $0x0  }
0xb0: {  	[dreg:$0x4] =	wrdreg $0x9  }
0xb1: {  	_ =	task.clear_ibuf [dreg:s6], $0x5FFFF;
	_ =	strace $0x90000049  }
0xb2: {  	s29 =	simm.s32 $0x9;
	_ =	strace $0x8000004B  }
0xb3: {  	_ =	swait.ge [sflag:s29], $0x1  }
0xb4: {  	[sflag:s29] =	ssyncadd.s32 $0xFFFFFFFF  }
0xb5: {  	_ =	strace $0x9000004B  }
0xb6: {  	_ =	sfence  }
0xb7: {  	s30 =	sld [smem:$0x0];
	_ =	sdelay $0x2  }
0xb8: {  	s31 =	sshll.u32 s1, $0xD;
	s1 =	sshrl.u32 s1, $0x2  }
0xb9: {  	s3 =	sand.u32 $0x4000, s31;
	s1 =	sadd.s32 s1, s30  }
0xba: {  	s0 =	sor.u32 s3, s0;
	s1 =	sshll.u32 s1, $0x11  }
0xbb: {  	s0 =	sor.u32 s1, s0  }
0xbc: {  	s0 =	sadd.s32 $0x8F2B, s0  }
0xbd: {  	[sflag:s0] =	ssyncadd.remote.s32 $0x1  }
0xbe: {  	_ =	sfence.sel $0xFFFF  }
0xbf: {  	[dreg:$0x0] =	wrdreg $0xFFFFFFFF;
	(pc) =	sbr.abs _section_cstart, $3  }
0xc0: {  	[dreg:$0x1] =	wrdreg $0xFFFFFFFF  }
0xc1: {  	_ =	task.clear_ibuf [dreg:s6], $0x2FFFF;
	_ =	strace $0x9FFFFFFF  }
0xc2: {  	(tm) =	ssettm $0x7FFFFFFF  }
0xc3: {  	_ =	shalt  }
tec
execute0_lowered:
.L_overlay_start_1:
0x0: {  	(tag) =	ssettag $0x1  }
0x1: {  	s0 =	srdreg.scid;
	s1 =	rddreg [dreg:$0x0]  }
0x2: {  	s12 =	stileid.u32;
	s2 =	rddreg [dreg:$0x1]  }
0x3: {  	s13 =	simm.s32 $0x18F00;
	s15 =	simm.s32 $0x400;
	s22 =	simm.s32 $0x18780  }
0x4: {  	s16 =	simm.s32 $0x13880;
	s23 =	simm.s32 $0x18800;
	s17 =	simm.s32 $0x50  }
0x5: {  	s24 =	simm.s32 $0x18880;
	s18 =	simm.s32 $0x138D0;
	s25 =	simm.s32 $0x18900  }
0x6: {  	s26 =	simm.s32 $0x18980;
	s28 =	simm.s32 $0x18A00;
	s29 =	simm.s32 $0x18A80  }
0x7: {  	s30 =	simm.s32 $0x18B00;
	s31 =	simm.s32 $0x18B80;
	s20 =	smul.u32 $0x1900, s12  }
0x8: {  	s0 =	sand.u32 $0x1, s0;
	s3 =	sshrl.u32 s12, $0x3;
	s9 =	smul.u32 $0x50000, s12  }
0x9: {  	s6 =	sshll.u32 s12, $0x7;
	s5 =	smul.u32 $0x27400, s3;
	s3 =	simm.s32 $0x0  }
0xa: {  	p0 =	seq.s32 s12, $0xF;
	s12 =	smul.u32 $0x14000, s12;
	[smem:$0x7FF] =	sst s3  }
0xb: {  	s4 =	smul.u32 $0x4E800, s0;
	_ =	strace $0x8000004A;
	[dreg:$0x3] =	wrdreg s22  }
0xc: {  	s19 =	sand.u32 $0x380, s6;
	s7 =	ssub.s32 $0x2, s0;
	[dreg:$0x4] =	wrdreg s23  }
0xd: {  	s6 =	simm.s32 $0x5;
	s0 =	smul.u32 $0x138800, s0;
	[dreg:$0x5] =	wrdreg s24  }
0xe: {  	s11 =	sadd.s32 s20, s1;
	s21 =	sshrl.u32 s7, $0x1;
	[dreg:$0x6] =	wrdreg s25  }
0xf: {  	s10 =	sshrl.u32 s9, $0x2;
	s20 =	simm.s32 $0x18700;
	[dreg:$0x7] =	wrdreg s26  }
0x10: {  	s4 =	sadd.s32 s4, s5;
	s10 =	sadd.s32 s10, s2;
	[dreg:$0x8] =	wrdreg s28  }
0x11: {  	s11 =	sadd.s32 $0x5A800, s11;
	s12 =	sadd.s32 s12, s0;
	[dreg:$0x9] =	wrdreg s29  }
0x12: {  	s22 =	simm.s32 $0x3;
	s23 =	simm.s32 $0x2;
	[dreg:$0xa] =	wrdreg s30  }
0x13: {  	s24 =	simm.s32 $0x4;
	[dreg:$0xb] =	wrdreg s31;
	s4 =	sor.u32 s19, s4  }
0x14: {  	s25 =	simm.s32 $0x0;
	s19 =	simm.s32 $0x1B700;
	s5 =	sshrl.u32 s4, $0x3  }
0x15: {  	s4 =	sadd.s32 $0x87200, s1;
	s8 =	sadd.s32 s5, s1;
	s5 =	sadd.s32 $0xD5400, s1  }
0x16: {  	s1 =	ssub.s32 s7, s21;
	s7 =	simm.s32 $0x5;
	s21 =	simm.s32 $0x1  }
0x17: {  	v0 =	vimm.f32 $0.0e+00;
	s7 =	simm.s32 @!p0 $0x8;
	s8 =	sadd.s32 $0x73800, s8;
	s9 =	smax.u32 s1, $0x1  }
.LBB2_1:
0x18: {  	s26 =	simm.s32 $0x18F80  }
0x19: {  	[tilespmem:s26+$0xFFFFFF80] =	vst v0  }
0x1a: {  	[tilespmem:s26+$0x70] =	vst v0  }
0x1b: {  	[tilespmem:s26+$0x60] =	vst v0  }
0x1c: {  	[tilespmem:s26+$0x50] =	vst v0  }
0x1d: {  	[tilespmem:s26+$0x40] =	vst v0  }
0x1e: {  	[tilespmem:s26+$0x30] =	vst v0  }
0x1f: {  	[tilespmem:s26+$0x20] =	vst v0  }
0x20: {  	[tilespmem:s26+$0x10] =	vst v0  }
0x21: {  	[tilespmem:s26+$0x0] =	vst v0  }
0x22: {  	[tilespmem:s26+$0xFFFFFFF0] =	vst v0  }
0x23: {  	[tilespmem:s26+$0xFFFFFFE0] =	vst v0  }
0x24: {  	[tilespmem:s26+$0xFFFFFFD0] =	vst v0  }
0x25: {  	[tilespmem:s26+$0xFFFFFFC0] =	vst v0  }
0x26: {  	[tilespmem:s26+$0xFFFFFFB0] =	vst v0  }
0x27: {  	s1 =	simm.s32 $0x0;
	[tilespmem:s26+$0xFFFFFFA0] =	vst v0  }
.LBB2_2:
0x28: {  	s1 =	sadd.s32 $0x2, s1;
	[tilespmem:s26+$0xFFFFFF90] =	vst v0;
	s26 =	sadd.s32 $0x100, s26  }
0x29: {  	[tilespmem:s26+$0xFFFFFF80] =	vst v0;
	p0 =	slt.u32 s1, $0x4E  }
0x2a: {  	[tilespmem:s26+$0x70] =	vst v0  }
0x2b: {  	[tilespmem:s26+$0x60] =	vst v0  }
0x2c: {  	[tilespmem:s26+$0x50] =	vst v0  }
0x2d: {  	[tilespmem:s26+$0x40] =	vst v0  }
0x2e: {  	[tilespmem:s26+$0x30] =	vst v0  }
0x2f: {  	[tilespmem:s26+$0x20] =	vst v0  }
0x30: {  	[tilespmem:s26+$0x10] =	vst v0  }
0x31: {  	[tilespmem:s26+$0x0] =	vst v0  }
0x32: {  	[tilespmem:s26+$0xFFFFFFF0] =	vst v0  }
.Ltmp0:
0x33: {  	[tilespmem:s26+$0xFFFFFFE0] =	vst v0;
	(pc) =	sbr.rel @p0 .LBB2_2-.Ltmp0, $4  }
0x34: {  	[tilespmem:s26+$0xFFFFFFD0] =	vst v0  }
0x35: {  	[tilespmem:s26+$0xFFFFFFC0] =	vst v0  }
0x36: {  	[tilespmem:s26+$0xFFFFFFB0] =	vst v0  }
0x37: {  	[tilespmem:s26+$0xFFFFFFA0] =	vst v0  }
0x38: {  	p0 =	sne.s32 s7, $0x1  }
.Ltmp1:
0x39: {  	_ = 	snop;
	(pc) =	sbr.rel @!p0 .LBB2_5-.Ltmp1, $4  }
0x3a: {  	[tilespmem:s26+$0xFFFFFF90] =	vst v0  }
0x3b: {  	[spmem:s10] =	stream.linear.scatter [tilespmem:s13], [sflag:$0x5], $0x2800, $0x38;
	[tilespmem:$0x1DF00] =	vst v63  }
0x3c: {  	_ =	swait.ge [sflag:s6], $0x2800  }
0x3d: {  	s1 =	sadd.s32 $0xFFFFFFFF, s7;
	s26 =	smov.u32 s10;
	[sflag:s6] =	ssyncset.done $0x0  }
.LBB2_4:
0x3e: {  	p1 =	sne.s32 s1, $0x1;
	[sflag:s6] =	ssyncadd.s32 $0xFFFFD800;
	s26 =	sadd.s32 $0x2800, s26  }
.Ltmp2:
0x3f: {  	s1 =	sadd.s32 $0xFFFFFFFF, s1;
	(pc) =	sbr.rel @p1 .LBB2_4-.Ltmp2, $4  }
0x40: {  	_ = 	snop  }
0x41: {  	[spmem:s26] =	stream.linear.scatter [tilespmem:s13], [sflag:$0x5], $0x2800, $0x38;
	[tilespmem:$0x1DF00] =	vst v63  }
0x42: {  	_ =	swait.ge [sflag:s6], $0x2800  }
0x43: {  	[sflag:s6] =	ssyncset.done $0x0  }
.LBB2_5:
0x44: {  	[sflag:s6] =	ssyncadd.s32 $0xFFFFD800;
	s0 =	simm.s32 $0x80  }
0x45: {  	[tilespmem:s16], [sflag:$0x5] =	stream.strided.gather [hbm4b:s8+s0], $0x4E80, s15, s0, $0x38;
	[tilespmem:$0x1DF00] =	vst v63  }
0x46: {  	_ =	swait.ge [sflag:s6], $0x4E80  }
0x47: {  	[sflag:s6] =	ssyncset.done $0x0  }
0x48: {  	[sflag:s6] =	ssyncadd.s32 $0xFFFFB180  }
0x49: {  	[bflag:$0x0] =	sbarrier.arrive $0xFFFF  }
0x4a: {  	[tilespmem:s13], [sflag:$0x1] =	stream.indirect.gather [hbm4b:s4+s17], $0x80, s16, s17, $0xb8;
	[tilespmem:$0x1DF00] =	vst v63  }
0x4b: {  	_ = 	snop  }
0x4c: {  	[tilespmem:s19], [sflag:$0x2] =	stream.indirect.gather [hbm4b:s4+s17], $0x80, s18, s17, $0xb8;
	[tilespmem:$0x1DF00] =	vst v63  }
0x4d: {  	_ = 	snop  }
0x4e: {  	[tilespmem:s20], [sflag:$0x5] =	stream.linear.gather [hbm4b:s11+s3], $0x500, $0x38;
	[tilespmem:$0x1DF00] =	vst v63  }
0x4f: {  	_ =	swait.ge [sflag:s6], $0x500  }
0x50: {  	[sflag:s6] =	ssyncset.done $0x0  }
0x51: {  	[sflag:s6] =	ssyncadd.s32 $0xFFFFFB00  }
0x52: {  	_ =	swait.ge [sflag:s21], $0x2800  }
0x53: {  	[sflag:s21] =	ssyncset.done $0x0  }
0x54: {  	[sflag:s21] =	ssyncadd.s32 $0xFFFFD800  }
0x55: {  	[spmem:s2] =	stream.indirect.scatter.add.f32 [tilespmem:s13], [sflag:$0x3], $0x80, s20, s17, $0xb8;
	[tilespmem:$0x1DF00] =	vst v63  }
0x56: {  	_ =	swait.ge [sflag:s22], $0x2800  }
0x57: {  	[sflag:s22] =	ssyncset.done $0x0  }
0x58: {  	s26 =	simm.s32 $0x13920;
	[sflag:s22] =	ssyncadd.s32 $0xFFFFD800  }
0x59: {  	[tilespmem:s13], [sflag:$0x1] =	stream.indirect.gather [hbm4b:s4+s17], $0x80, s26, s17, $0xb8;
	[tilespmem:$0x1DF00] =	vst v63  }
0x5a: {  	_ =	swait.ge [sflag:s23], $0x2800  }
0x5b: {  	[sflag:s23] =	ssyncset.done $0x0  }
0x5c: {  	s1 =	rddreg [dreg:$0x3];
	[sflag:s23] =	ssyncadd.s32 $0xFFFFD800  }
0x5d: {  	[spmem:s2] =	stream.indirect.scatter.add.f32 [tilespmem:s19], [sflag:$0x4], $0x80, s1, s17, $0xb8;
	[tilespmem:$0x1DF00] =	vst v63  }
0x5e: {  	_ =	swait.ge [sflag:s24], $0x2800  }
0x5f: {  	[sflag:s24] =	ssyncset.done $0x0  }
0x60: {  	s14 =	simm.s32 $0x13970;
	[sflag:s24] =	ssyncadd.s32 $0xFFFFD800  }
0x61: {  	[tilespmem:s19], [sflag:$0x2] =	stream.indirect.gather [hbm4b:s4+s17], $0x80, s14, s17, $0xb8;
	[tilespmem:$0x1DF00] =	vst v63  }
0x62: {  	_ =	swait.ge [sflag:s21], $0x2800  }
0x63: {  	[sflag:s21] =	ssyncset.done $0x0  }
0x64: {  	s26 =	rddreg [dreg:$0x4];
	[sflag:s21] =	ssyncadd.s32 $0xFFFFD800  }
0x65: {  	[spmem:s2] =	stream.indirect.scatter.add.f32 [tilespmem:s13], [sflag:$0x3], $0x80, s26, s17, $0xb8;
	[tilespmem:$0x1DF00] =	vst v63  }
0x66: {  	_ =	swait.ge [sflag:s22], $0x2800  }
0x67: {  	[sflag:s22] =	ssyncset.done $0x0  }
0x68: {  	s1 =	simm.s32 $0x139C0;
	[sflag:s22] =	ssyncadd.s32 $0xFFFFD800  }
0x69: {  	[tilespmem:s13], [sflag:$0x1] =	stream.indirect.gather [hbm4b:s4+s17], $0x80, s1, s17, $0xb8;
	[tilespmem:$0x1DF00] =	vst v63  }
0x6a: {  	_ =	swait.ge [sflag:s23], $0x2800  }
0x6b: {  	[sflag:s23] =	ssyncset.done $0x0  }
0x6c: {  	s14 =	rddreg [dreg:$0x5];
	[sflag:s23] =	ssyncadd.s32 $0xFFFFD800  }
0x6d: {  	[spmem:s2] =	stream.indirect.scatter.add.f32 [tilespmem:s19], [sflag:$0x4], $0x80, s14, s17, $0xb8;
	[tilespmem:$0x1DF00] =	vst v63  }
0x6e: {  	_ =	swait.ge [sflag:s24], $0x2800  }
0x6f: {  	[sflag:s24] =	ssyncset.done $0x0  }
0x70: {  	s26 =	simm.s32 $0x13A10;
	[sflag:s24] =	ssyncadd.s32 $0xFFFFD800  }
0x71: {  	[tilespmem:s19], [sflag:$0x2] =	stream.indirect.gather [hbm4b:s4+s17], $0x80, s26, s17, $0xb8;
	[tilespmem:$0x1DF00] =	vst v63  }
0x72: {  	_ =	swait.ge [sflag:s21], $0x2800  }
0x73: {  	[sflag:s21] =	ssyncset.done $0x0  }
0x74: {  	s1 =	rddreg [dreg:$0x6];
	[sflag:s21] =	ssyncadd.s32 $0xFFFFD800  }
0x75: {  	[spmem:s2] =	stream.indirect.scatter.add.f32 [tilespmem:s13], [sflag:$0x3], $0x80, s1, s17, $0xb8;
	[tilespmem:$0x1DF00] =	vst v63  }
0x76: {  	_ =	swait.ge [sflag:s22], $0x2800  }
0x77: {  	[sflag:s22] =	ssyncset.done $0x0  }
0x78: {  	s14 =	simm.s32 $0x13A60;
	[sflag:s22] =	ssyncadd.s32 $0xFFFFD800  }
0x79: {  	[tilespmem:s13], [sflag:$0x1] =	stream.indirect.gather [hbm4b:s4+s17], $0x80, s14, s17, $0xb8;
	[tilespmem:$0x1DF00] =	vst v63  }
0x7a: {  	_ =	swait.ge [sflag:s23], $0x2800  }
0x7b: {  	[sflag:s23] =	ssyncset.done $0x0  }
0x7c: {  	s26 =	rddreg [dreg:$0x7];
	[sflag:s23] =	ssyncadd.s32 $0xFFFFD800  }
0x7d: {  	[spmem:s2] =	stream.indirect.scatter.add.f32 [tilespmem:s19], [sflag:$0x4], $0x80, s26, s17, $0xb8;
	[tilespmem:$0x1DF00] =	vst v63  }
0x7e: {  	_ =	swait.ge [sflag:s24], $0x2800  }
0x7f: {  	[sflag:s24] =	ssyncset.done $0x0  }
0x80: {  	s1 =	simm.s32 $0x13AB0;
	[sflag:s24] =	ssyncadd.s32 $0xFFFFD800  }
0x81: {  	[tilespmem:s19], [sflag:$0x2] =	stream.indirect.gather [hbm4b:s4+s17], $0x80, s1, s17, $0xb8;
	[tilespmem:$0x1DF00] =	vst v63  }
0x82: {  	_ =	swait.ge [sflag:s21], $0x2800  }
0x83: {  	[sflag:s21] =	ssyncset.done $0x0  }
0x84: {  	s14 =	rddreg [dreg:$0x8];
	[sflag:s21] =	ssyncadd.s32 $0xFFFFD800  }
0x85: {  	[spmem:s2] =	stream.indirect.scatter.add.f32 [tilespmem:s13], [sflag:$0x3], $0x80, s14, s17, $0xb8;
	[tilespmem:$0x1DF00] =	vst v63  }
0x86: {  	_ =	swait.ge [sflag:s22], $0x2800  }
0x87: {  	[sflag:s22] =	ssyncset.done $0x0  }
0x88: {  	s26 =	simm.s32 $0x13B00;
	[sflag:s22] =	ssyncadd.s32 $0xFFFFD800  }
0x89: {  	[tilespmem:s13], [sflag:$0x1] =	stream.indirect.gather [hbm4b:s4+s17], $0x80, s26, s17, $0xb8;
	[tilespmem:$0x1DF00] =	vst v63  }
0x8a: {  	_ =	swait.ge [sflag:s23], $0x2800  }
0x8b: {  	[sflag:s23] =	ssyncset.done $0x0  }
0x8c: {  	s1 =	rddreg [dreg:$0x9];
	[sflag:s23] =	ssyncadd.s32 $0xFFFFD800  }
0x8d: {  	[spmem:s2] =	stream.indirect.scatter.add.f32 [tilespmem:s19], [sflag:$0x4], $0x80, s1, s17, $0xb8;
	[tilespmem:$0x1DF00] =	vst v63  }
0x8e: {  	_ =	swait.ge [sflag:s24], $0x2800  }
0x8f: {  	[sflag:s24] =	ssyncset.done $0x0  }
0x90: {  	s14 =	simm.s32 $0x13B50;
	[sflag:s24] =	ssyncadd.s32 $0xFFFFD800  }
0x91: {  	[tilespmem:s19], [sflag:$0x2] =	stream.indirect.gather [hbm4b:s4+s17], $0x80, s14, s17, $0xb8;
	[tilespmem:$0x1DF00] =	vst v63  }
0x92: {  	_ =	swait.ge [sflag:s21], $0x2800  }
0x93: {  	p2 =	por $0x0, $0x0;
	[sflag:s21] =	ssyncset.done $0x0  }
0x94: {  	s1 =	simm.s32 @!p2 $0x3;
	s26 =	rddreg [dreg:$0xa];
	[sflag:s21] =	ssyncadd.s32 $0xFFFFD800  }
0x95: {  	[spmem:s2] =	stream.indirect.scatter.add.f32 [tilespmem:s13], [sflag:$0x3], $0x80, s26, s17, $0xb8;
	[tilespmem:$0x1DF00] =	vst v63  }
0x96: {  	_ =	swait.ge @!p2 [sflag:s1], $0x2800  }
0x97: {  	s0 =	simm.s32 @!p2 $0x13BA0;
	[sflag:s1] =	ssyncset.done @!p2 $0x0  }
0x98: {  	s31 =	simm.s32 @!p2 $0x50;
	s26 =	simm.s32 @!p2 $0x18F00;
	[sflag:s1] =	ssyncadd.s32 @!p2 $0xFFFFD800  }
0x99: {  	[tilespmem:s26], [sflag:$0x1] =	stream.indirect.gather @!p2 [hbm4b:s4+s31], $0x80, s0, s31, $0xb8;
	[tilespmem:$0x1DF00] =	vst v63  }
0x9a: {  	_ =	swait.ge [sflag:s23], $0x2800  }
0x9b: {  	s28 =	simm.s32 $0xC80;
	[sflag:s23] =	ssyncset.done $0x0  }
0x9c: {  	s30 =	simm.s32 @!p2 $0x4;
	s14 =	rddreg [dreg:$0xb];
	[sflag:s23] =	ssyncadd.s32 $0xFFFFD800  }
0x9d: {  	[spmem:s2] =	stream.indirect.scatter.add.f32 [tilespmem:s19], [sflag:$0x4], $0x80, s14, s17, $0xb8;
	[tilespmem:$0x1DF00] =	vst v63  }
0x9e: {  	s29 =	sadd.s32 $0x100, s11;
	s1 =	simm.s32 @!p2 $0x13BF0;
	_ =	swait.ge @!p2 [sflag:s30], $0x2800  }
0x9f: {  	s26 =	simm.s32 $0x0;
	s0 =	simm.s32 @!p2 $0x1B700;
	[sflag:s30] =	ssyncset.done @!p2 $0x0  }
.LBB2_6:
0xa0: {  	[sflag:s30] =	ssyncadd.s32 @!p2 $0xFFFFD800  }
0xa1: {  	[tilespmem:s0], [sflag:$0x2] =	stream.indirect.gather @!p2 [hbm4b:s4+s31], $0x80, s1, s31, $0xb8;
	[tilespmem:$0x1DF00] =	vst v63  }
0xa2: {  	_ = 	snop  }
0xa3: {  	[tilespmem:s20], [sflag:$0x5] =	stream.linear.gather [hbm4b:s29+s3], $0x500, $0x38;
	[tilespmem:$0x1DF00] =	vst v63  }
0xa4: {  	_ =	swait.ge [sflag:s6], $0x500  }
0xa5: {  	[sflag:s6] =	ssyncset.done $0x0  }
0xa6: {  	[sflag:s6] =	ssyncadd.s32 $0xFFFFFB00  }
0xa7: {  	_ =	swait.ge [sflag:s21], $0x2800  }
0xa8: {  	[sflag:s21] =	ssyncset.done $0x0  }
0xa9: {  	[sflag:s21] =	ssyncadd.s32 $0xFFFFD800  }
0xaa: {  	[spmem:s2] =	stream.indirect.scatter.add.f32 [tilespmem:s13], [sflag:$0x3], $0x80, s20, s17, $0xb8;
	[tilespmem:$0x1DF00] =	vst v63  }
0xab: {  	s30 =	smov.u32 s28;
	_ =	swait.ge [sflag:s22], $0x2800  }
0xac: {  	s31 =	sshra.s32 s30, $0x2;
	[sflag:s22] =	ssyncset.done $0x0  }
0xad: {  	s1 =	sadd.s32 $0x13920, s31;
	[sflag:s22] =	ssyncadd.s32 $0xFFFFD800  }
0xae: {  	[tilespmem:s13], [sflag:$0x1] =	stream.indirect.gather [hbm4b:s4+s17], $0x80, s1, s17, $0xb8;
	[tilespmem:$0x1DF00] =	vst v63  }
0xaf: {  	_ =	swait.ge [sflag:s23], $0x2800  }
0xb0: {  	[sflag:s23] =	ssyncset.done $0x0  }
0xb1: {  	s14 =	rddreg [dreg:$0x3];
	[sflag:s23] =	ssyncadd.s32 $0xFFFFD800  }
0xb2: {  	[spmem:s2] =	stream.indirect.scatter.add.f32 [tilespmem:s19], [sflag:$0x4], $0x80, s14, s17, $0xb8;
	[tilespmem:$0x1DF00] =	vst v63  }
0xb3: {  	_ =	swait.ge [sflag:s24], $0x2800  }
0xb4: {  	[sflag:s24] =	ssyncset.done $0x0  }
0xb5: {  	s1 =	sadd.s32 $0x13970, s31;
	[sflag:s24] =	ssyncadd.s32 $0xFFFFD800  }
0xb6: {  	[tilespmem:s19], [sflag:$0x2] =	stream.indirect.gather [hbm4b:s4+s17], $0x80, s1, s17, $0xb8;
	[tilespmem:$0x1DF00] =	vst v63  }
0xb7: {  	_ =	swait.ge [sflag:s21], $0x2800  }
0xb8: {  	[sflag:s21] =	ssyncset.done $0x0  }
0xb9: {  	s14 =	rddreg [dreg:$0x4];
	[sflag:s21] =	ssyncadd.s32 $0xFFFFD800  }
0xba: {  	[spmem:s2] =	stream.indirect.scatter.add.f32 [tilespmem:s13], [sflag:$0x3], $0x80, s14, s17, $0xb8;
	[tilespmem:$0x1DF00] =	vst v63  }
0xbb: {  	_ =	swait.ge [sflag:s22], $0x2800  }
0xbc: {  	[sflag:s22] =	ssyncset.done $0x0  }
0xbd: {  	s1 =	sadd.s32 $0x139C0, s31;
	[sflag:s22] =	ssyncadd.s32 $0xFFFFD800  }
0xbe: {  	[tilespmem:s13], [sflag:$0x1] =	stream.indirect.gather [hbm4b:s4+s17], $0x80, s1, s17, $0xb8;
	[tilespmem:$0x1DF00] =	vst v63  }
0xbf: {  	_ =	swait.ge [sflag:s23], $0x2800  }
0xc0: {  	[sflag:s23] =	ssyncset.done $0x0  }
0xc1: {  	s14 =	rddreg [dreg:$0x5];
	[sflag:s23] =	ssyncadd.s32 $0xFFFFD800  }
0xc2: {  	[spmem:s2] =	stream.indirect.scatter.add.f32 [tilespmem:s19], [sflag:$0x4], $0x80, s14, s17, $0xb8;
	[tilespmem:$0x1DF00] =	vst v63  }
0xc3: {  	_ =	swait.ge [sflag:s24], $0x2800  }
0xc4: {  	[sflag:s24] =	ssyncset.done $0x0  }
0xc5: {  	s1 =	sadd.s32 $0x13A10, s31;
	[sflag:s24] =	ssyncadd.s32 $0xFFFFD800  }
0xc6: {  	[tilespmem:s19], [sflag:$0x2] =	stream.indirect.gather [hbm4b:s4+s17], $0x80, s1, s17, $0xb8;
	[tilespmem:$0x1DF00] =	vst v63  }
0xc7: {  	_ =	swait.ge [sflag:s21], $0x2800  }
0xc8: {  	[sflag:s21] =	ssyncset.done $0x0  }
0xc9: {  	s14 =	rddreg [dreg:$0x6];
	[sflag:s21] =	ssyncadd.s32 $0xFFFFD800  }
0xca: {  	[spmem:s2] =	stream.indirect.scatter.add.f32 [tilespmem:s13], [sflag:$0x3], $0x80, s14, s17, $0xb8;
	[tilespmem:$0x1DF00] =	vst v63  }
0xcb: {  	_ =	swait.ge [sflag:s22], $0x2800  }
0xcc: {  	[sflag:s22] =	ssyncset.done $0x0  }
0xcd: {  	s1 =	sadd.s32 $0x13A60, s31;
	[sflag:s22] =	ssyncadd.s32 $0xFFFFD800  }
0xce: {  	[tilespmem:s13], [sflag:$0x1] =	stream.indirect.gather [hbm4b:s4+s17], $0x80, s1, s17, $0xb8;
	[tilespmem:$0x1DF00] =	vst v63  }
0xcf: {  	_ =	swait.ge [sflag:s23], $0x2800  }
0xd0: {  	[sflag:s23] =	ssyncset.done $0x0  }
0xd1: {  	s14 =	rddreg [dreg:$0x7];
	[sflag:s23] =	ssyncadd.s32 $0xFFFFD800  }
0xd2: {  	[spmem:s2] =	stream.indirect.scatter.add.f32 [tilespmem:s19], [sflag:$0x4], $0x80, s14, s17, $0xb8;
	[tilespmem:$0x1DF00] =	vst v63  }
0xd3: {  	_ =	swait.ge [sflag:s24], $0x2800  }
0xd4: {  	[sflag:s24] =	ssyncset.done $0x0  }
0xd5: {  	s1 =	sadd.s32 $0x13AB0, s31;
	[sflag:s24] =	ssyncadd.s32 $0xFFFFD800  }
0xd6: {  	[tilespmem:s19], [sflag:$0x2] =	stream.indirect.gather [hbm4b:s4+s17], $0x80, s1, s17, $0xb8;
	[tilespmem:$0x1DF00] =	vst v63  }
0xd7: {  	_ =	swait.ge [sflag:s21], $0x2800  }
0xd8: {  	[sflag:s21] =	ssyncset.done $0x0  }
0xd9: {  	s14 =	rddreg [dreg:$0x8];
	[sflag:s21] =	ssyncadd.s32 $0xFFFFD800  }
0xda: {  	[spmem:s2] =	stream.indirect.scatter.add.f32 [tilespmem:s13], [sflag:$0x3], $0x80, s14, s17, $0xb8;
	[tilespmem:$0x1DF00] =	vst v63  }
0xdb: {  	_ =	swait.ge [sflag:s22], $0x2800  }
0xdc: {  	[sflag:s22] =	ssyncset.done $0x0  }
0xdd: {  	s1 =	sadd.s32 $0x13B00, s31;
	[sflag:s22] =	ssyncadd.s32 $0xFFFFD800  }
0xde: {  	[tilespmem:s13], [sflag:$0x1] =	stream.indirect.gather [hbm4b:s4+s17], $0x80, s1, s17, $0xb8;
	[tilespmem:$0x1DF00] =	vst v63  }
0xdf: {  	_ =	swait.ge [sflag:s23], $0x2800  }
0xe0: {  	[sflag:s23] =	ssyncset.done $0x0  }
0xe1: {  	s14 =	rddreg [dreg:$0x9];
	[sflag:s23] =	ssyncadd.s32 $0xFFFFD800  }
0xe2: {  	[spmem:s2] =	stream.indirect.scatter.add.f32 [tilespmem:s19], [sflag:$0x4], $0x80, s14, s17, $0xb8;
	[tilespmem:$0x1DF00] =	vst v63  }
0xe3: {  	_ =	swait.ge [sflag:s24], $0x2800  }
0xe4: {  	[sflag:s24] =	ssyncset.done $0x0  }
0xe5: {  	s1 =	sadd.s32 $0x13B50, s31;
	[sflag:s24] =	ssyncadd.s32 $0xFFFFD800  }
0xe6: {  	[tilespmem:s19], [sflag:$0x2] =	stream.indirect.gather [hbm4b:s4+s17], $0x80, s1, s17, $0xb8;
	[tilespmem:$0x1DF00] =	vst v63  }
0xe7: {  	s26 =	sadd.s32 $0x1, s26;
	_ =	swait.ge [sflag:s21], $0x2800  }
0xe8: {  	p2 =	sgt.u32 s26, $0x17;
	[sflag:s21] =	ssyncset.done $0x0  }
0xe9: {  	s14 =	simm.s32 @!p2 $0x3;
	s0 =	rddreg [dreg:$0xa];
	[sflag:s21] =	ssyncadd.s32 $0xFFFFD800  }
0xea: {  	[spmem:s2] =	stream.indirect.scatter.add.f32 [tilespmem:s13], [sflag:$0x3], $0x80, s0, s17, $0xb8;
	[tilespmem:$0x1DF00] =	vst v63  }
0xeb: {  	s28 =	sadd.s32 $0xC80, s28;
	_ =	swait.ge @!p2 [sflag:s14], $0x2800  }
0xec: {  	s31 =	simm.s32 @!p2 $0x50;
	s1 =	sshra.s32 @!p2 s30, $0x2;
	[sflag:s14] =	ssyncset.done @!p2 $0x0  }
0xed: {  	s30 =	simm.s32 @!p2 $0x18F00;
	s0 =	sadd.s32 @!p2 $0x13BA0, s1;
	[sflag:s14] =	ssyncadd.s32 @!p2 $0xFFFFD800  }
0xee: {  	[tilespmem:s30], [sflag:$0x1] =	stream.indirect.gather @!p2 [hbm4b:s4+s31], $0x80, s0, s31, $0xb8;
	[tilespmem:$0x1DF00] =	vst v63  }
0xef: {  	p1 =	sne.s32 s28, $0x13880;
	_ =	swait.ge [sflag:s23], $0x2800  }
.Ltmp3:
0xf0: {  	[sflag:s23] =	ssyncset.done $0x0;
	(pc) =	sbr.rel @p1 .LBB2_6-.Ltmp3, $4  }
0xf1: {  	s30 =	simm.s32 @!p2 $0x4;
	s14 =	rddreg [dreg:$0xb];
	[sflag:s23] =	ssyncadd.s32 $0xFFFFD800  }
0xf2: {  	[spmem:s2] =	stream.indirect.scatter.add.f32 [tilespmem:s19], [sflag:$0x4], $0x80, s14, s17, $0xb8;
	[tilespmem:$0x1DF00] =	vst v63  }
0xf3: {  	s29 =	sadd.s32 $0x100, s29;
	_ =	swait.ge @!p2 [sflag:s30], $0x2800  }
0xf4: {  	s1 =	sadd.s32 @!p2 $0x13BF0, s1;
	s0 =	simm.s32 @!p2 $0x1B700;
	[sflag:s30] =	ssyncset.done @!p2 $0x0  }
0xf5: {  	[sflag:s30] =	ssyncadd.s32 @!p2 $0xFFFFD800  }
0xf6: {  	[tilespmem:s0], [sflag:$0x2] =	stream.indirect.gather @!p2 [hbm4b:s4+s31], $0x80, s1, s31, $0xb8;
	[tilespmem:$0x1DF00] =	vst v63  }
0xf7: {  	_ =	swait.ge [sflag:s22], $0x2800  }
0xf8: {  	[sflag:s22] =	ssyncset.done $0x0  }
0xf9: {  	[sflag:s22] =	ssyncadd.s32 $0xFFFFD800  }
0xfa: {  	_ =	swait.ge [sflag:s24], $0x2800  }
0xfb: {  	[sflag:s24] =	ssyncset.done $0x0  }
0xfc: {  	[sflag:s24] =	ssyncadd.s32 $0xFFFFD800  }
0xfd: {  	[bflag:$0x0] =	sbarrier.arrive $0xFFFF  }
0xfe: {  	[tilespmem:s13], [sflag:$0x5] =	stream.linear.gather [spmem:s10], $0x2800, $0x38;
	[tilespmem:$0x1DF00] =	vst v63  }
0xff: {  	_ =	swait.ge [sflag:s6], $0x2800  }
.Ltmp4:
0x100: {  	s31 =	sshrl.u32 s12, $0x3;
	[sflag:s6] =	ssyncset.done $0x0;
	(pc) =	sbr.rel @!p0 .LBB2_9-.Ltmp4, $4  }
0x101: {  	s0 =	sadd.s32 s5, s31;
	[sflag:s6] =	ssyncadd.s32 $0xFFFFD800  }
0x102: {  	[hbm4b:s0+s3] =	stream.linear.scatter [tilespmem:s13], [sflag:$0x5], $0x2800, $0x38;
	[tilespmem:$0x1DF00] =	vst v63  }
0x103: {  	s26 =	smov.u32 s12;
	_ =	swait.ge [sflag:s6], $0x2800  }
0x104: {  	s28 =	smov.u32 s10;
	s1 =	sadd.s32 $0xFFFFFFFF, s7;
	[sflag:s6] =	ssyncset.done $0x0  }
.LBB2_8:
0x105: {  	[sflag:s6] =	ssyncadd.s32 $0xFFFFD800;
	s26 =	sadd.s32 $0x2800, s26;
	s28 =	sadd.s32 $0x2800, s28  }
0x106: {  	[tilespmem:s13], [sflag:$0x5] =	stream.linear.gather [spmem:s28], $0x2800, $0x38;
	[tilespmem:$0x1DF00] =	vst v63  }
0x107: {  	p0 =	sne.s32 s1, $0x1;
	s1 =	sadd.s32 $0xFFFFFFFF, s1;
	_ =	swait.ge [sflag:s6], $0x2800  }
.Ltmp5:
0x108: {  	s0 =	sshrl.u32 s26, $0x3;
	[sflag:s6] =	ssyncset.done $0x0;
	(pc) =	sbr.rel @p0 .LBB2_8-.Ltmp5, $4  }
0x109: {  	s0 =	sadd.s32 s5, s0;
	[sflag:s6] =	ssyncadd.s32 $0xFFFFD800  }
0x10a: {  	[hbm4b:s0+s3] =	stream.linear.scatter [tilespmem:s13], [sflag:$0x5], $0x2800, $0x38;
	[tilespmem:$0x1DF00] =	vst v63  }
0x10b: {  	_ =	swait.ge [sflag:s6], $0x2800  }
0x10c: {  	[sflag:s6] =	ssyncset.done $0x0  }
.LBB2_9:
0x10d: {  	s25 =	sadd.s32 $0x1, s25  }
0x10e: {  	p0 =	sne.s32 s25, s9  }
.Ltmp6:
0x10f: {  	_ = 	snop;
	(pc) =	sbr.rel @p0 .LBB2_1-.Ltmp6, $2  }
0x110: {  	_ =	sdelay $0x2  }
0x111: {  	[sflag:s6] =	ssyncadd.s32 $0xFFFFD800  }
0x112: {  	_ =	sfence.sel $0x180000  }
0x113: {  	[bflag:$0x0] =	sbarrier.arrive $0xFFFF  }
0x114: {  	_ =	strace $0x9000004A  }
0x115: {  	s0 =	stileid.u32;
	[bflag:$0x2] =	sbarrier.arrive $0xFFFF  }
0x116: {  	p0 =	sne.s32 s0, $0x0;
	s0 =	rddreg [dreg:$0x2]  }
0x117: {  	s0 =	sadd.s32 @!p0 $0x100000, s0  }
0x118: {  	[sflag:s0] =	ssyncadd.tile.s32 @!p0 $0x1;
	_ =	shalt  }
.Lfunc_end2:
_tile_overlayer_lowered:
.L_overlay_start_2:
0x119: {  	(tag) =	ssettag $0x2  }
0x11a: {  	s0 =	rddreg [dreg:$0x0];
	s2 =	stileid.u32  }
0x11b: {  	s1 =	rddreg [dreg:$0x1];
	p0 =	sne.s32 s2, $0x0  }
0x11c: {  	s3 =	rddreg [dreg:$0x2];
	[bflag:$0x3] =	sbarrier.arrive $0xFFFF;
	s2 =	simm.s32 @!p0 $0x1C05  }
0x11d: {  	[timem:s3], [sflag:s2] =	dma.local @!p0 [hbm:s0], s1  }
0x11e: {  	s0 =	simm.s32 @!p0 $0x5  }
0x11f: {  	_ =	swait.ge @!p0 [sflag:s0], s1  }
0x120: {  	s1 =	ssub.s32 @!p0 $0x0, s1;
	[sflag:s0] =	ssyncset.done @!p0 $0x0  }
0x121: {  	[sflag:s0] =	ssyncadd.s32 @!p0 s1  }
0x122: {  	[bflag:$0x3] =	sbarrier.arrive $0xFFFF  }
0x123: {  	_ =	shalt  }

// kernel: kernel.14.cloned.1.call-start
scs
__scs_entry_jumppad:
0x0: {  	(pc) =	sbr.rel $0x88, $3  }
0x1: {  	(tag) =	ssettag $0x0;
	lr =	simm.s32 $0x1  }
0x2: {  	[smem:$0x3F99] =	sst lr;
	_ =	strace $0xD0000000  }
0x3: {  	_ = 	snop  }
0x4: {  	_ = 	snop  }
0x5: {  	_ = 	snop  }
0x6: {  	_ = 	snop  }
0x7: {  	_ = 	snop  }
__scs_overlays_trampoline_lowered:
0x8: {  	[smem:$0x3FA8] =	sst s0  }
0x9: {  	[smem:$0x3FA9] =	sst s1  }
0xa: {  	[smem:$0x3FAA] =	sst s2  }
0xb: {  	[smem:$0x3FAB] =	sst s3  }
0xc: {  	[smem:$0x3FAC] =	sst s4  }
0xd: {  	[smem:$0x3FAD] =	sst s5  }
0xe: {  	[smem:$0x3FAE] =	sst s6  }
0xf: {  	[smem:$0x3FAF] =	sst s7  }
0x10: {  	[smem:$0x3FB0] =	sst s8  }
0x11: {  	[smem:$0x3FB1] =	sst s9;
	s0 =	simm.s32 @!p0 $0x0  }
0x12: {  	s1 =	sld [smem:$0x3F97];
	s0 =	simm.s32 @p0 $0x1  }
0x13: {  	[smem:$0x3FB2] =	sst s0;
	s0 =	simm.s32 @!p1 $0x0  }
0x14: {  	s2 =	sld [smem:$0x3F96];
	s0 =	simm.s32 @p1 $0x1  }
0x15: {  	[smem:$0x3FB3] =	sst s0;
	s0 =	simm.s32 @!p2 $0x0  }
0x16: {  	s3 =	sld [smem:$0x3FDB];
	s0 =	simm.s32 @p2 $0x1  }
0x17: {  	s4 =	simm.s32 $0x1BF5;
	[smem:$0x3FB5] =	sst s0  }
0x18: {  	s0 =	sld [smem:$0x3F98];
	_ =	swait.ge [sflag:s4], $0x0  }
0x19: {  	s7 =	sld [smem:$0x3F99]  }
0x1a: {  	s8 =	sadd.s32 $0xFFFFE003, lr  }
0x1b: {  	s9 =	sadd.s32 $0xFFFFFEF7, lr;
	s5 =	simm.s32 $0xFFFFFFFF;
	p2 =	slt.u32 s8, $0xFFFFF086  }
0x1c: {  	p1 =	slt.u32 s9, $0xF7A;
	s5 =	simm.s32 @!p2 $0x0  }
0x1d: {  	s5 =	simm.s32 @p1 $0x1;
	p0 =	seq.s32 s7, s2  }
0x1e: {  	s7 =	smul.u32 @!p0 $0xF7A, s2;
	p2 =	seq.s32 @!p0 s5, $0x0  }
0x1f: {  	s9 =	smul.u32 $0xF7A, s1;
	s8 =	simm.s32 @!p0 $0x1BF5;
	p2 =	por !p2, p0  }
0x20: {  	[sflag:s8] =	ssyncset.s32 @!p0 $0xFFFFF086;
	s6 =	sadd.s32 @!p0 s3, s7;
	s7 =	simm.s32 @!p0 $0x108  }
0x21: {  	s3 =	sadd.s32 s3, s9;
	s6 =	sadd.s32 @!p0 $0x88, s6;
	s7 =	simm.s32 @p2 $0x1082  }
0x22: {  	[simem:s7], [sflag:s8] =	dma.local @!p0 [hbm:s6], $0xF7A  }
0x23: {  	s9 =	sor.u32 $0xD0000000, s2;
	s6 =	simm.s32 $0x108;
	_ =	swait.ge @!p0 [sflag:s8], $0x0  }
0x24: {  	s3 =	sadd.s32 $0x88, s3;
	s6 =	simm.s32 @!p1 $0x1082;
	[sflag:s4] =	ssyncset.s32 $0xFFFFF086  }
0x25: {  	[simem:s6], [sflag:s4] =	dma.local [hbm:s3], $0xF7A  }
0x26: {  	[smem:$0x3F99] =	sst s1;
	(tag) =	ssettag s2;
	_ =	strace s9  }
0x27: {  	s1 =	sld [smem:$0x3FA9]  }
0x28: {  	s2 =	sld [smem:$0x3FAA]  }
0x29: {  	s4 =	sld [smem:$0x3FAC]  }
0x2a: {  	p0 =	seq.s32 s5, $0x0;
	s5 =	sld [smem:$0x3FAD]  }
0x2b: {  	s6 =	sld [smem:$0x3FAE]  }
0x2c: {  	s7 =	sld [smem:$0x3FAF]  }
0x2d: {  	s3 =	simm.s32 $0x108;
	s8 =	sld [smem:$0x3FB0]  }
0x2e: {  	s3 =	simm.s32 @!p0 $0x1082;
	s9 =	sld [smem:$0x3FB1]  }
0x2f: {  	lr =	sadd.s32 s0, s3;
	s0 =	sld [smem:$0x3FA8]  }
0x30: {  	s3 =	sld [smem:$0x3FAB]  }
0x31: {  	[smem:$0x3FB4] =	sst s10  }
0x32: {  	s10 =	sld [smem:$0x3FB2];
	_ =	sdelay $0x3  }
0x33: {  	p0 =	seq.s32 s10, $0x1;
	s10 =	sld [smem:$0x3FB4];
	_ =	sdelay $0x3  }
0x34: {  	[smem:$0x3FB4] =	sst s10  }
0x35: {  	s10 =	sld [smem:$0x3FB3];
	_ =	sdelay $0x3  }
0x36: {  	p1 =	seq.s32 s10, $0x1;
	s10 =	sld [smem:$0x3FB4];
	_ =	sdelay $0x3  }
0x37: {  	[smem:$0x3FB4] =	sst s10  }
0x38: {  	s10 =	sld [smem:$0x3FB5]  }
0x39: {  	_ = 	snop;
	(pc) =	sbr.ind lr, $3  }
0x3a: {  	_ = 	snop  }
0x3b: {  	_ = 	snop  }
0x3c: {  	p2 =	seq.s32 s10, $0x1;
	s10 =	sld [smem:$0x3FB4]  }
0x3d: {  	_ =	shalt  }
0x3e: {  	_ =	shalt  }
0x3f: {  	_ =	shalt  }
0x40: {  	_ =	shalt  }
0x41: {  	_ =	shalt  }
0x42: {  	_ =	shalt  }
0x43: {  	_ =	shalt  }
0x44: {  	_ =	shalt  }
0x45: {  	_ =	shalt  }
0x46: {  	_ =	shalt  }
0x47: {  	_ =	shalt  }
0x48: {  	_ =	shalt  }
0x49: {  	_ =	shalt  }
0x4a: {  	_ =	shalt  }
0x4b: {  	_ =	shalt  }
0x4c: {  	_ =	shalt  }
0x4d: {  	_ =	shalt  }
0x4e: {  	_ =	shalt  }
0x4f: {  	_ =	shalt  }
0x50: {  	_ =	shalt  }
0x51: {  	_ =	shalt  }
0x52: {  	_ =	shalt  }
0x53: {  	_ =	shalt  }
0x54: {  	_ =	shalt  }
0x55: {  	_ =	shalt  }
0x56: {  	_ =	shalt  }
0x57: {  	_ =	shalt  }
0x58: {  	_ =	shalt  }
0x59: {  	_ =	shalt  }
0x5a: {  	_ =	shalt  }
0x5b: {  	_ =	shalt  }
0x5c: {  	_ =	shalt  }
0x5d: {  	_ =	shalt  }
0x5e: {  	_ =	shalt  }
0x5f: {  	_ =	shalt  }
0x60: {  	_ =	shalt  }
0x61: {  	_ =	shalt  }
0x62: {  	_ =	shalt  }
0x63: {  	_ =	shalt  }
0x64: {  	_ =	shalt  }
0x65: {  	_ =	shalt  }
0x66: {  	_ =	shalt  }
0x67: {  	_ =	shalt  }
0x68: {  	_ =	shalt  }
0x69: {  	_ =	shalt  }
0x6a: {  	_ =	shalt  }
0x6b: {  	_ =	shalt  }
0x6c: {  	_ =	shalt  }
0x6d: {  	_ =	shalt  }
0x6e: {  	_ =	shalt  }
0x6f: {  	_ =	shalt  }
0x70: {  	_ =	shalt  }
0x71: {  	_ =	shalt  }
0x72: {  	_ =	shalt  }
0x73: {  	_ =	shalt  }
0x74: {  	_ =	shalt  }
0x75: {  	_ =	shalt  }
0x76: {  	_ =	shalt  }
0x77: {  	_ =	shalt  }
0x78: {  	_ =	shalt  }
0x79: {  	_ =	shalt  }
0x7a: {  	_ =	shalt  }
0x7b: {  	_ =	shalt  }
0x7c: {  	_ =	shalt  }
0x7d: {  	_ =	shalt  }
0x7e: {  	_ =	shalt  }
0x7f: {  	_ =	shalt  }
0x80: {  	_ =	shalt  }
0x81: {  	_ =	shalt  }
0x82: {  	_ =	shalt  }
0x83: {  	_ =	shalt  }
0x84: {  	_ =	shalt  }
0x85: {  	_ =	shalt  }
0x86: {  	_ =	shalt  }
0x87: {  	_ =	shalt  }
.Lfunc_end0:
.L_simem_size_0:
called_computation.2_lowered:
.L_overlay_start_0:
0x88: {  	s2 =	sld [smem:$0x3FD9]  }
0x89: {  	s3 =	sld [smem:$0x3FFE];
	_ =	sdelay $0x1  }
0x8a: {  	s1 =	srdreg.scid  }
0x8b: {  	s0 =	sand.u32 $0x1, s1  }
0x8c: {  	s16 =	sshll.u32 s0, $0xA;
	s2 =	sadd.s32 s3, s2  }
0x8d: {  	s2 =	sadd.s32 s2, s16  }
0x8e: {  	[smem:$0x3FC0] =	sst s2  }
0x8f: {  	_ = 	snop  }
0x90: {  	(tm) =	ssettm $0x1  }
0x91: {  	s17 =	sld [smem:$0x3FFB];
	_ =	sdelay $0x3  }
0x92: {  	_ =	strace s17  }
0x93: {  	s2 =	sld [smem:$0x3FFC];
	_ =	sdelay $0x3  }
0x94: {  	_ =	strace s2  }
0x95: {  	s2 =	sld [smem:$0x3FFD];
	_ =	sdelay $0x3  }
0x96: {  	_ =	strace s2  }
0x97: {  	_ =	strace $0x8FFFFFFF  }
0x98: {  	s18 =	sld [smem:$0x3FDB];
	_ =	sdelay $0x1  }
0x99: {  	s19 =	simm.s32 $_scs_section_size  }
0x9a: {  	s4 =	simm.s32 $_size__tile_overlayer_lowered;
	s5 =	simm.s32 $_tile_overlayer_lowered  }
0x9b: {  	s22 =	simm.s32 $0x1BFF;
	s21 =	sshll.u32 s5, $0x1;
	s2 =	sadd.s32 s19, s18  }
0x9c: {  	s6 =	simm.s32 $0x0;
	s20 =	sshll.u32 s4, $0x1;
	s4 =	sadd.s32 s21, s2  }
0x9d: {  	[timem:s6], [sflag:s22] =	dma.local [hbm:s4], s20  }
0x9e: {  	_ =	swait.ge [sflag:s22], s20  }
0x9f: {  	s3 =	ssub.s32 $0x0, s20;
	[sflag:s22] =	ssyncset.done $0x0  }
0xa0: {  	[sflag:s22] =	ssyncadd.s32 s3;
	_ =	sdelay $0x1  }
0xa1: {  	s23 =	simm.s32 $0x1B8B  }
0xa2: {  	_ =	swait.ge [sflag:s23], $0x1  }
0xa3: {  	[sflag:s23] =	ssyncset.done $0x0  }
0xa4: {  	s25 =	simm.s32 $0x1B8E;
	s24 =	sld [smem:$0x3FFE];
	[sflag:s23] =	ssyncadd.s32 $0xFFFFFFFF  }
0xa5: {  	s26 =	simm.s32 $execute0_lowered;
	[smem:$0x3FD2] =	sst s25  }
0xa6: {  	s4 =	sshll.u32 s26, $0x1;
	_ =	strace $0x8000004C;
	[dreg:$0x1] =	wrdreg $0xFFFFFFFF  }
0xa7: {  	s28 =	simm.s32 $_size_execute0_lowered;
	s2 =	sadd.s32 s2, s4;
	[dreg:$0x0] =	wrdreg $0x0  }
0xa8: {  	s4 =	sshll.u32 s28, $0x1;
	[dreg:$0x2] =	wrdreg s2  }
0xa9: {  	[dreg:$0x3] =	wrdreg s4  }
0xaa: {  	[dreg:$0x4] =	wrdreg $0xC0  }
0xab: {  	_ =	task [dreg:s6], $0x5FFFF  }
0xac: {  	[dreg:$0x1] =	wrdreg $0xFFFFFFFF  }
0xad: {  	[dreg:$0x0] =	wrdreg $0x60  }
0xae: {  	[dreg:$0x2] =	wrdreg s24  }
0xaf: {  	[dreg:$0x3] =	wrdreg $0x0  }
0xb0: {  	[dreg:$0x4] =	wrdreg $0x9  }
0xb1: {  	_ =	task.clear_ibuf [dreg:s6], $0x5FFFF;
	_ =	strace $0x9000004C  }
0xb2: {  	s29 =	simm.s32 $0x9;
	_ =	strace $0x8000004E  }
0xb3: {  	_ =	swait.ge [sflag:s29], $0x1  }
0xb4: {  	[sflag:s29] =	ssyncadd.s32 $0xFFFFFFFF  }
0xb5: {  	_ =	strace $0x9000004E  }
0xb6: {  	_ =	sfence  }
0xb7: {  	s30 =	sld [smem:$0x0];
	_ =	sdelay $0x2  }
0xb8: {  	s31 =	sshll.u32 s1, $0xD;
	s1 =	sshrl.u32 s1, $0x2  }
0xb9: {  	s3 =	sand.u32 $0x4000, s31;
	s1 =	sadd.s32 s1, s30  }
0xba: {  	s0 =	sor.u32 s3, s0;
	s1 =	sshll.u32 s1, $0x11  }
0xbb: {  	s0 =	sor.u32 s1, s0  }
0xbc: {  	s0 =	sadd.s32 $0x8F2B, s0  }
0xbd: {  	[sflag:s0] =	ssyncadd.remote.s32 $0x1  }
0xbe: {  	_ =	sfence.sel $0xFFFF  }
0xbf: {  	[dreg:$0x0] =	wrdreg $0xFFFFFFFF;
	(pc) =	sbr.abs _section_cstart, $3  }
0xc0: {  	[dreg:$0x1] =	wrdreg $0xFFFFFFFF  }
0xc1: {  	_ =	task.clear_ibuf [dreg:s6], $0x2FFFF;
	_ =	strace $0x9FFFFFFF  }
0xc2: {  	(tm) =	ssettm $0x7FFFFFFF  }
0xc3: {  	_ =	shalt  }
tec
execute0_lowered:
.L_overlay_start_1:
0x0: {  	(tag) =	ssettag $0x1  }
0x1: {  	s0 =	srdreg.scid;
	s1 =	rddreg [dreg:$0x0]  }
0x2: {  	s12 =	stileid.u32;
	s2 =	rddreg [dreg:$0x1]  }
0x3: {  	s13 =	simm.s32 $0x18F00;
	s15 =	simm.s32 $0x400;
	s22 =	simm.s32 $0x18780  }
0x4: {  	s16 =	simm.s32 $0x13880;
	s23 =	simm.s32 $0x18800;
	s17 =	simm.s32 $0x50  }
0x5: {  	s24 =	simm.s32 $0x18880;
	s18 =	simm.s32 $0x138D0;
	s25 =	simm.s32 $0x18900  }
0x6: {  	s26 =	simm.s32 $0x18980;
	s28 =	simm.s32 $0x18A00;
	s29 =	simm.s32 $0x18A80  }
0x7: {  	s30 =	simm.s32 $0x18B00;
	s31 =	simm.s32 $0x18B80;
	s20 =	smul.u32 $0x1900, s12  }
0x8: {  	s0 =	sand.u32 $0x1, s0;
	s3 =	sshrl.u32 s12, $0x3;
	s9 =	smul.u32 $0x50000, s12  }
0x9: {  	s6 =	sshll.u32 s12, $0x7;
	s5 =	smul.u32 $0x27400, s3;
	s3 =	simm.s32 $0x0  }
0xa: {  	p0 =	seq.s32 s12, $0xF;
	s12 =	smul.u32 $0x14000, s12;
	[smem:$0x7FF] =	sst s3  }
0xb: {  	s4 =	smul.u32 $0x4E800, s0;
	_ =	strace $0x8000004D;
	[dreg:$0x3] =	wrdreg s22  }
0xc: {  	s19 =	sand.u32 $0x380, s6;
	s7 =	ssub.s32 $0x2, s0;
	[dreg:$0x4] =	wrdreg s23  }
0xd: {  	s6 =	simm.s32 $0x5;
	s0 =	smul.u32 $0x138800, s0;
	[dreg:$0x5] =	wrdreg s24  }
0xe: {  	s11 =	sadd.s32 s20, s1;
	s21 =	sshrl.u32 s7, $0x1;
	[dreg:$0x6] =	wrdreg s25  }
0xf: {  	s10 =	sshrl.u32 s9, $0x2;
	s20 =	simm.s32 $0x18700;
	[dreg:$0x7] =	wrdreg s26  }
0x10: {  	s4 =	sadd.s32 s4, s5;
	s10 =	sadd.s32 s10, s2;
	[dreg:$0x8] =	wrdreg s28  }
0x11: {  	s11 =	sadd.s32 $0x5A800, s11;
	s12 =	sadd.s32 s12, s0;
	[dreg:$0x9] =	wrdreg s29  }
0x12: {  	s22 =	simm.s32 $0x3;
	s23 =	simm.s32 $0x2;
	[dreg:$0xa] =	wrdreg s30  }
0x13: {  	s24 =	simm.s32 $0x4;
	[dreg:$0xb] =	wrdreg s31;
	s4 =	sor.u32 s19, s4  }
0x14: {  	s25 =	simm.s32 $0x0;
	s19 =	simm.s32 $0x1B700;
	s5 =	sshrl.u32 s4, $0x3  }
0x15: {  	s4 =	sadd.s32 $0x87200, s1;
	s8 =	sadd.s32 s5, s1;
	s5 =	sadd.s32 $0xD5400, s1  }
0x16: {  	s1 =	ssub.s32 s7, s21;
	s7 =	simm.s32 $0x5;
	s21 =	simm.s32 $0x1  }
0x17: {  	v0 =	vimm.f32 $0.0e+00;
	s7 =	simm.s32 @!p0 $0x8;
	s8 =	sadd.s32 $0x73800, s8;
	s9 =	smax.u32 s1, $0x1  }
.LBB2_1:
0x18: {  	s26 =	simm.s32 $0x18F80  }
0x19: {  	[tilespmem:s26+$0xFFFFFF80] =	vst v0  }
0x1a: {  	[tilespmem:s26+$0x70] =	vst v0  }
0x1b: {  	[tilespmem:s26+$0x60] =	vst v0  }
0x1c: {  	[tilespmem:s26+$0x50] =	vst v0  }
0x1d: {  	[tilespmem:s26+$0x40] =	vst v0  }
0x1e: {  	[tilespmem:s26+$0x30] =	vst v0  }
0x1f: {  	[tilespmem:s26+$0x20] =	vst v0  }
0x20: {  	[tilespmem:s26+$0x10] =	vst v0  }
0x21: {  	[tilespmem:s26+$0x0] =	vst v0  }
0x22: {  	[tilespmem:s26+$0xFFFFFFF0] =	vst v0  }
0x23: {  	[tilespmem:s26+$0xFFFFFFE0] =	vst v0  }
0x24: {  	[tilespmem:s26+$0xFFFFFFD0] =	vst v0  }
0x25: {  	[tilespmem:s26+$0xFFFFFFC0] =	vst v0  }
0x26: {  	[tilespmem:s26+$0xFFFFFFB0] =	vst v0  }
0x27: {  	s1 =	simm.s32 $0x0;
	[tilespmem:s26+$0xFFFFFFA0] =	vst v0  }
.LBB2_2:
0x28: {  	s1 =	sadd.s32 $0x2, s1;
	[tilespmem:s26+$0xFFFFFF90] =	vst v0;
	s26 =	sadd.s32 $0x100, s26  }
0x29: {  	[tilespmem:s26+$0xFFFFFF80] =	vst v0;
	p0 =	slt.u32 s1, $0x4E  }
0x2a: {  	[tilespmem:s26+$0x70] =	vst v0  }
0x2b: {  	[tilespmem:s26+$0x60] =	vst v0  }
0x2c: {  	[tilespmem:s26+$0x50] =	vst v0  }
0x2d: {  	[tilespmem:s26+$0x40] =	vst v0  }
0x2e: {  	[tilespmem:s26+$0x30] =	vst v0  }
0x2f: {  	[tilespmem:s26+$0x20] =	vst v0  }
0x30: {  	[tilespmem:s26+$0x10] =	vst v0  }
0x31: {  	[tilespmem:s26+$0x0] =	vst v0  }
0x32: {  	[tilespmem:s26+$0xFFFFFFF0] =	vst v0  }
.Ltmp0:
0x33: {  	[tilespmem:s26+$0xFFFFFFE0] =	vst v0;
	(pc) =	sbr.rel @p0 .LBB2_2-.Ltmp0, $4  }
0x34: {  	[tilespmem:s26+$0xFFFFFFD0] =	vst v0  }
0x35: {  	[tilespmem:s26+$0xFFFFFFC0] =	vst v0  }
0x36: {  	[tilespmem:s26+$0xFFFFFFB0] =	vst v0  }
0x37: {  	[tilespmem:s26+$0xFFFFFFA0] =	vst v0  }
0x38: {  	p0 =	sne.s32 s7, $0x1  }
.Ltmp1:
0x39: {  	_ = 	snop;
	(pc) =	sbr.rel @!p0 .LBB2_5-.Ltmp1, $4  }
0x3a: {  	[tilespmem:s26+$0xFFFFFF90] =	vst v0  }
0x3b: {  	[spmem:s10] =	stream.linear.scatter [tilespmem:s13], [sflag:$0x5], $0x2800, $0x38;
	[tilespmem:$0x1DF00] =	vst v63  }
0x3c: {  	_ =	swait.ge [sflag:s6], $0x2800  }
0x3d: {  	s1 =	sadd.s32 $0xFFFFFFFF, s7;
	s26 =	smov.u32 s10;
	[sflag:s6] =	ssyncset.done $0x0  }
.LBB2_4:
0x3e: {  	p1 =	sne.s32 s1, $0x1;
	[sflag:s6] =	ssyncadd.s32 $0xFFFFD800;
	s26 =	sadd.s32 $0x2800, s26  }
.Ltmp2:
0x3f: {  	s1 =	sadd.s32 $0xFFFFFFFF, s1;
	(pc) =	sbr.rel @p1 .LBB2_4-.Ltmp2, $4  }
0x40: {  	_ = 	snop  }
0x41: {  	[spmem:s26] =	stream.linear.scatter [tilespmem:s13], [sflag:$0x5], $0x2800, $0x38;
	[tilespmem:$0x1DF00] =	vst v63  }
0x42: {  	_ =	swait.ge [sflag:s6], $0x2800  }
0x43: {  	[sflag:s6] =	ssyncset.done $0x0  }
.LBB2_5:
0x44: {  	[sflag:s6] =	ssyncadd.s32 $0xFFFFD800;
	s0 =	simm.s32 $0x80  }
0x45: {  	[tilespmem:s16], [sflag:$0x5] =	stream.strided.gather [hbm4b:s8+s0], $0x4E80, s15, s0, $0x38;
	[tilespmem:$0x1DF00] =	vst v63  }
0x46: {  	_ =	swait.ge [sflag:s6], $0x4E80  }
0x47: {  	[sflag:s6] =	ssyncset.done $0x0  }
0x48: {  	[sflag:s6] =	ssyncadd.s32 $0xFFFFB180  }
0x49: {  	[bflag:$0x0] =	sbarrier.arrive $0xFFFF  }
0x4a: {  	[tilespmem:s13], [sflag:$0x1] =	stream.indirect.gather [hbm4b:s4+s17], $0x80, s16, s17, $0xb8;
	[tilespmem:$0x1DF00] =	vst v63  }
0x4b: {  	_ = 	snop  }
0x4c: {  	[tilespmem:s19], [sflag:$0x2] =	stream.indirect.gather [hbm4b:s4+s17], $0x80, s18, s17, $0xb8;
	[tilespmem:$0x1DF00] =	vst v63  }
0x4d: {  	_ = 	snop  }
0x4e: {  	[tilespmem:s20], [sflag:$0x5] =	stream.linear.gather [hbm4b:s11+s3], $0x500, $0x38;
	[tilespmem:$0x1DF00] =	vst v63  }
0x4f: {  	_ =	swait.ge [sflag:s6], $0x500  }
0x50: {  	[sflag:s6] =	ssyncset.done $0x0  }
0x51: {  	[sflag:s6] =	ssyncadd.s32 $0xFFFFFB00  }
0x52: {  	_ =	swait.ge [sflag:s21], $0x2800  }
0x53: {  	[sflag:s21] =	ssyncset.done $0x0  }
0x54: {  	[sflag:s21] =	ssyncadd.s32 $0xFFFFD800  }
0x55: {  	[spmem:s2] =	stream.indirect.scatter.add.f32 [tilespmem:s13], [sflag:$0x3], $0x80, s20, s17, $0xb8;
	[tilespmem:$0x1DF00] =	vst v63  }
0x56: {  	_ =	swait.ge [sflag:s22], $0x2800  }
0x57: {  	[sflag:s22] =	ssyncset.done $0x0  }
0x58: {  	s26 =	simm.s32 $0x13920;
	[sflag:s22] =	ssyncadd.s32 $0xFFFFD800  }
0x59: {  	[tilespmem:s13], [sflag:$0x1] =	stream.indirect.gather [hbm4b:s4+s17], $0x80, s26, s17, $0xb8;
	[tilespmem:$0x1DF00] =	vst v63  }
0x5a: {  	_ =	swait.ge [sflag:s23], $0x2800  }
0x5b: {  	[sflag:s23] =	ssyncset.done $0x0  }
0x5c: {  	s1 =	rddreg [dreg:$0x3];
	[sflag:s23] =	ssyncadd.s32 $0xFFFFD800  }
0x5d: {  	[spmem:s2] =	stream.indirect.scatter.add.f32 [tilespmem:s19], [sflag:$0x4], $0x80, s1, s17, $0xb8;
	[tilespmem:$0x1DF00] =	vst v63  }
0x5e: {  	_ =	swait.ge [sflag:s24], $0x2800  }
0x5f: {  	[sflag:s24] =	ssyncset.done $0x0  }
0x60: {  	s14 =	simm.s32 $0x13970;
	[sflag:s24] =	ssyncadd.s32 $0xFFFFD800  }
0x61: {  	[tilespmem:s19], [sflag:$0x2] =	stream.indirect.gather [hbm4b:s4+s17], $0x80, s14, s17, $0xb8;
	[tilespmem:$0x1DF00] =	vst v63  }
0x62: {  	_ =	swait.ge [sflag:s21], $0x2800  }
0x63: {  	[sflag:s21] =	ssyncset.done $0x0  }
0x64: {  	s26 =	rddreg [dreg:$0x4];
	[sflag:s21] =	ssyncadd.s32 $0xFFFFD800  }
0x65: {  	[spmem:s2] =	stream.indirect.scatter.add.f32 [tilespmem:s13], [sflag:$0x3], $0x80, s26, s17, $0xb8;
	[tilespmem:$0x1DF00] =	vst v63  }
0x66: {  	_ =	swait.ge [sflag:s22], $0x2800  }
0x67: {  	[sflag:s22] =	ssyncset.done $0x0  }
0x68: {  	s1 =	simm.s32 $0x139C0;
	[sflag:s22] =	ssyncadd.s32 $0xFFFFD800  }
0x69: {  	[tilespmem:s13], [sflag:$0x1] =	stream.indirect.gather [hbm4b:s4+s17], $0x80, s1, s17, $0xb8;
	[tilespmem:$0x1DF00] =	vst v63  }
0x6a: {  	_ =	swait.ge [sflag:s23], $0x2800  }
0x6b: {  	[sflag:s23] =	ssyncset.done $0x0  }
0x6c: {  	s14 =	rddreg [dreg:$0x5];
	[sflag:s23] =	ssyncadd.s32 $0xFFFFD800  }
0x6d: {  	[spmem:s2] =	stream.indirect.scatter.add.f32 [tilespmem:s19], [sflag:$0x4], $0x80, s14, s17, $0xb8;
	[tilespmem:$0x1DF00] =	vst v63  }
0x6e: {  	_ =	swait.ge [sflag:s24], $0x2800  }
0x6f: {  	[sflag:s24] =	ssyncset.done $0x0  }
0x70: {  	s26 =	simm.s32 $0x13A10;
	[sflag:s24] =	ssyncadd.s32 $0xFFFFD800  }
0x71: {  	[tilespmem:s19], [sflag:$0x2] =	stream.indirect.gather [hbm4b:s4+s17], $0x80, s26, s17, $0xb8;
	[tilespmem:$0x1DF00] =	vst v63  }
0x72: {  	_ =	swait.ge [sflag:s21], $0x2800  }
0x73: {  	[sflag:s21] =	ssyncset.done $0x0  }
0x74: {  	s1 =	rddreg [dreg:$0x6];
	[sflag:s21] =	ssyncadd.s32 $0xFFFFD800  }
0x75: {  	[spmem:s2] =	stream.indirect.scatter.add.f32 [tilespmem:s13], [sflag:$0x3], $0x80, s1, s17, $0xb8;
	[tilespmem:$0x1DF00] =	vst v63  }
0x76: {  	_ =	swait.ge [sflag:s22], $0x2800  }
0x77: {  	[sflag:s22] =	ssyncset.done $0x0  }
0x78: {  	s14 =	simm.s32 $0x13A60;
	[sflag:s22] =	ssyncadd.s32 $0xFFFFD800  }
0x79: {  	[tilespmem:s13], [sflag:$0x1] =	stream.indirect.gather [hbm4b:s4+s17], $0x80, s14, s17, $0xb8;
	[tilespmem:$0x1DF00] =	vst v63  }
0x7a: {  	_ =	swait.ge [sflag:s23], $0x2800  }
0x7b: {  	[sflag:s23] =	ssyncset.done $0x0  }
0x7c: {  	s26 =	rddreg [dreg:$0x7];
	[sflag:s23] =	ssyncadd.s32 $0xFFFFD800  }
0x7d: {  	[spmem:s2] =	stream.indirect.scatter.add.f32 [tilespmem:s19], [sflag:$0x4], $0x80, s26, s17, $0xb8;
	[tilespmem:$0x1DF00] =	vst v63  }
0x7e: {  	_ =	swait.ge [sflag:s24], $0x2800  }
0x7f: {  	[sflag:s24] =	ssyncset.done $0x0  }
0x80: {  	s1 =	simm.s32 $0x13AB0;
	[sflag:s24] =	ssyncadd.s32 $0xFFFFD800  }
0x81: {  	[tilespmem:s19], [sflag:$0x2] =	stream.indirect.gather [hbm4b:s4+s17], $0x80, s1, s17, $0xb8;
	[tilespmem:$0x1DF00] =	vst v63  }
0x82: {  	_ =	swait.ge [sflag:s21], $0x2800  }
0x83: {  	[sflag:s21] =	ssyncset.done $0x0  }
0x84: {  	s14 =	rddreg [dreg:$0x8];
	[sflag:s21] =	ssyncadd.s32 $0xFFFFD800  }
0x85: {  	[spmem:s2] =	stream.indirect.scatter.add.f32 [tilespmem:s13], [sflag:$0x3], $0x80, s14, s17, $0xb8;
	[tilespmem:$0x1DF00] =	vst v63  }
0x86: {  	_ =	swait.ge [sflag:s22], $0x2800  }
0x87: {  	[sflag:s22] =	ssyncset.done $0x0  }
0x88: {  	s26 =	simm.s32 $0x13B00;
	[sflag:s22] =	ssyncadd.s32 $0xFFFFD800  }
0x89: {  	[tilespmem:s13], [sflag:$0x1] =	stream.indirect.gather [hbm4b:s4+s17], $0x80, s26, s17, $0xb8;
	[tilespmem:$0x1DF00] =	vst v63  }
0x8a: {  	_ =	swait.ge [sflag:s23], $0x2800  }
0x8b: {  	[sflag:s23] =	ssyncset.done $0x0  }
0x8c: {  	s1 =	rddreg [dreg:$0x9];
	[sflag:s23] =	ssyncadd.s32 $0xFFFFD800  }
0x8d: {  	[spmem:s2] =	stream.indirect.scatter.add.f32 [tilespmem:s19], [sflag:$0x4], $0x80, s1, s17, $0xb8;
	[tilespmem:$0x1DF00] =	vst v63  }
0x8e: {  	_ =	swait.ge [sflag:s24], $0x2800  }
0x8f: {  	[sflag:s24] =	ssyncset.done $0x0  }
0x90: {  	s14 =	simm.s32 $0x13B50;
	[sflag:s24] =	ssyncadd.s32 $0xFFFFD800  }
0x91: {  	[tilespmem:s19], [sflag:$0x2] =	stream.indirect.gather [hbm4b:s4+s17], $0x80, s14, s17, $0xb8;
	[tilespmem:$0x1DF00] =	vst v63  }
0x92: {  	_ =	swait.ge [sflag:s21], $0x2800  }
0x93: {  	p2 =	por $0x0, $0x0;
	[sflag:s21] =	ssyncset.done $0x0  }
0x94: {  	s1 =	simm.s32 @!p2 $0x3;
	s26 =	rddreg [dreg:$0xa];
	[sflag:s21] =	ssyncadd.s32 $0xFFFFD800  }
0x95: {  	[spmem:s2] =	stream.indirect.scatter.add.f32 [tilespmem:s13], [sflag:$0x3], $0x80, s26, s17, $0xb8;
	[tilespmem:$0x1DF00] =	vst v63  }
0x96: {  	_ =	swait.ge @!p2 [sflag:s1], $0x2800  }
0x97: {  	s0 =	simm.s32 @!p2 $0x13BA0;
	[sflag:s1] =	ssyncset.done @!p2 $0x0  }
0x98: {  	s31 =	simm.s32 @!p2 $0x50;
	s26 =	simm.s32 @!p2 $0x18F00;
	[sflag:s1] =	ssyncadd.s32 @!p2 $0xFFFFD800  }
0x99: {  	[tilespmem:s26], [sflag:$0x1] =	stream.indirect.gather @!p2 [hbm4b:s4+s31], $0x80, s0, s31, $0xb8;
	[tilespmem:$0x1DF00] =	vst v63  }
0x9a: {  	_ =	swait.ge [sflag:s23], $0x2800  }
0x9b: {  	s28 =	simm.s32 $0xC80;
	[sflag:s23] =	ssyncset.done $0x0  }
0x9c: {  	s30 =	simm.s32 @!p2 $0x4;
	s14 =	rddreg [dreg:$0xb];
	[sflag:s23] =	ssyncadd.s32 $0xFFFFD800  }
0x9d: {  	[spmem:s2] =	stream.indirect.scatter.add.f32 [tilespmem:s19], [sflag:$0x4], $0x80, s14, s17, $0xb8;
	[tilespmem:$0x1DF00] =	vst v63  }
0x9e: {  	s29 =	sadd.s32 $0x100, s11;
	s1 =	simm.s32 @!p2 $0x13BF0;
	_ =	swait.ge @!p2 [sflag:s30], $0x2800  }
0x9f: {  	s26 =	simm.s32 $0x0;
	s0 =	simm.s32 @!p2 $0x1B700;
	[sflag:s30] =	ssyncset.done @!p2 $0x0  }
.LBB2_6:
0xa0: {  	[sflag:s30] =	ssyncadd.s32 @!p2 $0xFFFFD800  }
0xa1: {  	[tilespmem:s0], [sflag:$0x2] =	stream.indirect.gather @!p2 [hbm4b:s4+s31], $0x80, s1, s31, $0xb8;
	[tilespmem:$0x1DF00] =	vst v63  }
0xa2: {  	_ = 	snop  }
0xa3: {  	[tilespmem:s20], [sflag:$0x5] =	stream.linear.gather [hbm4b:s29+s3], $0x500, $0x38;
	[tilespmem:$0x1DF00] =	vst v63  }
0xa4: {  	_ =	swait.ge [sflag:s6], $0x500  }
0xa5: {  	[sflag:s6] =	ssyncset.done $0x0  }
0xa6: {  	[sflag:s6] =	ssyncadd.s32 $0xFFFFFB00  }
0xa7: {  	_ =	swait.ge [sflag:s21], $0x2800  }
0xa8: {  	[sflag:s21] =	ssyncset.done $0x0  }
0xa9: {  	[sflag:s21] =	ssyncadd.s32 $0xFFFFD800  }
0xaa: {  	[spmem:s2] =	stream.indirect.scatter.add.f32 [tilespmem:s13], [sflag:$0x3], $0x80, s20, s17, $0xb8;
	[tilespmem:$0x1DF00] =	vst v63  }
0xab: {  	s30 =	smov.u32 s28;
	_ =	swait.ge [sflag:s22], $0x2800  }
0xac: {  	s31 =	sshra.s32 s30, $0x2;
	[sflag:s22] =	ssyncset.done $0x0  }
0xad: {  	s1 =	sadd.s32 $0x13920, s31;
	[sflag:s22] =	ssyncadd.s32 $0xFFFFD800  }
0xae: {  	[tilespmem:s13], [sflag:$0x1] =	stream.indirect.gather [hbm4b:s4+s17], $0x80, s1, s17, $0xb8;
	[tilespmem:$0x1DF00] =	vst v63  }
0xaf: {  	_ =	swait.ge [sflag:s23], $0x2800  }
0xb0: {  	[sflag:s23] =	ssyncset.done $0x0  }
0xb1: {  	s14 =	rddreg [dreg:$0x3];
	[sflag:s23] =	ssyncadd.s32 $0xFFFFD800  }
0xb2: {  	[spmem:s2] =	stream.indirect.scatter.add.f32 [tilespmem:s19], [sflag:$0x4], $0x80, s14, s17, $0xb8;
	[tilespmem:$0x1DF00] =	vst v63  }
0xb3: {  	_ =	swait.ge [sflag:s24], $0x2800  }
0xb4: {  	[sflag:s24] =	ssyncset.done $0x0  }
0xb5: {  	s1 =	sadd.s32 $0x13970, s31;
	[sflag:s24] =	ssyncadd.s32 $0xFFFFD800  }
0xb6: {  	[tilespmem:s19], [sflag:$0x2] =	stream.indirect.gather [hbm4b:s4+s17], $0x80, s1, s17, $0xb8;
	[tilespmem:$0x1DF00] =	vst v63  }
0xb7: {  	_ =	swait.ge [sflag:s21], $0x2800  }
0xb8: {  	[sflag:s21] =	ssyncset.done $0x0  }
0xb9: {  	s14 =	rddreg [dreg:$0x4];
	[sflag:s21] =	ssyncadd.s32 $0xFFFFD800  }
0xba: {  	[spmem:s2] =	stream.indirect.scatter.add.f32 [tilespmem:s13], [sflag:$0x3], $0x80, s14, s17, $0xb8;
	[tilespmem:$0x1DF00] =	vst v63  }
0xbb: {  	_ =	swait.ge [sflag:s22], $0x2800  }
0xbc: {  	[sflag:s22] =	ssyncset.done $0x0  }
0xbd: {  	s1 =	sadd.s32 $0x139C0, s31;
	[sflag:s22] =	ssyncadd.s32 $0xFFFFD800  }
0xbe: {  	[tilespmem:s13], [sflag:$0x1] =	stream.indirect.gather [hbm4b:s4+s17], $0x80, s1, s17, $0xb8;
	[tilespmem:$0x1DF00] =	vst v63  }
0xbf: {  	_ =	swait.ge [sflag:s23], $0x2800  }
0xc0: {  	[sflag:s23] =	ssyncset.done $0x0  }
0xc1: {  	s14 =	rddreg [dreg:$0x5];
	[sflag:s23] =	ssyncadd.s32 $0xFFFFD800  }
0xc2: {  	[spmem:s2] =	stream.indirect.scatter.add.f32 [tilespmem:s19], [sflag:$0x4], $0x80, s14, s17, $0xb8;
	[tilespmem:$0x1DF00] =	vst v63  }
0xc3: {  	_ =	swait.ge [sflag:s24], $0x2800  }
0xc4: {  	[sflag:s24] =	ssyncset.done $0x0  }
0xc5: {  	s1 =	sadd.s32 $0x13A10, s31;
	[sflag:s24] =	ssyncadd.s32 $0xFFFFD800  }
0xc6: {  	[tilespmem:s19], [sflag:$0x2] =	stream.indirect.gather [hbm4b:s4+s17], $0x80, s1, s17, $0xb8;
	[tilespmem:$0x1DF00] =	vst v63  }
0xc7: {  	_ =	swait.ge [sflag:s21], $0x2800  }
0xc8: {  	[sflag:s21] =	ssyncset.done $0x0  }
0xc9: {  	s14 =	rddreg [dreg:$0x6];
	[sflag:s21] =	ssyncadd.s32 $0xFFFFD800  }
0xca: {  	[spmem:s2] =	stream.indirect.scatter.add.f32 [tilespmem:s13], [sflag:$0x3], $0x80, s14, s17, $0xb8;
	[tilespmem:$0x1DF00] =	vst v63  }
0xcb: {  	_ =	swait.ge [sflag:s22], $0x2800  }
0xcc: {  	[sflag:s22] =	ssyncset.done $0x0  }
0xcd: {  	s1 =	sadd.s32 $0x13A60, s31;
	[sflag:s22] =	ssyncadd.s32 $0xFFFFD800  }
0xce: {  	[tilespmem:s13], [sflag:$0x1] =	stream.indirect.gather [hbm4b:s4+s17], $0x80, s1, s17, $0xb8;
	[tilespmem:$0x1DF00] =	vst v63  }
0xcf: {  	_ =	swait.ge [sflag:s23], $0x2800  }
0xd0: {  	[sflag:s23] =	ssyncset.done $0x0  }
0xd1: {  	s14 =	rddreg [dreg:$0x7];
	[sflag:s23] =	ssyncadd.s32 $0xFFFFD800  }
0xd2: {  	[spmem:s2] =	stream.indirect.scatter.add.f32 [tilespmem:s19], [sflag:$0x4], $0x80, s14, s17, $0xb8;
	[tilespmem:$0x1DF00] =	vst v63  }
0xd3: {  	_ =	swait.ge [sflag:s24], $0x2800  }
0xd4: {  	[sflag:s24] =	ssyncset.done $0x0  }
0xd5: {  	s1 =	sadd.s32 $0x13AB0, s31;
	[sflag:s24] =	ssyncadd.s32 $0xFFFFD800  }
0xd6: {  	[tilespmem:s19], [sflag:$0x2] =	stream.indirect.gather [hbm4b:s4+s17], $0x80, s1, s17, $0xb8;
	[tilespmem:$0x1DF00] =	vst v63  }
0xd7: {  	_ =	swait.ge [sflag:s21], $0x2800  }
0xd8: {  	[sflag:s21] =	ssyncset.done $0x0  }
0xd9: {  	s14 =	rddreg [dreg:$0x8];
	[sflag:s21] =	ssyncadd.s32 $0xFFFFD800  }
0xda: {  	[spmem:s2] =	stream.indirect.scatter.add.f32 [tilespmem:s13], [sflag:$0x3], $0x80, s14, s17, $0xb8;
	[tilespmem:$0x1DF00] =	vst v63  }
0xdb: {  	_ =	swait.ge [sflag:s22], $0x2800  }
0xdc: {  	[sflag:s22] =	ssyncset.done $0x0  }
0xdd: {  	s1 =	sadd.s32 $0x13B00, s31;
	[sflag:s22] =	ssyncadd.s32 $0xFFFFD800  }
0xde: {  	[tilespmem:s13], [sflag:$0x1] =	stream.indirect.gather [hbm4b:s4+s17], $0x80, s1, s17, $0xb8;
	[tilespmem:$0x1DF00] =	vst v63  }
0xdf: {  	_ =	swait.ge [sflag:s23], $0x2800  }
0xe0: {  	[sflag:s23] =	ssyncset.done $0x0  }
0xe1: {  	s14 =	rddreg [dreg:$0x9];
	[sflag:s23] =	ssyncadd.s32 $0xFFFFD800  }
0xe2: {  	[spmem:s2] =	stream.indirect.scatter.add.f32 [tilespmem:s19], [sflag:$0x4], $0x80, s14, s17, $0xb8;
	[tilespmem:$0x1DF00] =	vst v63  }
0xe3: {  	_ =	swait.ge [sflag:s24], $0x2800  }
0xe4: {  	[sflag:s24] =	ssyncset.done $0x0  }
0xe5: {  	s1 =	sadd.s32 $0x13B50, s31;
	[sflag:s24] =	ssyncadd.s32 $0xFFFFD800  }
0xe6: {  	[tilespmem:s19], [sflag:$0x2] =	stream.indirect.gather [hbm4b:s4+s17], $0x80, s1, s17, $0xb8;
	[tilespmem:$0x1DF00] =	vst v63  }
0xe7: {  	s26 =	sadd.s32 $0x1, s26;
	_ =	swait.ge [sflag:s21], $0x2800  }
0xe8: {  	p2 =	sgt.u32 s26, $0x17;
	[sflag:s21] =	ssyncset.done $0x0  }
0xe9: {  	s14 =	simm.s32 @!p2 $0x3;
	s0 =	rddreg [dreg:$0xa];
	[sflag:s21] =	ssyncadd.s32 $0xFFFFD800  }
0xea: {  	[spmem:s2] =	stream.indirect.scatter.add.f32 [tilespmem:s13], [sflag:$0x3], $0x80, s0, s17, $0xb8;
	[tilespmem:$0x1DF00] =	vst v63  }
0xeb: {  	s28 =	sadd.s32 $0xC80, s28;
	_ =	swait.ge @!p2 [sflag:s14], $0x2800  }
0xec: {  	s31 =	simm.s32 @!p2 $0x50;
	s1 =	sshra.s32 @!p2 s30, $0x2;
	[sflag:s14] =	ssyncset.done @!p2 $0x0  }
0xed: {  	s30 =	simm.s32 @!p2 $0x18F00;
	s0 =	sadd.s32 @!p2 $0x13BA0, s1;
	[sflag:s14] =	ssyncadd.s32 @!p2 $0xFFFFD800  }
0xee: {  	[tilespmem:s30], [sflag:$0x1] =	stream.indirect.gather @!p2 [hbm4b:s4+s31], $0x80, s0, s31, $0xb8;
	[tilespmem:$0x1DF00] =	vst v63  }
0xef: {  	p1 =	sne.s32 s28, $0x13880;
	_ =	swait.ge [sflag:s23], $0x2800  }
.Ltmp3:
0xf0: {  	[sflag:s23] =	ssyncset.done $0x0;
	(pc) =	sbr.rel @p1 .LBB2_6-.Ltmp3, $4  }
0xf1: {  	s30 =	simm.s32 @!p2 $0x4;
	s14 =	rddreg [dreg:$0xb];
	[sflag:s23] =	ssyncadd.s32 $0xFFFFD800  }
0xf2: {  	[spmem:s2] =	stream.indirect.scatter.add.f32 [tilespmem:s19], [sflag:$0x4], $0x80, s14, s17, $0xb8;
	[tilespmem:$0x1DF00] =	vst v63  }
0xf3: {  	s29 =	sadd.s32 $0x100, s29;
	_ =	swait.ge @!p2 [sflag:s30], $0x2800  }
0xf4: {  	s1 =	sadd.s32 @!p2 $0x13BF0, s1;
	s0 =	simm.s32 @!p2 $0x1B700;
	[sflag:s30] =	ssyncset.done @!p2 $0x0  }
0xf5: {  	[sflag:s30] =	ssyncadd.s32 @!p2 $0xFFFFD800  }
0xf6: {  	[tilespmem:s0], [sflag:$0x2] =	stream.indirect.gather @!p2 [hbm4b:s4+s31], $0x80, s1, s31, $0xb8;
	[tilespmem:$0x1DF00] =	vst v63  }
0xf7: {  	_ =	swait.ge [sflag:s22], $0x2800  }
0xf8: {  	[sflag:s22] =	ssyncset.done $0x0  }
0xf9: {  	[sflag:s22] =	ssyncadd.s32 $0xFFFFD800  }
0xfa: {  	_ =	swait.ge [sflag:s24], $0x2800  }
0xfb: {  	[sflag:s24] =	ssyncset.done $0x0  }
0xfc: {  	[sflag:s24] =	ssyncadd.s32 $0xFFFFD800  }
0xfd: {  	[bflag:$0x0] =	sbarrier.arrive $0xFFFF  }
0xfe: {  	[tilespmem:s13], [sflag:$0x5] =	stream.linear.gather [spmem:s10], $0x2800, $0x38;
	[tilespmem:$0x1DF00] =	vst v63  }
0xff: {  	_ =	swait.ge [sflag:s6], $0x2800  }
.Ltmp4:
0x100: {  	s31 =	sshrl.u32 s12, $0x3;
	[sflag:s6] =	ssyncset.done $0x0;
	(pc) =	sbr.rel @!p0 .LBB2_9-.Ltmp4, $4  }
0x101: {  	s0 =	sadd.s32 s5, s31;
	[sflag:s6] =	ssyncadd.s32 $0xFFFFD800  }
0x102: {  	[hbm4b:s0+s3] =	stream.linear.scatter [tilespmem:s13], [sflag:$0x5], $0x2800, $0x38;
	[tilespmem:$0x1DF00] =	vst v63  }
0x103: {  	s26 =	smov.u32 s12;
	_ =	swait.ge [sflag:s6], $0x2800  }
0x104: {  	s28 =	smov.u32 s10;
	s1 =	sadd.s32 $0xFFFFFFFF, s7;
	[sflag:s6] =	ssyncset.done $0x0  }
.LBB2_8:
0x105: {  	[sflag:s6] =	ssyncadd.s32 $0xFFFFD800;
	s26 =	sadd.s32 $0x2800, s26;
	s28 =	sadd.s32 $0x2800, s28  }
0x106: {  	[tilespmem:s13], [sflag:$0x5] =	stream.linear.gather [spmem:s28], $0x2800, $0x38;
	[tilespmem:$0x1DF00] =	vst v63  }
0x107: {  	p0 =	sne.s32 s1, $0x1;
	s1 =	sadd.s32 $0xFFFFFFFF, s1;
	_ =	swait.ge [sflag:s6], $0x2800  }
.Ltmp5:
0x108: {  	s0 =	sshrl.u32 s26, $0x3;
	[sflag:s6] =	ssyncset.done $0x0;
	(pc) =	sbr.rel @p0 .LBB2_8-.Ltmp5, $4  }
0x109: {  	s0 =	sadd.s32 s5, s0;
	[sflag:s6] =	ssyncadd.s32 $0xFFFFD800  }
0x10a: {  	[hbm4b:s0+s3] =	stream.linear.scatter [tilespmem:s13], [sflag:$0x5], $0x2800, $0x38;
	[tilespmem:$0x1DF00] =	vst v63  }
0x10b: {  	_ =	swait.ge [sflag:s6], $0x2800  }
0x10c: {  	[sflag:s6] =	ssyncset.done $0x0  }
.LBB2_9:
0x10d: {  	s25 =	sadd.s32 $0x1, s25  }
0x10e: {  	p0 =	sne.s32 s25, s9  }
.Ltmp6:
0x10f: {  	_ = 	snop;
	(pc) =	sbr.rel @p0 .LBB2_1-.Ltmp6, $2  }
0x110: {  	_ =	sdelay $0x2  }
0x111: {  	[sflag:s6] =	ssyncadd.s32 $0xFFFFD800  }
0x112: {  	_ =	sfence.sel $0x180000  }
0x113: {  	[bflag:$0x0] =	sbarrier.arrive $0xFFFF  }
0x114: {  	_ =	strace $0x9000004D  }
0x115: {  	s0 =	stileid.u32;
	[bflag:$0x2] =	sbarrier.arrive $0xFFFF  }
0x116: {  	p0 =	sne.s32 s0, $0x0;
	s0 =	rddreg [dreg:$0x2]  }
0x117: {  	s0 =	sadd.s32 @!p0 $0x100000, s0  }
0x118: {  	[sflag:s0] =	ssyncadd.tile.s32 @!p0 $0x1;
	_ =	shalt  }
.Lfunc_end2:
_tile_overlayer_lowered:
.L_overlay_start_2:
0x119: {  	(tag) =	ssettag $0x2  }
0x11a: {  	s0 =	rddreg [dreg:$0x0];
	s2 =	stileid.u32  }
0x11b: {  	s1 =	rddreg [dreg:$0x1];
	p0 =	sne.s32 s2, $0x0  }
0x11c: {  	s3 =	rddreg [dreg:$0x2];
	[bflag:$0x3] =	sbarrier.arrive $0xFFFF;
	s2 =	simm.s32 @!p0 $0x1C05  }
0x11d: {  	[timem:s3], [sflag:s2] =	dma.local @!p0 [hbm:s0], s1  }
0x11e: {  	s0 =	simm.s32 @!p0 $0x5  }
0x11f: {  	_ =	swait.ge @!p0 [sflag:s0], s1  }
0x120: {  	s1 =	ssub.s32 @!p0 $0x0, s1;
	[sflag:s0] =	ssyncset.done @!p0 $0x0  }
0x121: {  	[sflag:s0] =	ssyncadd.s32 @!p0 s1  }
0x122: {  	[bflag:$0x3] =	sbarrier.arrive $0xFFFF  }
0x123: {  	_ =	shalt  }

// kernel: kernel.8.cloned.1.call-start
scs
__scs_entry_jumppad:
0x0: {  	(pc) =	sbr.rel $0x88, $3  }
0x1: {  	(tag) =	ssettag $0x0;
	lr =	simm.s32 $0x1  }
0x2: {  	[smem:$0x3F99] =	sst lr;
	_ =	strace $0xD0000000  }
0x3: {  	_ = 	snop  }
0x4: {  	_ = 	snop  }
0x5: {  	_ = 	snop  }
0x6: {  	_ = 	snop  }
0x7: {  	_ = 	snop  }
__scs_overlays_trampoline_lowered:
0x8: {  	[smem:$0x3FA8] =	sst s0  }
0x9: {  	[smem:$0x3FA9] =	sst s1  }
0xa: {  	[smem:$0x3FAA] =	sst s2  }
0xb: {  	[smem:$0x3FAB] =	sst s3  }
0xc: {  	[smem:$0x3FAC] =	sst s4  }
0xd: {  	[smem:$0x3FAD] =	sst s5  }
0xe: {  	[smem:$0x3FAE] =	sst s6  }
0xf: {  	[smem:$0x3FAF] =	sst s7  }
0x10: {  	[smem:$0x3FB0] =	sst s8  }
0x11: {  	[smem:$0x3FB1] =	sst s9;
	s0 =	simm.s32 @!p0 $0x0  }
0x12: {  	s1 =	sld [smem:$0x3F97];
	s0 =	simm.s32 @p0 $0x1  }
0x13: {  	[smem:$0x3FB2] =	sst s0;
	s0 =	simm.s32 @!p1 $0x0  }
0x14: {  	s2 =	sld [smem:$0x3F96];
	s0 =	simm.s32 @p1 $0x1  }
0x15: {  	[smem:$0x3FB3] =	sst s0;
	s0 =	simm.s32 @!p2 $0x0  }
0x16: {  	s3 =	sld [smem:$0x3FDB];
	s0 =	simm.s32 @p2 $0x1  }
0x17: {  	s4 =	simm.s32 $0x1BF5;
	[smem:$0x3FB5] =	sst s0  }
0x18: {  	s0 =	sld [smem:$0x3F98];
	_ =	swait.ge [sflag:s4], $0x0  }
0x19: {  	s7 =	sld [smem:$0x3F99]  }
0x1a: {  	s8 =	sadd.s32 $0xFFFFE003, lr  }
0x1b: {  	s9 =	sadd.s32 $0xFFFFFEF7, lr;
	s5 =	simm.s32 $0xFFFFFFFF;
	p2 =	slt.u32 s8, $0xFFFFF086  }
0x1c: {  	p1 =	slt.u32 s9, $0xF7A;
	s5 =	simm.s32 @!p2 $0x0  }
0x1d: {  	s5 =	simm.s32 @p1 $0x1;
	p0 =	seq.s32 s7, s2  }
0x1e: {  	s7 =	smul.u32 @!p0 $0xF7A, s2;
	p2 =	seq.s32 @!p0 s5, $0x0  }
0x1f: {  	s9 =	smul.u32 $0xF7A, s1;
	s8 =	simm.s32 @!p0 $0x1BF5;
	p2 =	por !p2, p0  }
0x20: {  	[sflag:s8] =	ssyncset.s32 @!p0 $0xFFFFF086;
	s6 =	sadd.s32 @!p0 s3, s7;
	s7 =	simm.s32 @!p0 $0x108  }
0x21: {  	s3 =	sadd.s32 s3, s9;
	s6 =	sadd.s32 @!p0 $0x88, s6;
	s7 =	simm.s32 @p2 $0x1082  }
0x22: {  	[simem:s7], [sflag:s8] =	dma.local @!p0 [hbm:s6], $0xF7A  }
0x23: {  	s9 =	sor.u32 $0xD0000000, s2;
	s6 =	simm.s32 $0x108;
	_ =	swait.ge @!p0 [sflag:s8], $0x0  }
0x24: {  	s3 =	sadd.s32 $0x88, s3;
	s6 =	simm.s32 @!p1 $0x1082;
	[sflag:s4] =	ssyncset.s32 $0xFFFFF086  }
0x25: {  	[simem:s6], [sflag:s4] =	dma.local [hbm:s3], $0xF7A  }
0x26: {  	[smem:$0x3F99] =	sst s1;
	(tag) =	ssettag s2;
	_ =	strace s9  }
0x27: {  	s1 =	sld [smem:$0x3FA9]  }
0x28: {  	s2 =	sld [smem:$0x3FAA]  }
0x29: {  	s4 =	sld [smem:$0x3FAC]  }
0x2a: {  	p0 =	seq.s32 s5, $0x0;
	s5 =	sld [smem:$0x3FAD]  }
0x2b: {  	s6 =	sld [smem:$0x3FAE]  }
0x2c: {  	s7 =	sld [smem:$0x3FAF]  }
0x2d: {  	s3 =	simm.s32 $0x108;
	s8 =	sld [smem:$0x3FB0]  }
0x2e: {  	s3 =	simm.s32 @!p0 $0x1082;
	s9 =	sld [smem:$0x3FB1]  }
0x2f: {  	lr =	sadd.s32 s0, s3;
	s0 =	sld [smem:$0x3FA8]  }
0x30: {  	s3 =	sld [smem:$0x3FAB]  }
0x31: {  	[smem:$0x3FB4] =	sst s10  }
0x32: {  	s10 =	sld [smem:$0x3FB2];
	_ =	sdelay $0x3  }
0x33: {  	p0 =	seq.s32 s10, $0x1;
	s10 =	sld [smem:$0x3FB4];
	_ =	sdelay $0x3  }
0x34: {  	[smem:$0x3FB4] =	sst s10  }
0x35: {  	s10 =	sld [smem:$0x3FB3];
	_ =	sdelay $0x3  }
0x36: {  	p1 =	seq.s32 s10, $0x1;
	s10 =	sld [smem:$0x3FB4];
	_ =	sdelay $0x3  }
0x37: {  	[smem:$0x3FB4] =	sst s10  }
0x38: {  	s10 =	sld [smem:$0x3FB5]  }
0x39: {  	_ = 	snop;
	(pc) =	sbr.ind lr, $3  }
0x3a: {  	_ = 	snop  }
0x3b: {  	_ = 	snop  }
0x3c: {  	p2 =	seq.s32 s10, $0x1;
	s10 =	sld [smem:$0x3FB4]  }
0x3d: {  	_ =	shalt  }
0x3e: {  	_ =	shalt  }
0x3f: {  	_ =	shalt  }
0x40: {  	_ =	shalt  }
0x41: {  	_ =	shalt  }
0x42: {  	_ =	shalt  }
0x43: {  	_ =	shalt  }
0x44: {  	_ =	shalt  }
0x45: {  	_ =	shalt  }
0x46: {  	_ =	shalt  }
0x47: {  	_ =	shalt  }
0x48: {  	_ =	shalt  }
0x49: {  	_ =	shalt  }
0x4a: {  	_ =	shalt  }
0x4b: {  	_ =	shalt  }
0x4c: {  	_ =	shalt  }
0x4d: {  	_ =	shalt  }
0x4e: {  	_ =	shalt  }
0x4f: {  	_ =	shalt  }
0x50: {  	_ =	shalt  }
0x51: {  	_ =	shalt  }
0x52: {  	_ =	shalt  }
0x53: {  	_ =	shalt  }
0x54: {  	_ =	shalt  }
0x55: {  	_ =	shalt  }
0x56: {  	_ =	shalt  }
0x57: {  	_ =	shalt  }
0x58: {  	_ =	shalt  }
0x59: {  	_ =	shalt  }
0x5a: {  	_ =	shalt  }
0x5b: {  	_ =	shalt  }
0x5c: {  	_ =	shalt  }
0x5d: {  	_ =	shalt  }
0x5e: {  	_ =	shalt  }
0x5f: {  	_ =	shalt  }
0x60: {  	_ =	shalt  }
0x61: {  	_ =	shalt  }
0x62: {  	_ =	shalt  }
0x63: {  	_ =	shalt  }
0x64: {  	_ =	shalt  }
0x65: {  	_ =	shalt  }
0x66: {  	_ =	shalt  }
0x67: {  	_ =	shalt  }
0x68: {  	_ =	shalt  }
0x69: {  	_ =	shalt  }
0x6a: {  	_ =	shalt  }
0x6b: {  	_ =	shalt  }
0x6c: {  	_ =	shalt  }
0x6d: {  	_ =	shalt  }
0x6e: {  	_ =	shalt  }
0x6f: {  	_ =	shalt  }
0x70: {  	_ =	shalt  }
0x71: {  	_ =	shalt  }
0x72: {  	_ =	shalt  }
0x73: {  	_ =	shalt  }
0x74: {  	_ =	shalt  }
0x75: {  	_ =	shalt  }
0x76: {  	_ =	shalt  }
0x77: {  	_ =	shalt  }
0x78: {  	_ =	shalt  }
0x79: {  	_ =	shalt  }
0x7a: {  	_ =	shalt  }
0x7b: {  	_ =	shalt  }
0x7c: {  	_ =	shalt  }
0x7d: {  	_ =	shalt  }
0x7e: {  	_ =	shalt  }
0x7f: {  	_ =	shalt  }
0x80: {  	_ =	shalt  }
0x81: {  	_ =	shalt  }
0x82: {  	_ =	shalt  }
0x83: {  	_ =	shalt  }
0x84: {  	_ =	shalt  }
0x85: {  	_ =	shalt  }
0x86: {  	_ =	shalt  }
0x87: {  	_ =	shalt  }
.Lfunc_end0:
.L_simem_size_0:
called_computation_lowered:
.L_overlay_start_0:
0x88: {  	s2 =	sld [smem:$0x3FD9]  }
0x89: {  	s3 =	sld [smem:$0x3FFE];
	_ =	sdelay $0x1  }
0x8a: {  	s1 =	srdreg.scid  }
0x8b: {  	s0 =	sand.u32 $0x1, s1  }
0x8c: {  	s16 =	sshll.u32 s0, $0xA;
	s2 =	sadd.s32 s3, s2  }
0x8d: {  	s2 =	sadd.s32 s2, s16  }
0x8e: {  	[smem:$0x3FC0] =	sst s2  }
0x8f: {  	_ = 	snop  }
0x90: {  	(tm) =	ssettm $0x1  }
0x91: {  	s17 =	sld [smem:$0x3FFB];
	_ =	sdelay $0x3  }
0x92: {  	_ =	strace s17  }
0x93: {  	s2 =	sld [smem:$0x3FFC];
	_ =	sdelay $0x3  }
0x94: {  	_ =	strace s2  }
0x95: {  	s2 =	sld [smem:$0x3FFD];
	_ =	sdelay $0x3  }
0x96: {  	_ =	strace s2  }
0x97: {  	_ =	strace $0x8FFFFFFF  }
0x98: {  	s18 =	sld [smem:$0x3FDB];
	_ =	sdelay $0x1  }
0x99: {  	s19 =	simm.s32 $_scs_section_size  }
0x9a: {  	s4 =	simm.s32 $_size__tile_overlayer_lowered;
	s5 =	simm.s32 $_tile_overlayer_lowered  }
0x9b: {  	s22 =	simm.s32 $0x1BFF;
	s21 =	sshll.u32 s5, $0x1;
	s2 =	sadd.s32 s19, s18  }
0x9c: {  	s6 =	simm.s32 $0x0;
	s20 =	sshll.u32 s4, $0x1;
	s4 =	sadd.s32 s21, s2  }
0x9d: {  	[timem:s6], [sflag:s22] =	dma.local [hbm:s4], s20  }
0x9e: {  	_ =	swait.ge [sflag:s22], s20  }
0x9f: {  	s3 =	ssub.s32 $0x0, s20;
	[sflag:s22] =	ssyncset.done $0x0  }
0xa0: {  	[sflag:s22] =	ssyncadd.s32 s3;
	_ =	sdelay $0x1  }
0xa1: {  	s23 =	simm.s32 $0x1B8B  }
0xa2: {  	_ =	swait.ge [sflag:s23], $0x1  }
0xa3: {  	[sflag:s23] =	ssyncset.done $0x0  }
0xa4: {  	s25 =	simm.s32 $0x1B8E;
	s24 =	sld [smem:$0x3FFE];
	[sflag:s23] =	ssyncadd.s32 $0xFFFFFFFF  }
0xa5: {  	s26 =	simm.s32 $execute0_lowered;
	[smem:$0x3FD2] =	sst s25  }
0xa6: {  	s4 =	sshll.u32 s26, $0x1;
	_ =	strace $0x80000046;
	[dreg:$0x1] =	wrdreg $0xFFFFFFFF  }
0xa7: {  	s28 =	simm.s32 $_size_execute0_lowered;
	s2 =	sadd.s32 s2, s4;
	[dreg:$0x0] =	wrdreg $0x0  }
0xa8: {  	s4 =	sshll.u32 s28, $0x1;
	[dreg:$0x2] =	wrdreg s2  }
0xa9: {  	[dreg:$0x3] =	wrdreg s4  }
0xaa: {  	[dreg:$0x4] =	wrdreg $0xC0  }
0xab: {  	_ =	task [dreg:s6], $0x5FFFF  }
0xac: {  	[dreg:$0x1] =	wrdreg $0xFFFFFFFF  }
0xad: {  	[dreg:$0x0] =	wrdreg $0x60  }
0xae: {  	[dreg:$0x2] =	wrdreg s24  }
0xaf: {  	[dreg:$0x3] =	wrdreg $0x0  }
0xb0: {  	[dreg:$0x4] =	wrdreg $0x9  }
0xb1: {  	_ =	task.clear_ibuf [dreg:s6], $0x5FFFF;
	_ =	strace $0x90000046  }
0xb2: {  	s29 =	simm.s32 $0x9;
	_ =	strace $0x80000048  }
0xb3: {  	_ =	swait.ge [sflag:s29], $0x1  }
0xb4: {  	[sflag:s29] =	ssyncadd.s32 $0xFFFFFFFF  }
0xb5: {  	_ =	strace $0x90000048  }
0xb6: {  	_ =	sfence  }
0xb7: {  	s30 =	sld [smem:$0x0];
	_ =	sdelay $0x2  }
0xb8: {  	s31 =	sshll.u32 s1, $0xD;
	s1 =	sshrl.u32 s1, $0x2  }
0xb9: {  	s3 =	sand.u32 $0x4000, s31;
	s1 =	sadd.s32 s1, s30  }
0xba: {  	s0 =	sor.u32 s3, s0;
	s1 =	sshll.u32 s1, $0x11  }
0xbb: {  	s0 =	sor.u32 s1, s0  }
0xbc: {  	s0 =	sadd.s32 $0x8F2B, s0  }
0xbd: {  	[sflag:s0] =	ssyncadd.remote.s32 $0x1  }
0xbe: {  	_ =	sfence.sel $0xFFFF  }
0xbf: {  	[dreg:$0x0] =	wrdreg $0xFFFFFFFF;
	(pc) =	sbr.abs _section_cstart, $3  }
0xc0: {  	[dreg:$0x1] =	wrdreg $0xFFFFFFFF  }
0xc1: {  	_ =	task.clear_ibuf [dreg:s6], $0x2FFFF;
	_ =	strace $0x9FFFFFFF  }
0xc2: {  	(tm) =	ssettm $0x7FFFFFFF  }
0xc3: {  	_ =	shalt  }
tec
execute0_lowered:
.L_overlay_start_1:
0x0: {  	(tag) =	ssettag $0x1  }
0x1: {  	s5 =	rddreg [dreg:$0x0]  }
0x2: {  	s2 =	rddreg [dreg:$0x1]  }
0x3: {  	s0 =	srdreg.scid;
	s1 =	rddreg [dreg:$0x2]  }
0x4: {  	s3 =	simm.s32 $0x0;
	s12 =	simm.s32 $0x13880;
	s6 =	sand.u32 $0x1, s0  }
0x5: {  	s13 =	simm.s32 $0x50;
	s0 =	stileid.u32;
	s4 =	smul.u32 $0x27100, s6  }
0x6: {  	s14 =	simm.s32 $0x0;
	[smem:$0x7FF] =	sst s3;
	s7 =	smul.u32 $0x2710, s0  }
0x7: {  	s30 =	ssub.s32 $0x2, s6;
	_ =	strace $0x80000047;
	s31 =	smul.u32 $0x50000, s0  }
0x8: {  	p0 =	seq.s32 s0, $0xF;
	s10 =	smul.u32 $0x138800, s6;
	s9 =	sshrl.u32 s30, $0x1  }
0x9: {  	s11 =	smul.u32 $0x14000, s0;
	s4 =	sadd.s32 s7, s4;
	s7 =	ssub.s32 s30, s9  }
0xa: {  	s9 =	sshrl.u32 s31, $0x2;
	s4 =	sshrl.u32 s4, $0x3;
	s6 =	smax.u32 s7, $0x1  }
0xb: {  	s7 =	sadd.s32 s9, s2;
	s9 =	sadd.s32 s11, s10;
	s10 =	simm.s32 $0x13900  }
0xc: {  	s8 =	sadd.s32 s4, s5;
	s4 =	sadd.s32 $0xC600, s5;
	s5 =	simm.s32 $0x5  }
0xd: {  	v0 =	vimm.f32 $0.0e+00;
	v1 =	vimm.f32 $1.000000000e+00;
	s11 =	simm.s32 $0x1;
	s5 =	simm.s32 @!p0 $0x8;
	s8 =	sadd.s32 $0x2800, s8  }
.LBB2_1:
0xe: {  	s15 =	simm.s32 $0x13980  }
0xf: {  	[tilespmem:s15+$0xFFFFFF80] =	vst v0  }
0x10: {  	[tilespmem:s15+$0x70] =	vst v0  }
0x11: {  	[tilespmem:s15+$0x60] =	vst v0  }
0x12: {  	[tilespmem:s15+$0x50] =	vst v0  }
0x13: {  	[tilespmem:s15+$0x40] =	vst v0  }
0x14: {  	[tilespmem:s15+$0x30] =	vst v0  }
0x15: {  	[tilespmem:s15+$0x20] =	vst v0  }
0x16: {  	[tilespmem:s15+$0x10] =	vst v0  }
0x17: {  	[tilespmem:s15+$0x0] =	vst v0  }
0x18: {  	[tilespmem:s15+$0xFFFFFFF0] =	vst v0  }
0x19: {  	[tilespmem:s15+$0xFFFFFFE0] =	vst v0  }
0x1a: {  	[tilespmem:s15+$0xFFFFFFD0] =	vst v0  }
0x1b: {  	[tilespmem:s15+$0xFFFFFFC0] =	vst v0  }
0x1c: {  	[tilespmem:s15+$0xFFFFFFB0] =	vst v0  }
0x1d: {  	s16 =	simm.s32 $0x0;
	[tilespmem:s15+$0xFFFFFFA0] =	vst v0  }
.LBB2_2:
0x1e: {  	s16 =	sadd.s32 $0x2, s16;
	[tilespmem:s15+$0xFFFFFF90] =	vst v0;
	s15 =	sadd.s32 $0x100, s15  }
0x1f: {  	[tilespmem:s15+$0xFFFFFF80] =	vst v0;
	p0 =	slt.u32 s16, $0x4E  }
0x20: {  	[tilespmem:s15+$0x70] =	vst v0  }
0x21: {  	[tilespmem:s15+$0x60] =	vst v0  }
0x22: {  	[tilespmem:s15+$0x50] =	vst v0  }
0x23: {  	[tilespmem:s15+$0x40] =	vst v0  }
0x24: {  	[tilespmem:s15+$0x30] =	vst v0  }
0x25: {  	[tilespmem:s15+$0x20] =	vst v0  }
0x26: {  	[tilespmem:s15+$0x10] =	vst v0  }
0x27: {  	[tilespmem:s15+$0x0] =	vst v0  }
0x28: {  	[tilespmem:s15+$0xFFFFFFF0] =	vst v0  }
.Ltmp0:
0x29: {  	[tilespmem:s15+$0xFFFFFFE0] =	vst v0;
	(pc) =	sbr.rel @p0 .LBB2_2-.Ltmp0, $4  }
0x2a: {  	[tilespmem:s15+$0xFFFFFFD0] =	vst v0  }
0x2b: {  	[tilespmem:s15+$0xFFFFFFC0] =	vst v0  }
0x2c: {  	[tilespmem:s15+$0xFFFFFFB0] =	vst v0  }
0x2d: {  	[tilespmem:s15+$0xFFFFFFA0] =	vst v0  }
0x2e: {  	p0 =	sne.s32 s5, $0x1  }
.Ltmp1:
0x2f: {  	_ = 	snop;
	(pc) =	sbr.rel @!p0 .LBB2_5-.Ltmp1, $4  }
0x30: {  	[tilespmem:s15+$0xFFFFFF90] =	vst v0  }
0x31: {  	[spmem:s7] =	stream.linear.scatter [tilespmem:s10], [sflag:$0x1], $0x2800, $0x38;
	[tilespmem:$0x16100] =	vst v63  }
0x32: {  	_ =	swait.ge [sflag:s11], $0x2800  }
0x33: {  	s15 =	sadd.s32 $0xFFFFFFFF, s5;
	s16 =	smov.u32 s7;
	[sflag:s11] =	ssyncset.done $0x0  }
.LBB2_4:
0x34: {  	p1 =	sne.s32 s15, $0x1;
	[sflag:s11] =	ssyncadd.s32 $0xFFFFD800;
	s16 =	sadd.s32 $0x2800, s16  }
.Ltmp2:
0x35: {  	s15 =	sadd.s32 $0xFFFFFFFF, s15;
	(pc) =	sbr.rel @p1 .LBB2_4-.Ltmp2, $4  }
0x36: {  	_ = 	snop  }
0x37: {  	[spmem:s16] =	stream.linear.scatter [tilespmem:s10], [sflag:$0x1], $0x2800, $0x38;
	[tilespmem:$0x16100] =	vst v63  }
0x38: {  	_ =	swait.ge [sflag:s11], $0x2800  }
0x39: {  	[sflag:s11] =	ssyncset.done $0x0  }
.LBB2_5:
0x3a: {  	[sflag:s11] =	ssyncadd.s32 $0xFFFFD800  }
0x3b: {  	s15 =	simm.s32 $0x13980;
	[bflag:$0x0] =	sbarrier.arrive $0xFFFF  }
0x3c: {  	[tilespmem:s15+$0xFFFFFF80] =	vst v1  }
0x3d: {  	[tilespmem:s15+$0x70] =	vst v1  }
0x3e: {  	[tilespmem:s15+$0x60] =	vst v1  }
0x3f: {  	[tilespmem:s15+$0x50] =	vst v1  }
0x40: {  	[tilespmem:s15+$0x40] =	vst v1  }
0x41: {  	[tilespmem:s15+$0x30] =	vst v1  }
0x42: {  	[tilespmem:s15+$0x20] =	vst v1  }
0x43: {  	[tilespmem:s15+$0x10] =	vst v1  }
0x44: {  	[tilespmem:s15+$0x0] =	vst v1  }
0x45: {  	[tilespmem:s15+$0xFFFFFFF0] =	vst v1  }
0x46: {  	[tilespmem:s15+$0xFFFFFFE0] =	vst v1  }
0x47: {  	[tilespmem:s15+$0xFFFFFFD0] =	vst v1  }
0x48: {  	[tilespmem:s15+$0xFFFFFFC0] =	vst v1  }
0x49: {  	[tilespmem:s15+$0xFFFFFFB0] =	vst v1  }
0x4a: {  	s16 =	simm.s32 $0x0;
	[tilespmem:s15+$0xFFFFFFA0] =	vst v1  }
.LBB2_6:
0x4b: {  	s16 =	sadd.s32 $0x2, s16;
	[tilespmem:s15+$0xFFFFFF90] =	vst v1;
	s15 =	sadd.s32 $0x100, s15  }
0x4c: {  	[tilespmem:s15+$0xFFFFFF80] =	vst v1;
	p1 =	slt.u32 s16, $0x4E  }
0x4d: {  	[tilespmem:s15+$0x70] =	vst v1  }
0x4e: {  	[tilespmem:s15+$0x60] =	vst v1  }
0x4f: {  	[tilespmem:s15+$0x50] =	vst v1  }
0x50: {  	[tilespmem:s15+$0x40] =	vst v1  }
0x51: {  	[tilespmem:s15+$0x30] =	vst v1  }
0x52: {  	[tilespmem:s15+$0x20] =	vst v1  }
0x53: {  	[tilespmem:s15+$0x10] =	vst v1  }
0x54: {  	[tilespmem:s15+$0x0] =	vst v1  }
0x55: {  	[tilespmem:s15+$0xFFFFFFF0] =	vst v1  }
.Ltmp3:
0x56: {  	[tilespmem:s15+$0xFFFFFFE0] =	vst v1;
	(pc) =	sbr.rel @p1 .LBB2_6-.Ltmp3, $4  }
0x57: {  	[tilespmem:s15+$0xFFFFFFD0] =	vst v1  }
0x58: {  	[tilespmem:s15+$0xFFFFFFC0] =	vst v1  }
0x59: {  	[tilespmem:s15+$0xFFFFFFB0] =	vst v1  }
0x5a: {  	[tilespmem:s15+$0xFFFFFFA0] =	vst v1  }
0x5b: {  	[tilespmem:s15+$0xFFFFFF90] =	vst v1;
	s31 =	sadd.s32 $0x0, s8  }
0x5c: {  	[tilespmem:s12], [sflag:$0x1] =	stream.linear.gather [hbm4b:s31+s3], $0x50, $0x38;
	[tilespmem:$0x16100] =	vst v63  }
0x5d: {  	_ =	swait.ge [sflag:s11], $0x50  }
0x5e: {  	[sflag:s11] =	ssyncset.done $0x0  }
0x5f: {  	[sflag:s11] =	ssyncadd.s32 $0xFFFFFFB0  }
0x60: {  	[spmem:s2] =	stream.indirect.scatter.add.f32 [tilespmem:s10], [sflag:$0x1], $0x80, s12, s13, $0xb8;
	[tilespmem:$0x16100] =	vst v63  }
0x61: {  	_ =	swait.ge [sflag:s11], $0x2800  }
0x62: {  	s15 =	simm.s32 $0xA;
	s16 =	simm.s32 $0x14;
	[sflag:s11] =	ssyncset.done $0x0  }
.LBB2_8:
0x63: {  	s17 =	sadd.s32 s15, s8  }
0x64: {  	[sflag:s11] =	ssyncadd.s32 $0xFFFFD800;
	s15 =	smov.u32 s16;
	s18 =	sadd.s32 $0xA, s16  }
0x65: {  	[tilespmem:s12], [sflag:$0x1] =	stream.linear.gather [hbm4b:s17+s3], $0x50, $0x38;
	[tilespmem:$0x16100] =	vst v63  }
0x66: {  	p1 =	sne.s32 s16, $0x4D8;
	_ =	swait.ge [sflag:s11], $0x50  }
.Ltmp4:
0x67: {  	[sflag:s11] =	ssyncset.done $0x0;
	(pc) =	sbr.rel @p1 .LBB2_8-.Ltmp4, $4  }
0x68: {  	[sflag:s11] =	ssyncadd.s32 $0xFFFFFFB0  }
0x69: {  	[spmem:s2] =	stream.indirect.scatter.add.f32 [tilespmem:s10], [sflag:$0x1], $0x80, s12, s13, $0xb8;
	[tilespmem:$0x16100] =	vst v63  }
0x6a: {  	_ =	swait.ge [sflag:s11], $0x2800  }
0x6b: {  	s16 =	smov.u32 s18;
	[sflag:s11] =	ssyncset.done $0x0  }
0x6c: {  	s15 =	sadd.s32 s15, s8;
	[sflag:s11] =	ssyncadd.s32 $0xFFFFD800  }
0x6d: {  	[tilespmem:s12], [sflag:$0x1] =	stream.linear.gather [hbm4b:s15+s3], $0x50, $0x38;
	[tilespmem:$0x16100] =	vst v63  }
0x6e: {  	_ =	swait.ge [sflag:s11], $0x50  }
0x6f: {  	[sflag:s11] =	ssyncset.done $0x0  }
0x70: {  	[sflag:s11] =	ssyncadd.s32 $0xFFFFFFB0  }
0x71: {  	[spmem:s2] =	stream.indirect.scatter.add.f32 [tilespmem:s10], [sflag:$0x1], $0x80, s12, s13, $0xb8;
	[tilespmem:$0x16100] =	vst v63  }
0x72: {  	_ =	swait.ge [sflag:s11], $0x2800  }
0x73: {  	[sflag:s11] =	ssyncset.done $0x0  }
0x74: {  	[sflag:s11] =	ssyncadd.s32 $0xFFFFD800  }
0x75: {  	[bflag:$0x0] =	sbarrier.arrive $0xFFFF  }
0x76: {  	[tilespmem:s10], [sflag:$0x1] =	stream.linear.gather [spmem:s7], $0x2800, $0x38;
	[tilespmem:$0x16100] =	vst v63  }
0x77: {  	_ =	swait.ge [sflag:s11], $0x2800  }
.Ltmp5:
0x78: {  	s31 =	sshrl.u32 s9, $0x3;
	[sflag:s11] =	ssyncset.done $0x0;
	(pc) =	sbr.rel @!p0 .LBB2_11-.Ltmp5, $4  }
0x79: {  	s15 =	sadd.s32 s4, s31;
	[sflag:s11] =	ssyncadd.s32 $0xFFFFD800  }
0x7a: {  	[hbm4b:s15+s3] =	stream.linear.scatter [tilespmem:s10], [sflag:$0x1], $0x2800, $0x38;
	[tilespmem:$0x16100] =	vst v63  }
0x7b: {  	s16 =	smov.u32 s9;
	_ =	swait.ge [sflag:s11], $0x2800  }
0x7c: {  	s17 =	smov.u32 s7;
	s15 =	sadd.s32 $0xFFFFFFFF, s5;
	[sflag:s11] =	ssyncset.done $0x0  }
.LBB2_10:
0x7d: {  	[sflag:s11] =	ssyncadd.s32 $0xFFFFD800;
	s16 =	sadd.s32 $0x2800, s16;
	s17 =	sadd.s32 $0x2800, s17  }
0x7e: {  	[tilespmem:s10], [sflag:$0x1] =	stream.linear.gather [spmem:s17], $0x2800, $0x38;
	[tilespmem:$0x16100] =	vst v63  }
0x7f: {  	p0 =	sne.s32 s15, $0x1;
	s15 =	sadd.s32 $0xFFFFFFFF, s15;
	_ =	swait.ge [sflag:s11], $0x2800  }
.Ltmp6:
0x80: {  	s18 =	sshrl.u32 s16, $0x3;
	[sflag:s11] =	ssyncset.done $0x0;
	(pc) =	sbr.rel @p0 .LBB2_10-.Ltmp6, $4  }
0x81: {  	s18 =	sadd.s32 s4, s18;
	[sflag:s11] =	ssyncadd.s32 $0xFFFFD800  }
0x82: {  	[hbm4b:s18+s3] =	stream.linear.scatter [tilespmem:s10], [sflag:$0x1], $0x2800, $0x38;
	[tilespmem:$0x16100] =	vst v63  }
0x83: {  	_ =	swait.ge [sflag:s11], $0x2800  }
0x84: {  	[sflag:s11] =	ssyncset.done $0x0  }
.LBB2_11:
0x85: {  	s14 =	sadd.s32 $0x1, s14  }
0x86: {  	p0 =	sne.s32 s14, s6  }
.Ltmp7:
0x87: {  	_ = 	snop;
	(pc) =	sbr.rel @p0 .LBB2_1-.Ltmp7, $2  }
0x88: {  	_ =	sdelay $0x2  }
0x89: {  	[sflag:s11] =	ssyncadd.s32 $0xFFFFD800  }
0x8a: {  	_ =	sfence.sel $0x180000  }
0x8b: {  	[bflag:$0x0] =	sbarrier.arrive $0xFFFF  }
0x8c: {  	p0 =	sne.s32 s0, $0x0;
	_ =	strace $0x90000047  }
0x8d: {  	s0 =	sadd.s32 @!p0 $0x100000, s1;
	[bflag:$0x2] =	sbarrier.arrive $0xFFFF  }
0x8e: {  	[sflag:s0] =	ssyncadd.tile.s32 @!p0 $0x1;
	_ =	shalt  }
.Lfunc_end2:
_tile_overlayer_lowered:
.L_overlay_start_2:
0x8f: {  	(tag) =	ssettag $0x2  }
0x90: {  	s0 =	rddreg [dreg:$0x0];
	s2 =	stileid.u32  }
0x91: {  	s1 =	rddreg [dreg:$0x1];
	p0 =	sne.s32 s2, $0x0  }
0x92: {  	s3 =	rddreg [dreg:$0x2];
	[bflag:$0x3] =	sbarrier.arrive $0xFFFF;
	s2 =	simm.s32 @!p0 $0x1C01  }
0x93: {  	[timem:s3], [sflag:s2] =	dma.local @!p0 [hbm:s0], s1  }
0x94: {  	s0 =	simm.s32 @!p0 $0x1  }
0x95: {  	_ =	swait.ge @!p0 [sflag:s0], s1  }
0x96: {  	s1 =	ssub.s32 @!p0 $0x0, s1;
	[sflag:s0] =	ssyncset.done @!p0 $0x0  }
0x97: {  	[sflag:s0] =	ssyncadd.s32 @!p0 s1  }
0x98: {  	[bflag:$0x3] =	sbarrier.arrive $0xFFFF  }
0x99: {  	_ =	shalt  }

</sc_bundles>
